<compile_context>
chip_gen: v7x
topology: tpu7x:2x2x1
jax: 0.10.2.dev20260603
libtpu: 0.0.44.dev20260713+nightly
codegen_flags: <defaults>
</compile_context>

<pallas_src>
import functools

import jax
import jax.numpy as jnp
from jax import lax
from jax.experimental import pallas as pl
from jax.experimental.pallas import tpu as pltpu
from jax.experimental.pallas import tpu_sc as plsc

_N = 100000
_E = 6400000
_GES = 8

_NW = 32
_EW = _E // _NW
_C = 8000
_NCHUNK = _EW // _C
_NPAD = 102400
_SLICE = _NPAD // 16

def _make_edge_agg():
    mesh = plsc.VectorSubcoreMesh(core_axis_name="c", subcore_axis_name="s")

    @functools.partial(
        pl.kernel,
        out_type=(
            jax.ShapeDtypeStruct((_NPAD,), jnp.float32),
            jax.ShapeDtypeStruct((_NPAD,), jnp.float32),
        ),
        mesh=mesh,
        scratch_types=[
            pltpu.VMEM((_C,), jnp.int32),
            pltpu.VMEM((_C,), jnp.int32),
            pltpu.VMEM((_C,), jnp.int32),
            pltpu.VMEM((_C,), jnp.int32),
            pltpu.VMEM((_C,), jnp.float32),
            pltpu.VMEM((_C,), jnp.float32),
            pltpu.VMEM((_C,), jnp.float32),
            pltpu.VMEM((_C,), jnp.float32),
            pltpu.VMEM_SHARED((_NPAD,), jnp.float32),
            pltpu.VMEM_SHARED((_NPAD,), jnp.float32),
            pltpu.SemaphoreType.DMA,
            pltpu.SemaphoreType.DMA,
            pltpu.SemaphoreType.DMA,
        ],
    )
    def edge_agg(g_hbm, src_hbm, dst_hbm, attr_hbm, out0_hbm, out1_hbm,
                 src0, src1, dst0, dst1, attr0, attr1, msg0, msg1,
                 acc_sh, g_sh, lin0, lin1, ga):
        c = lax.axis_index("c")
        s = lax.axis_index("s")
        wid = s * 2 + c
        ebase = wid * _EW
        SRC = [src0, src1]
        DST = [dst0, dst1]
        ATTR = [attr0, attr1]
        MSG = [msg0, msg1]
        LIN = [lin0, lin1]

        pltpu.sync_copy(g_hbm.at[pl.ds(s * _SLICE, _SLICE)],
                        msg0.at[pl.ds(0, _SLICE)])
        pltpu.sync_copy(msg0.at[pl.ds(0, _SLICE)],
                        g_sh.at[pl.ds(s * _SLICE, _SLICE)])

        @functools.partial(plsc.parallel_loop, 0, _SLICE // 16 + 1)
        def _zero(i):
            msg0[pl.ds(i * 16, 16)] = jnp.zeros((16,), jnp.float32)

        pltpu.sync_copy(msg0.at[pl.ds(0, _SLICE)],
                        acc_sh.at[pl.ds(s * _SLICE, _SLICE)])
        plsc.subcore_barrier()

        def _lin_start(k, b):
            base = pl.multiple_of(ebase + k * _C, 8)
            pltpu.async_copy(src_hbm.at[pl.ds(base, _C)], SRC[b], LIN[b])
            pltpu.async_copy(attr_hbm.at[pl.ds(base, _C)], ATTR[b], LIN[b])
            pltpu.async_copy(dst_hbm.at[pl.ds(base, _C)], DST[b], LIN[b])

        def _lin_wait(k, b):
            base = pl.multiple_of(ebase + k * _C, 8)
            pltpu.make_async_copy(src_hbm.at[pl.ds(base, _C)], SRC[b], LIN[b]).wait()
            pltpu.make_async_copy(attr_hbm.at[pl.ds(base, _C)], ATTR[b], LIN[b]).wait()
            pltpu.make_async_copy(dst_hbm.at[pl.ds(base, _C)], DST[b], LIN[b]).wait()

        def _substep(k, b, issue_next):
            _lin_wait(k, b)
            if issue_next:
                _lin_start(k + 1, 1 - b)


        _lin_start(0, 0)
        _substep(0, 0, issue_next=True)

        def _pair(j, carry):
            _substep(2 * j + 1, 1, issue_next=True)
            _substep(2 * j + 2, 0, issue_next=True)
            return carry

        lax.fori_loop(0, (_NCHUNK - 3) // 2, _pair, 0)

        _substep(_NCHUNK - 2, 1, issue_next=True)
        _substep(_NCHUNK - 1, 0, issue_next=False)
        plsc.subcore_barrier()

        def _drain(out_hbm):
            pltpu.sync_copy(acc_sh.at[pl.ds(s * _SLICE, _SLICE)],
                            msg0.at[pl.ds(0, _SLICE)])
            pltpu.sync_copy(msg0.at[pl.ds(0, _SLICE)],
                            out_hbm.at[pl.ds(s * _SLICE, _SLICE)])

        @pl.when(c == 0)
        def _():
            _drain(out0_hbm)

        @pl.when(c == 1)
        def _():
            _drain(out1_hbm)

    return edge_agg


_edge_agg_impl = None


def _edge_agg(g, src, dst, attr):
    global _edge_agg_impl
    if _edge_agg_impl is None:
        _edge_agg_impl = _make_edge_agg()
    return _edge_agg_impl(g, src, dst, attr)


_BL = 10240
_BR = _BL // 128
_NR = _NPAD // 128
_TGRID = _NPAD // _BL


def _mlp1_t(xt, W1aT, b1a, W1bT, b1b, W1cT, b1c):
    h = jnp.maximum(jnp.dot(W1aT, xt, preferred_element_type=jnp.float32) + b1a, 0.0)
    h = jnp.maximum(jnp.dot(W1bT, h, preferred_element_type=jnp.float32) + b1b, 0.0)
    z = jnp.dot(W1cT, h, preferred_element_type=jnp.float32) + b1c
    return 1.0 / (1.0 + jnp.exp(-z))


def _node_gate_body(x_ref, W1aT, b1a, W1bT, b1b, W1cT, b1c, g_ref):
    g = _mlp1_t(x_ref[...], W1aT[...], b1a[...], W1bT[...], b1b[...],
                W1cT[...], b1c[...])
    g_ref[...] = g.reshape(_BR, 128)


def _mlp2_t(x9, agg, W2aT, b2a, W2bT, b2b):
    tmp = jnp.concatenate([x9, agg], axis=0)
    c1 = jnp.maximum(jnp.dot(W2aT, tmp, preferred_element_type=jnp.float32) + b2a, 0.0)
    return jnp.maximum(jnp.dot(W2bT, c1, preferred_element_type=jnp.float32) + b2b, 0.0)


def _node_update_body(x_ref, p0_ref, p1_ref, W2aT, b2a, W2bT, b2b,
                      W1aT, b1a, W1bT, b1b, W1cT, b1c, xn_ref, g_ref):
    agg = (p0_ref[...] + p1_ref[...]).reshape(1, _BL)
    c2 = _mlp2_t(x_ref[0:9, :], agg, W2aT[...], b2a[...], W2bT[...], b2b[...])
    xn = jnp.concatenate(
        [x_ref[0:1, :], c2, jnp.zeros((7, c2.shape[1]), jnp.float32)], axis=0)
    xn_ref[...] = xn
    g = _mlp1_t(xn, W1aT[...], b1a[...], W1bT[...], b1b[...],
                W1cT[...], b1c[...])
    g_ref[...] = g.reshape(_BR, 128)


def _node_final_body(x_ref, p0_ref, p1_ref, W2aT, b2a, W2bT, b2b,
                     Wh1T, bh1, Wh2T, bh2, out_ref):
    agg = (p0_ref[...] + p1_ref[...]).reshape(1, _BL)
    c2 = _mlp2_t(x_ref[0:9, :], agg, W2aT[...], b2a[...], W2bT[...], b2b[...])
    h = jnp.maximum(jnp.dot(Wh1T[...], c2, preferred_element_type=jnp.float32) + bh1[...], 0.0)
    z = jnp.dot(Wh2T[...], h, preferred_element_type=jnp.float32) + bh2[...]
    out_ref[...] = (1.0 / (1.0 + jnp.exp(-z))).reshape(_BR, 128)


def _col_spec(rows):
    return pl.BlockSpec((rows, _BL), lambda i: (0, i))


def _pk_spec():
    return pl.BlockSpec((_BR, 128), lambda i: (i, 0))


def _full_spec(shape):
    ndim = len(shape)
    return pl.BlockSpec(shape, lambda i: (0,) * ndim)


def _wspecs(*ws):
    return [_full_spec(w.shape) for w in ws]


def _node_gate(xt, W1aT, b1a, W1bT, b1b, W1cT, b1c):
    return pl.pallas_call(
        _node_gate_body,
        grid=(_TGRID,),
        in_specs=[_col_spec(16)] + _wspecs(W1aT, b1a, W1bT, b1b, W1cT, b1c),
        out_specs=_pk_spec(),
        out_shape=jax.ShapeDtypeStruct((_NR, 128), jnp.float32),
    )(xt, W1aT, b1a, W1bT, b1b, W1cT, b1c)


def _node_update(xt, p0, p1, W2aT, b2a, W2bT, b2b, W1aT, b1a, W1bT, b1b, W1cT, b1c):
    return pl.pallas_call(
        _node_update_body,
        grid=(_TGRID,),
        in_specs=[_col_spec(16), _pk_spec(), _pk_spec()]
        + _wspecs(W2aT, b2a, W2bT, b2b, W1aT, b1a, W1bT, b1b, W1cT, b1c),
        out_specs=[_col_spec(16), _pk_spec()],
        out_shape=[
            jax.ShapeDtypeStruct((16, _NPAD), jnp.float32),
            jax.ShapeDtypeStruct((_NR, 128), jnp.float32),
        ],
    )(xt, p0, p1, W2aT, b2a, W2bT, b2b, W1aT, b1a, W1bT, b1b, W1cT, b1c)


def _node_final(xt, p0, p1, W2aT, b2a, W2bT, b2b, Wh1T, bh1, Wh2T, bh2):
    return pl.pallas_call(
        _node_final_body,
        grid=(_TGRID,),
        in_specs=[_col_spec(16), _pk_spec(), _pk_spec()]
        + _wspecs(W2aT, b2a, W2bT, b2b, Wh1T, bh1, Wh2T, bh2),
        out_specs=_pk_spec(),
        out_shape=jax.ShapeDtypeStruct((_NR, 128), jnp.float32),
    )(xt, p0, p1, W2aT, b2a, W2bT, b2b, Wh1T, bh1, Wh2T, bh2)


def kernel(x, edge_index, edge_attr, W1a, b1a, W1b, b1b, W1c, b1c,
           W2a, b2a, W2b, b2b, Wh1, bh1, Wh2, bh2):
    src = edge_index[0]
    dst = edge_index[1]
    attr = edge_attr.reshape(_E)

    xt = jnp.pad(x, ((0, _NPAD - _N), (0, 7))).T
    W1aT = jnp.pad(W1a, ((0, 7), (0, 0))).T
    W1bT = W1b.T
    W1cT = W1c.T
    W2aT = W2a.T
    W2bT = W2b.T
    Wh1T = Wh1.T
    Wh2T = Wh2.T
    b1ac = b1a.reshape(-1, 1)
    b1bc = b1b.reshape(-1, 1)
    b1cc = b1c.reshape(-1, 1)
    b2ac = b2a.reshape(-1, 1)
    b2bc = b2b.reshape(-1, 1)
    bh1c = bh1.reshape(-1, 1)
    bh2c = bh2.reshape(-1, 1)

    g = _node_gate(xt, W1aT, b1ac, W1bT, b1bc, W1cT, b1cc)

    for _ in range(2):
        p0, p1 = _edge_agg(g.reshape(_NPAD), src, dst, attr)
        xt, g = _node_update(xt, p0.reshape(_NR, 128), p1.reshape(_NR, 128),
                             W2aT, b2ac, W2bT, b2bc,
                             W1aT, b1ac, W1bT, b1bc, W1cT, b1cc)

    p0, p1 = _edge_agg(g.reshape(_NPAD), src, dst, attr)
    out_t = _node_final(xt, p0.reshape(_NR, 128), p1.reshape(_NR, 128),
                        W2aT, b2ac, W2bT, b2bc, Wh1T, bh1c, Wh2T, bh2c)
    return out_t.reshape(_NPAD)[:_N].reshape(_N, 1)

# --- scband reference (transcript-rebuilt; emitter-appended) ---
"""Pipeline reference for scband-air-mpnn-58531814310350 (READ-ONLY COPY).

The authoritative reference and input builder live on the scoring server;
editing this copy changes nothing except your own understanding.
"""

import jax, jax.numpy as jnp
import numpy as np

N = 100000
E = 6400000
GES = 8
AGG_MEAN = 0.0
AGG_VAR = 1.0


def setup_inputs(seed: int = 0) -> dict:
    key = jax.random.key(seed)
    ks = jax.random.split(key, 20)
    inp = {}
    inp["x"] = jax.random.normal(ks[0], (N, 1 + GES), dtype=jnp.float32)
    inp["edge_index"] = jax.random.randint(ks[1], (2, E), 0, N, dtype=jnp.int32)
    inp["edge_attr"] = jax.random.uniform(ks[2], (E, 1), dtype=jnp.float32)
    s = 0.1
    # mlp1: Lin(9,32)+ReLU, Lin(32,32)+ReLU, Lin(32,1)+Sigmoid
    inp["W1a"] = jax.random.normal(ks[3], (1 + GES, 32), dtype=jnp.float32) * s
    inp["b1a"] = jnp.zeros((32,), dtype=jnp.float32)
    inp["W1b"] = jax.random.normal(ks[4], (32, 32), dtype=jnp.float32) * s
    inp["b1b"] = jnp.zeros((32,), dtype=jnp.float32)
    inp["W1c"] = jax.random.normal(ks[5], (32, 1), dtype=jnp.float32) * s
    inp["b1c"] = jnp.zeros((1,), dtype=jnp.float32)
    # mlp2: Lin(10,16)+ReLU, Lin(16,8)+ReLU
    inp["W2a"] = jax.random.normal(ks[6], (2 + GES, 16), dtype=jnp.float32) * s
    inp["b2a"] = jnp.zeros((16,), dtype=jnp.float32)
    inp["W2b"] = jax.random.normal(ks[7], (16, GES), dtype=jnp.float32) * s
    inp["b2b"] = jnp.zeros((GES,), dtype=jnp.float32)
    # h2o: Lin(8,16)+ReLU, Lin(16,1)+Sigmoid
    inp["Wh1"] = jax.random.normal(ks[8], (GES, 16), dtype=jnp.float32) * s
    inp["bh1"] = jnp.zeros((16,), dtype=jnp.float32)
    inp["Wh2"] = jax.random.normal(ks[9], (16, 1), dtype=jnp.float32) * s
    inp["bh2"] = jnp.zeros((1,), dtype=jnp.float32)
    return inp


def reference(x, edge_index, edge_attr, W1a, b1a, W1b, b1b, W1c, b1c, W2a, b2a, W2b, b2b, Wh1, bh1, Wh2, bh2):
    src = edge_index[0]
    dst = edge_index[1]

    def conv(x):
        x_j = jnp.take(x, src, axis=0)
        h = jax.nn.relu(x_j @ W1a + b1a)
        h = jax.nn.relu(h @ W1b + b1b)
        h = jax.nn.sigmoid(h @ W1c + b1c)
        msg = h * edge_attr
        air_agg = jax.ops.segment_sum(msg, dst, num_segments=x.shape[0])
        norm_air_agg = (air_agg - AGG_MEAN) / AGG_VAR
        tmp = jnp.concatenate([x, norm_air_agg], axis=1)
        c = jax.nn.relu(tmp @ W2a + b2a)
        c = jax.nn.relu(c @ W2b + b2b)
        return jnp.concatenate([x[:, :1], c], axis=1)

    x1 = conv(x)
    x2 = conv(x1)
    out = conv(x2)
    h = jax.nn.relu(out[:, 1:] @ Wh1 + bh1)
    output = jax.nn.sigmoid(h @ Wh2 + bh2)
    return output

if __name__ == "__main__":
    import jax
    _d = setup_inputs()
    print(jax.jit(kernel)(*tuple(_d.values())))

</pallas_src>

<mosaic_0001>
#map = affine_map<(d0, d1) -> (0)>
module attributes {stable_mosaic.version = 14 : i64} {
  func.func @edge_agg(%arg0: i32, %arg1: i32, %arg2: memref<102400xf32, #tpu.memory_space<hbm>>, %arg3: memref<6400000xi32, #tpu.memory_space<hbm>>, %arg4: memref<6400000xi32, #tpu.memory_space<hbm>>, %arg5: memref<6400000xf32, #tpu.memory_space<hbm>>, %arg6: memref<102400xf32, #tpu.memory_space<hbm>>, %arg7: memref<102400xf32, #tpu.memory_space<hbm>>, %arg8: memref<8000xi32, #tpu.memory_space<vmem>>, %arg9: memref<8000xi32, #tpu.memory_space<vmem>>, %arg10: memref<8000xi32, #tpu.memory_space<vmem>>, %arg11: memref<8000xi32, #tpu.memory_space<vmem>>, %arg12: memref<8000xf32, #tpu.memory_space<vmem>>, %arg13: memref<8000xf32, #tpu.memory_space<vmem>>, %arg14: memref<8000xf32, #tpu.memory_space<vmem>>, %arg15: memref<8000xf32, #tpu.memory_space<vmem>>, %arg16: memref<102400xf32, #tpu.memory_space<vmem_shared>>, %arg17: memref<102400xf32, #tpu.memory_space<vmem_shared>>, %arg18: memref<!tpu.dma_semaphore, #tpu.memory_space<semaphore_mem>>, %arg19: memref<!tpu.dma_semaphore, #tpu.memory_space<semaphore_mem>>, %arg20: memref<!tpu.dma_semaphore, #tpu.memory_space<semaphore_mem>>) attributes {dimension_semantics = [#tpu.dimension_semantics<core_parallel>, #tpu.dimension_semantics<subcore_parallel>], iteration_bounds = array<i64: 2, 16>, scalar_prefetch = 0 : i64, scratch_operands = 13 : i64, tpu.core_type = #tpu.core_type<sc_vector_subcore>, window_params = [{transform_indices = #map}, {transform_indices = #map}, {transform_indices = #map}, {transform_indices = #map}, {transform_indices = #map}, {transform_indices = #map}]} {
    %mul3A = arith.constant 2 : i32
    %mul3A_0 = arith.muli %arg1, %mul3A : i32
    %add3A = arith.addi %mul3A_0, %arg0 : i32
    %mul3A_1 = arith.constant 200000 : i32
    %mul3A_2 = arith.muli %add3A, %mul3A_1 : i32
    %mul3A_3 = arith.constant 6400 : i32
    %mul3A_4 = arith.muli %arg1, %mul3A_3 : i32
    "tpu.region"() ({
      %run_scoped3A = tpu.sem_alloc : memref<!tpu.dma_semaphore, #tpu.memory_space<semaphore_mem>>
      %dma_start3A_73 = arith.constant 0 : i32
      %dma_start3A_74 = tpu.memref_slice %arg14[%dma_start3A_73] : memref<8000xf32, #tpu.memory_space<vmem>> -> memref<6400xf32, #tpu.memory_space<vmem>>
      %dma_start3A_75 = tpu.memref_slice %arg2[%mul3A_4] : memref<102400xf32, #tpu.memory_space<hbm>> -> memref<6400xf32, #tpu.memory_space<hbm>>
      %dma_start3A_76 = arith.constant 0 : i32
      %dma_start3A_77 = tpu.memref_slice %arg14[%dma_start3A_76] : memref<8000xf32, #tpu.memory_space<vmem>> -> memref<6400xf32, #tpu.memory_space<vmem>>
      %dma_start3A_78 = tpu.memref_slice %arg2[%mul3A_4] : memref<102400xf32, #tpu.memory_space<hbm>> -> memref<6400xf32, #tpu.memory_space<hbm>>
      tpu.enqueue_dma source(%dma_start3A_78 : memref<6400xf32, #tpu.memory_space<hbm>>) target(%dma_start3A_77 : memref<6400xf32, #tpu.memory_space<vmem>>) target_semaphore(%run_scoped3A : memref<!tpu.dma_semaphore, #tpu.memory_space<semaphore_mem>>)
      %dma_wait3A_79 = arith.constant 0 : i32
      %dma_wait3A_80 = tpu.memref_slice %arg14[%dma_wait3A_79] : memref<8000xf32, #tpu.memory_space<vmem>> -> memref<6400xf32, #tpu.memory_space<vmem>>
      %dma_wait3A_81 = tpu.memref_slice %arg2[%mul3A_4] : memref<102400xf32, #tpu.memory_space<hbm>> -> memref<6400xf32, #tpu.memory_space<hbm>>
      %dma_wait3A_82 = arith.constant 0 : i32
      %dma_wait3A_83 = tpu.memref_slice %arg14[%dma_wait3A_82] : memref<8000xf32, #tpu.memory_space<vmem>> -> memref<6400xf32, #tpu.memory_space<vmem>>
      %dma_wait3A_84 = tpu.memref_slice %arg2[%mul3A_4] : memref<102400xf32, #tpu.memory_space<hbm>> -> memref<6400xf32, #tpu.memory_space<hbm>>
      tpu.wait_dma2 semaphore(%run_scoped3A : memref<!tpu.dma_semaphore, #tpu.memory_space<semaphore_mem>>) src(%dma_wait3A_84 : memref<6400xf32, #tpu.memory_space<hbm>>) dst(%dma_wait3A_83 : memref<6400xf32, #tpu.memory_space<vmem>>)
      tpu.yield
    }) : () -> ()
    %mul3A_5 = arith.constant 6400 : i32
    %mul3A_6 = arith.muli %arg1, %mul3A_5 : i32
    "tpu.region"() ({
      %run_scoped3A = tpu.sem_alloc : memref<!tpu.dma_semaphore, #tpu.memory_space<semaphore_mem>>
      %dma_start3A_73 = arith.constant 0 : i32
      %dma_start3A_74 = tpu.memref_slice %arg14[%dma_start3A_73] : memref<8000xf32, #tpu.memory_space<vmem>> -> memref<6400xf32, #tpu.memory_space<vmem>>
      %dma_start3A_75 = tpu.memref_slice %arg17[%mul3A_6] : memref<102400xf32, #tpu.memory_space<vmem_shared>> -> memref<6400xf32, #tpu.memory_space<vmem_shared>>
      %dma_start3A_76 = tpu.memref_slice %arg17[%mul3A_6] : memref<102400xf32, #tpu.memory_space<vmem_shared>> -> memref<6400xf32, #tpu.memory_space<vmem_shared>>
      %dma_start3A_77 = arith.constant 0 : i32
      %dma_start3A_78 = tpu.memref_slice %arg14[%dma_start3A_77] : memref<8000xf32, #tpu.memory_space<vmem>> -> memref<6400xf32, #tpu.memory_space<vmem>>
      tpu.enqueue_dma source(%dma_start3A_78 : memref<6400xf32, #tpu.memory_space<vmem>>) target(%dma_start3A_76 : memref<6400xf32, #tpu.memory_space<vmem_shared>>) target_semaphore(%run_scoped3A : memref<!tpu.dma_semaphore, #tpu.memory_space<semaphore_mem>>)
      %dma_wait3A_79 = arith.constant 0 : i32
      %dma_wait3A_80 = tpu.memref_slice %arg14[%dma_wait3A_79] : memref<8000xf32, #tpu.memory_space<vmem>> -> memref<6400xf32, #tpu.memory_space<vmem>>
      %dma_wait3A_81 = tpu.memref_slice %arg17[%mul3A_6] : memref<102400xf32, #tpu.memory_space<vmem_shared>> -> memref<6400xf32, #tpu.memory_space<vmem_shared>>
      %dma_wait3A_82 = tpu.memref_slice %arg17[%mul3A_6] : memref<102400xf32, #tpu.memory_space<vmem_shared>> -> memref<6400xf32, #tpu.memory_space<vmem_shared>>
      %dma_wait3A_83 = arith.constant 0 : i32
      %dma_wait3A_84 = tpu.memref_slice %arg14[%dma_wait3A_83] : memref<8000xf32, #tpu.memory_space<vmem>> -> memref<6400xf32, #tpu.memory_space<vmem>>
      tpu.wait_dma2 semaphore(%run_scoped3A : memref<!tpu.dma_semaphore, #tpu.memory_space<semaphore_mem>>) src(%dma_wait3A_84 : memref<6400xf32, #tpu.memory_space<vmem>>) dst(%dma_wait3A_82 : memref<6400xf32, #tpu.memory_space<vmem_shared>>)
      tpu.yield
    }) : () -> ()
    %mul3A_7 = arith.constant 6400 : i32
    %mul3A_8 = arith.muli %arg1, %mul3A_7 : i32
    "tpu.region"() ({
      %run_scoped3A = tpu.sem_alloc : memref<!tpu.dma_semaphore, #tpu.memory_space<semaphore_mem>>
      %dma_start3A_73 = arith.constant 0 : i32
      %dma_start3A_74 = tpu.memref_slice %arg14[%dma_start3A_73] : memref<8000xf32, #tpu.memory_space<vmem>> -> memref<6400xf32, #tpu.memory_space<vmem>>
      %dma_start3A_75 = tpu.memref_slice %arg16[%mul3A_8] : memref<102400xf32, #tpu.memory_space<vmem_shared>> -> memref<6400xf32, #tpu.memory_space<vmem_shared>>
      %dma_start3A_76 = tpu.memref_slice %arg16[%mul3A_8] : memref<102400xf32, #tpu.memory_space<vmem_shared>> -> memref<6400xf32, #tpu.memory_space<vmem_shared>>
      %dma_start3A_77 = arith.constant 0 : i32
      %dma_start3A_78 = tpu.memref_slice %arg14[%dma_start3A_77] : memref<8000xf32, #tpu.memory_space<vmem>> -> memref<6400xf32, #tpu.memory_space<vmem>>
      tpu.enqueue_dma source(%dma_start3A_78 : memref<6400xf32, #tpu.memory_space<vmem>>) target(%dma_start3A_76 : memref<6400xf32, #tpu.memory_space<vmem_shared>>) target_semaphore(%run_scoped3A : memref<!tpu.dma_semaphore, #tpu.memory_space<semaphore_mem>>)
      %dma_wait3A_79 = arith.constant 0 : i32
      %dma_wait3A_80 = tpu.memref_slice %arg14[%dma_wait3A_79] : memref<8000xf32, #tpu.memory_space<vmem>> -> memref<6400xf32, #tpu.memory_space<vmem>>
      %dma_wait3A_81 = tpu.memref_slice %arg16[%mul3A_8] : memref<102400xf32, #tpu.memory_space<vmem_shared>> -> memref<6400xf32, #tpu.memory_space<vmem_shared>>
      %dma_wait3A_82 = tpu.memref_slice %arg16[%mul3A_8] : memref<102400xf32, #tpu.memory_space<vmem_shared>> -> memref<6400xf32, #tpu.memory_space<vmem_shared>>
      %dma_wait3A_83 = arith.constant 0 : i32
      %dma_wait3A_84 = tpu.memref_slice %arg14[%dma_wait3A_83] : memref<8000xf32, #tpu.memory_space<vmem>> -> memref<6400xf32, #tpu.memory_space<vmem>>
      tpu.wait_dma2 semaphore(%run_scoped3A : memref<!tpu.dma_semaphore, #tpu.memory_space<semaphore_mem>>) src(%dma_wait3A_84 : memref<6400xf32, #tpu.memory_space<vmem>>) dst(%dma_wait3A_82 : memref<6400xf32, #tpu.memory_space<vmem_shared>>)
      tpu.yield
    }) : () -> ()
    %barrier3A = arith.constant 0 : index
    tpu.barrier barrier_id(%barrier3A)
    %add3A_9 = arith.constant 0 : i32
    %add3A_10 = arith.addi %mul3A_2, %add3A_9 : i32
    %multiple_of3A = tpu.assume_multiple %add3A_10, 8 : i32
    %dma_start3A = tpu.memref_slice %arg3[%multiple_of3A] : memref<6400000xi32, #tpu.memory_space<hbm>> -> memref<8000xi32, #tpu.memory_space<hbm>>
    %dma_start3A_11 = tpu.memref_slice %arg3[%multiple_of3A] : memref<6400000xi32, #tpu.memory_space<hbm>> -> memref<8000xi32, #tpu.memory_space<hbm>>
    tpu.enqueue_dma source(%dma_start3A_11 : memref<8000xi32, #tpu.memory_space<hbm>>) target(%arg8 : memref<8000xi32, #tpu.memory_space<vmem>>) target_semaphore(%arg18 : memref<!tpu.dma_semaphore, #tpu.memory_space<semaphore_mem>>)
    %dma_start3A_12 = tpu.memref_slice %arg5[%multiple_of3A] : memref<6400000xf32, #tpu.memory_space<hbm>> -> memref<8000xf32, #tpu.memory_space<hbm>>
    %dma_start3A_13 = tpu.memref_slice %arg5[%multiple_of3A] : memref<6400000xf32, #tpu.memory_space<hbm>> -> memref<8000xf32, #tpu.memory_space<hbm>>
    tpu.enqueue_dma source(%dma_start3A_13 : memref<8000xf32, #tpu.memory_space<hbm>>) target(%arg12 : memref<8000xf32, #tpu.memory_space<vmem>>) target_semaphore(%arg18 : memref<!tpu.dma_semaphore, #tpu.memory_space<semaphore_mem>>)
    %dma_start3A_14 = tpu.memref_slice %arg4[%multiple_of3A] : memref<6400000xi32, #tpu.memory_space<hbm>> -> memref<8000xi32, #tpu.memory_space<hbm>>
    %dma_start3A_15 = tpu.memref_slice %arg4[%multiple_of3A] : memref<6400000xi32, #tpu.memory_space<hbm>> -> memref<8000xi32, #tpu.memory_space<hbm>>
    tpu.enqueue_dma source(%dma_start3A_15 : memref<8000xi32, #tpu.memory_space<hbm>>) target(%arg10 : memref<8000xi32, #tpu.memory_space<vmem>>) target_semaphore(%arg18 : memref<!tpu.dma_semaphore, #tpu.memory_space<semaphore_mem>>)
    %add3A_16 = arith.constant 0 : i32
    %add3A_17 = arith.addi %mul3A_2, %add3A_16 : i32
    %multiple_of3A_18 = tpu.assume_multiple %add3A_17, 8 : i32
    %dma_wait3A = tpu.memref_slice %arg3[%multiple_of3A_18] : memref<6400000xi32, #tpu.memory_space<hbm>> -> memref<8000xi32, #tpu.memory_space<hbm>>
    %dma_wait3A_19 = tpu.memref_slice %arg3[%multiple_of3A_18] : memref<6400000xi32, #tpu.memory_space<hbm>> -> memref<8000xi32, #tpu.memory_space<hbm>>
    tpu.wait_dma2 semaphore(%arg18 : memref<!tpu.dma_semaphore, #tpu.memory_space<semaphore_mem>>) src(%dma_wait3A_19 : memref<8000xi32, #tpu.memory_space<hbm>>) dst(%arg8 : memref<8000xi32, #tpu.memory_space<vmem>>)
    %dma_wait3A_20 = tpu.memref_slice %arg5[%multiple_of3A_18] : memref<6400000xf32, #tpu.memory_space<hbm>> -> memref<8000xf32, #tpu.memory_space<hbm>>
    %dma_wait3A_21 = tpu.memref_slice %arg5[%multiple_of3A_18] : memref<6400000xf32, #tpu.memory_space<hbm>> -> memref<8000xf32, #tpu.memory_space<hbm>>
    tpu.wait_dma2 semaphore(%arg18 : memref<!tpu.dma_semaphore, #tpu.memory_space<semaphore_mem>>) src(%dma_wait3A_21 : memref<8000xf32, #tpu.memory_space<hbm>>) dst(%arg12 : memref<8000xf32, #tpu.memory_space<vmem>>)
    %dma_wait3A_22 = tpu.memref_slice %arg4[%multiple_of3A_18] : memref<6400000xi32, #tpu.memory_space<hbm>> -> memref<8000xi32, #tpu.memory_space<hbm>>
    %dma_wait3A_23 = tpu.memref_slice %arg4[%multiple_of3A_18] : memref<6400000xi32, #tpu.memory_space<hbm>> -> memref<8000xi32, #tpu.memory_space<hbm>>
    tpu.wait_dma2 semaphore(%arg18 : memref<!tpu.dma_semaphore, #tpu.memory_space<semaphore_mem>>) src(%dma_wait3A_23 : memref<8000xi32, #tpu.memory_space<hbm>>) dst(%arg10 : memref<8000xi32, #tpu.memory_space<vmem>>)
    %add3A_24 = arith.constant 8000 : i32
    %add3A_25 = arith.addi %mul3A_2, %add3A_24 : i32
    %multiple_of3A_26 = tpu.assume_multiple %add3A_25, 8 : i32
    %dma_start3A_27 = tpu.memref_slice %arg3[%multiple_of3A_26] : memref<6400000xi32, #tpu.memory_space<hbm>> -> memref<8000xi32, #tpu.memory_space<hbm>>
    %dma_start3A_28 = tpu.memref_slice %arg3[%multiple_of3A_26] : memref<6400000xi32, #tpu.memory_space<hbm>> -> memref<8000xi32, #tpu.memory_space<hbm>>
    tpu.enqueue_dma source(%dma_start3A_28 : memref<8000xi32, #tpu.memory_space<hbm>>) target(%arg9 : memref<8000xi32, #tpu.memory_space<vmem>>) target_semaphore(%arg19 : memref<!tpu.dma_semaphore, #tpu.memory_space<semaphore_mem>>)
    %dma_start3A_29 = tpu.memref_slice %arg5[%multiple_of3A_26] : memref<6400000xf32, #tpu.memory_space<hbm>> -> memref<8000xf32, #tpu.memory_space<hbm>>
    %dma_start3A_30 = tpu.memref_slice %arg5[%multiple_of3A_26] : memref<6400000xf32, #tpu.memory_space<hbm>> -> memref<8000xf32, #tpu.memory_space<hbm>>
    tpu.enqueue_dma source(%dma_start3A_30 : memref<8000xf32, #tpu.memory_space<hbm>>) target(%arg13 : memref<8000xf32, #tpu.memory_space<vmem>>) target_semaphore(%arg19 : memref<!tpu.dma_semaphore, #tpu.memory_space<semaphore_mem>>)
    %dma_start3A_31 = tpu.memref_slice %arg4[%multiple_of3A_26] : memref<6400000xi32, #tpu.memory_space<hbm>> -> memref<8000xi32, #tpu.memory_space<hbm>>
    %dma_start3A_32 = tpu.memref_slice %arg4[%multiple_of3A_26] : memref<6400000xi32, #tpu.memory_space<hbm>> -> memref<8000xi32, #tpu.memory_space<hbm>>
    tpu.enqueue_dma source(%dma_start3A_32 : memref<8000xi32, #tpu.memory_space<hbm>>) target(%arg11 : memref<8000xi32, #tpu.memory_space<vmem>>) target_semaphore(%arg19 : memref<!tpu.dma_semaphore, #tpu.memory_space<semaphore_mem>>)
    %scan3A = arith.constant 0 : i32
    %scan3A_33 = arith.constant 0 : i32
    %scan3A_34 = arith.constant 11 : i32
    %scan3A_35 = arith.addi %scan3A_33, %scan3A_34 : i32
    %scan3A_36 = arith.constant 1 : i32
    scf.for %scan3A_73 = %scan3A_33 to %scan3A_35 step %scan3A_36  : i32 {
      %mul3A_74 = arith.constant 2 : i32
      %mul3A_75 = arith.muli %mul3A_74, %scan3A_73 : i32
      %add3A_76 = arith.constant 1 : i32
      %add3A_77 = arith.addi %mul3A_75, %add3A_76 : i32
      %mul3A_78 = arith.constant 8000 : i32
      %mul3A_79 = arith.muli %add3A_77, %mul3A_78 : i32
      %add3A_80 = arith.addi %mul3A_2, %mul3A_79 : i32
      %multiple_of3A_81 = tpu.assume_multiple %add3A_80, 8 : i32
      %dma_wait3A_82 = tpu.memref_slice %arg3[%multiple_of3A_81] : memref<6400000xi32, #tpu.memory_space<hbm>> -> memref<8000xi32, #tpu.memory_space<hbm>>
      %dma_wait3A_83 = tpu.memref_slice %arg3[%multiple_of3A_81] : memref<6400000xi32, #tpu.memory_space<hbm>> -> memref<8000xi32, #tpu.memory_space<hbm>>
      tpu.wait_dma2 semaphore(%arg19 : memref<!tpu.dma_semaphore, #tpu.memory_space<semaphore_mem>>) src(%dma_wait3A_83 : memref<8000xi32, #tpu.memory_space<hbm>>) dst(%arg9 : memref<8000xi32, #tpu.memory_space<vmem>>)
      %dma_wait3A_84 = tpu.memref_slice %arg5[%multiple_of3A_81] : memref<6400000xf32, #tpu.memory_space<hbm>> -> memref<8000xf32, #tpu.memory_space<hbm>>
      %dma_wait3A_85 = tpu.memref_slice %arg5[%multiple_of3A_81] : memref<6400000xf32, #tpu.memory_space<hbm>> -> memref<8000xf32, #tpu.memory_space<hbm>>
      tpu.wait_dma2 semaphore(%arg19 : memref<!tpu.dma_semaphore, #tpu.memory_space<semaphore_mem>>) src(%dma_wait3A_85 : memref<8000xf32, #tpu.memory_space<hbm>>) dst(%arg13 : memref<8000xf32, #tpu.memory_space<vmem>>)
      %dma_wait3A_86 = tpu.memref_slice %arg4[%multiple_of3A_81] : memref<6400000xi32, #tpu.memory_space<hbm>> -> memref<8000xi32, #tpu.memory_space<hbm>>
      %dma_wait3A_87 = tpu.memref_slice %arg4[%multiple_of3A_81] : memref<6400000xi32, #tpu.memory_space<hbm>> -> memref<8000xi32, #tpu.memory_space<hbm>>
      tpu.wait_dma2 semaphore(%arg19 : memref<!tpu.dma_semaphore, #tpu.memory_space<semaphore_mem>>) src(%dma_wait3A_87 : memref<8000xi32, #tpu.memory_space<hbm>>) dst(%arg11 : memref<8000xi32, #tpu.memory_space<vmem>>)
      %add3A_88 = arith.constant 1 : i32
      %add3A_89 = arith.addi %add3A_77, %add3A_88 : i32
      %mul3A_90 = arith.constant 8000 : i32
      %mul3A_91 = arith.muli %add3A_89, %mul3A_90 : i32
      %add3A_92 = arith.addi %mul3A_2, %mul3A_91 : i32
      %multiple_of3A_93 = tpu.assume_multiple %add3A_92, 8 : i32
      %dma_start3A_94 = tpu.memref_slice %arg3[%multiple_of3A_93] : memref<6400000xi32, #tpu.memory_space<hbm>> -> memref<8000xi32, #tpu.memory_space<hbm>>
      %dma_start3A_95 = tpu.memref_slice %arg3[%multiple_of3A_93] : memref<6400000xi32, #tpu.memory_space<hbm>> -> memref<8000xi32, #tpu.memory_space<hbm>>
      tpu.enqueue_dma source(%dma_start3A_95 : memref<8000xi32, #tpu.memory_space<hbm>>) target(%arg8 : memref<8000xi32, #tpu.memory_space<vmem>>) target_semaphore(%arg18 : memref<!tpu.dma_semaphore, #tpu.memory_space<semaphore_mem>>)
      %dma_start3A_96 = tpu.memref_slice %arg5[%multiple_of3A_93] : memref<6400000xf32, #tpu.memory_space<hbm>> -> memref<8000xf32, #tpu.memory_space<hbm>>
      %dma_start3A_97 = tpu.memref_slice %arg5[%multiple_of3A_93] : memref<6400000xf32, #tpu.memory_space<hbm>> -> memref<8000xf32, #tpu.memory_space<hbm>>
      tpu.enqueue_dma source(%dma_start3A_97 : memref<8000xf32, #tpu.memory_space<hbm>>) target(%arg12 : memref<8000xf32, #tpu.memory_space<vmem>>) target_semaphore(%arg18 : memref<!tpu.dma_semaphore, #tpu.memory_space<semaphore_mem>>)
      %dma_start3A_98 = tpu.memref_slice %arg4[%multiple_of3A_93] : memref<6400000xi32, #tpu.memory_space<hbm>> -> memref<8000xi32, #tpu.memory_space<hbm>>
      %dma_start3A_99 = tpu.memref_slice %arg4[%multiple_of3A_93] : memref<6400000xi32, #tpu.memory_space<hbm>> -> memref<8000xi32, #tpu.memory_space<hbm>>
      tpu.enqueue_dma source(%dma_start3A_99 : memref<8000xi32, #tpu.memory_space<hbm>>) target(%arg10 : memref<8000xi32, #tpu.memory_space<vmem>>) target_semaphore(%arg18 : memref<!tpu.dma_semaphore, #tpu.memory_space<semaphore_mem>>)
      %mul3A_100 = arith.constant 2 : i32
      %mul3A_101 = arith.muli %mul3A_100, %scan3A_73 : i32
      %add3A_102 = arith.constant 2 : i32
      %add3A_103 = arith.addi %mul3A_101, %add3A_102 : i32
      %mul3A_104 = arith.constant 8000 : i32
      %mul3A_105 = arith.muli %add3A_103, %mul3A_104 : i32
      %add3A_106 = arith.addi %mul3A_2, %mul3A_105 : i32
      %multiple_of3A_107 = tpu.assume_multiple %add3A_106, 8 : i32
      %dma_wait3A_108 = tpu.memref_slice %arg3[%multiple_of3A_107] : memref<6400000xi32, #tpu.memory_space<hbm>> -> memref<8000xi32, #tpu.memory_space<hbm>>
      %dma_wait3A_109 = tpu.memref_slice %arg3[%multiple_of3A_107] : memref<6400000xi32, #tpu.memory_space<hbm>> -> memref<8000xi32, #tpu.memory_space<hbm>>
      tpu.wait_dma2 semaphore(%arg18 : memref<!tpu.dma_semaphore, #tpu.memory_space<semaphore_mem>>) src(%dma_wait3A_109 : memref<8000xi32, #tpu.memory_space<hbm>>) dst(%arg8 : memref<8000xi32, #tpu.memory_space<vmem>>)
      %dma_wait3A_110 = tpu.memref_slice %arg5[%multiple_of3A_107] : memref<6400000xf32, #tpu.memory_space<hbm>> -> memref<8000xf32, #tpu.memory_space<hbm>>
      %dma_wait3A_111 = tpu.memref_slice %arg5[%multiple_of3A_107] : memref<6400000xf32, #tpu.memory_space<hbm>> -> memref<8000xf32, #tpu.memory_space<hbm>>
      tpu.wait_dma2 semaphore(%arg18 : memref<!tpu.dma_semaphore, #tpu.memory_space<semaphore_mem>>) src(%dma_wait3A_111 : memref<8000xf32, #tpu.memory_space<hbm>>) dst(%arg12 : memref<8000xf32, #tpu.memory_space<vmem>>)
      %dma_wait3A_112 = tpu.memref_slice %arg4[%multiple_of3A_107] : memref<6400000xi32, #tpu.memory_space<hbm>> -> memref<8000xi32, #tpu.memory_space<hbm>>
      %dma_wait3A_113 = tpu.memref_slice %arg4[%multiple_of3A_107] : memref<6400000xi32, #tpu.memory_space<hbm>> -> memref<8000xi32, #tpu.memory_space<hbm>>
      tpu.wait_dma2 semaphore(%arg18 : memref<!tpu.dma_semaphore, #tpu.memory_space<semaphore_mem>>) src(%dma_wait3A_113 : memref<8000xi32, #tpu.memory_space<hbm>>) dst(%arg10 : memref<8000xi32, #tpu.memory_space<vmem>>)
      %add3A_114 = arith.constant 1 : i32
      %add3A_115 = arith.addi %add3A_103, %add3A_114 : i32
      %mul3A_116 = arith.constant 8000 : i32
      %mul3A_117 = arith.muli %add3A_115, %mul3A_116 : i32
      %add3A_118 = arith.addi %mul3A_2, %mul3A_117 : i32
      %multiple_of3A_119 = tpu.assume_multiple %add3A_118, 8 : i32
      %dma_start3A_120 = tpu.memref_slice %arg3[%multiple_of3A_119] : memref<6400000xi32, #tpu.memory_space<hbm>> -> memref<8000xi32, #tpu.memory_space<hbm>>
      %dma_start3A_121 = tpu.memref_slice %arg3[%multiple_of3A_119] : memref<6400000xi32, #tpu.memory_space<hbm>> -> memref<8000xi32, #tpu.memory_space<hbm>>
      tpu.enqueue_dma source(%dma_start3A_121 : memref<8000xi32, #tpu.memory_space<hbm>>) target(%arg9 : memref<8000xi32, #tpu.memory_space<vmem>>) target_semaphore(%arg19 : memref<!tpu.dma_semaphore, #tpu.memory_space<semaphore_mem>>)
      %dma_start3A_122 = tpu.memref_slice %arg5[%multiple_of3A_119] : memref<6400000xf32, #tpu.memory_space<hbm>> -> memref<8000xf32, #tpu.memory_space<hbm>>
      %dma_start3A_123 = tpu.memref_slice %arg5[%multiple_of3A_119] : memref<6400000xf32, #tpu.memory_space<hbm>> -> memref<8000xf32, #tpu.memory_space<hbm>>
      tpu.enqueue_dma source(%dma_start3A_123 : memref<8000xf32, #tpu.memory_space<hbm>>) target(%arg13 : memref<8000xf32, #tpu.memory_space<vmem>>) target_semaphore(%arg19 : memref<!tpu.dma_semaphore, #tpu.memory_space<semaphore_mem>>)
      %dma_start3A_124 = tpu.memref_slice %arg4[%multiple_of3A_119] : memref<6400000xi32, #tpu.memory_space<hbm>> -> memref<8000xi32, #tpu.memory_space<hbm>>
      %dma_start3A_125 = tpu.memref_slice %arg4[%multiple_of3A_119] : memref<6400000xi32, #tpu.memory_space<hbm>> -> memref<8000xi32, #tpu.memory_space<hbm>>
      tpu.enqueue_dma source(%dma_start3A_125 : memref<8000xi32, #tpu.memory_space<hbm>>) target(%arg11 : memref<8000xi32, #tpu.memory_space<vmem>>) target_semaphore(%arg19 : memref<!tpu.dma_semaphore, #tpu.memory_space<semaphore_mem>>)
    }
    %scan3A_37 = arith.constant 11 : i32
    %add3A_38 = arith.constant 184000 : i32
    %add3A_39 = arith.addi %mul3A_2, %add3A_38 : i32
    %multiple_of3A_40 = tpu.assume_multiple %add3A_39, 8 : i32
    %dma_wait3A_41 = tpu.memref_slice %arg3[%multiple_of3A_40] : memref<6400000xi32, #tpu.memory_space<hbm>> -> memref<8000xi32, #tpu.memory_space<hbm>>
    %dma_wait3A_42 = tpu.memref_slice %arg3[%multiple_of3A_40] : memref<6400000xi32, #tpu.memory_space<hbm>> -> memref<8000xi32, #tpu.memory_space<hbm>>
    tpu.wait_dma2 semaphore(%arg19 : memref<!tpu.dma_semaphore, #tpu.memory_space<semaphore_mem>>) src(%dma_wait3A_42 : memref<8000xi32, #tpu.memory_space<hbm>>) dst(%arg9 : memref<8000xi32, #tpu.memory_space<vmem>>)
    %dma_wait3A_43 = tpu.memref_slice %arg5[%multiple_of3A_40] : memref<6400000xf32, #tpu.memory_space<hbm>> -> memref<8000xf32, #tpu.memory_space<hbm>>
    %dma_wait3A_44 = tpu.memref_slice %arg5[%multiple_of3A_40] : memref<6400000xf32, #tpu.memory_space<hbm>> -> memref<8000xf32, #tpu.memory_space<hbm>>
    tpu.wait_dma2 semaphore(%arg19 : memref<!tpu.dma_semaphore, #tpu.memory_space<semaphore_mem>>) src(%dma_wait3A_44 : memref<8000xf32, #tpu.memory_space<hbm>>) dst(%arg13 : memref<8000xf32, #tpu.memory_space<vmem>>)
    %dma_wait3A_45 = tpu.memref_slice %arg4[%multiple_of3A_40] : memref<6400000xi32, #tpu.memory_space<hbm>> -> memref<8000xi32, #tpu.memory_space<hbm>>
    %dma_wait3A_46 = tpu.memref_slice %arg4[%multiple_of3A_40] : memref<6400000xi32, #tpu.memory_space<hbm>> -> memref<8000xi32, #tpu.memory_space<hbm>>
    tpu.wait_dma2 semaphore(%arg19 : memref<!tpu.dma_semaphore, #tpu.memory_space<semaphore_mem>>) src(%dma_wait3A_46 : memref<8000xi32, #tpu.memory_space<hbm>>) dst(%arg11 : memref<8000xi32, #tpu.memory_space<vmem>>)
    %add3A_47 = arith.constant 192000 : i32
    %add3A_48 = arith.addi %mul3A_2, %add3A_47 : i32
    %multiple_of3A_49 = tpu.assume_multiple %add3A_48, 8 : i32
    %dma_start3A_50 = tpu.memref_slice %arg3[%multiple_of3A_49] : memref<6400000xi32, #tpu.memory_space<hbm>> -> memref<8000xi32, #tpu.memory_space<hbm>>
    %dma_start3A_51 = tpu.memref_slice %arg3[%multiple_of3A_49] : memref<6400000xi32, #tpu.memory_space<hbm>> -> memref<8000xi32, #tpu.memory_space<hbm>>
    tpu.enqueue_dma source(%dma_start3A_51 : memref<8000xi32, #tpu.memory_space<hbm>>) target(%arg8 : memref<8000xi32, #tpu.memory_space<vmem>>) target_semaphore(%arg18 : memref<!tpu.dma_semaphore, #tpu.memory_space<semaphore_mem>>)
    %dma_start3A_52 = tpu.memref_slice %arg5[%multiple_of3A_49] : memref<6400000xf32, #tpu.memory_space<hbm>> -> memref<8000xf32, #tpu.memory_space<hbm>>
    %dma_start3A_53 = tpu.memref_slice %arg5[%multiple_of3A_49] : memref<6400000xf32, #tpu.memory_space<hbm>> -> memref<8000xf32, #tpu.memory_space<hbm>>
    tpu.enqueue_dma source(%dma_start3A_53 : memref<8000xf32, #tpu.memory_space<hbm>>) target(%arg12 : memref<8000xf32, #tpu.memory_space<vmem>>) target_semaphore(%arg18 : memref<!tpu.dma_semaphore, #tpu.memory_space<semaphore_mem>>)
    %dma_start3A_54 = tpu.memref_slice %arg4[%multiple_of3A_49] : memref<6400000xi32, #tpu.memory_space<hbm>> -> memref<8000xi32, #tpu.memory_space<hbm>>
    %dma_start3A_55 = tpu.memref_slice %arg4[%multiple_of3A_49] : memref<6400000xi32, #tpu.memory_space<hbm>> -> memref<8000xi32, #tpu.memory_space<hbm>>
    tpu.enqueue_dma source(%dma_start3A_55 : memref<8000xi32, #tpu.memory_space<hbm>>) target(%arg10 : memref<8000xi32, #tpu.memory_space<vmem>>) target_semaphore(%arg18 : memref<!tpu.dma_semaphore, #tpu.memory_space<semaphore_mem>>)
    %add3A_56 = arith.constant 192000 : i32
    %add3A_57 = arith.addi %mul3A_2, %add3A_56 : i32
    %multiple_of3A_58 = tpu.assume_multiple %add3A_57, 8 : i32
    %dma_wait3A_59 = tpu.memref_slice %arg3[%multiple_of3A_58] : memref<6400000xi32, #tpu.memory_space<hbm>> -> memref<8000xi32, #tpu.memory_space<hbm>>
    %dma_wait3A_60 = tpu.memref_slice %arg3[%multiple_of3A_58] : memref<6400000xi32, #tpu.memory_space<hbm>> -> memref<8000xi32, #tpu.memory_space<hbm>>
    tpu.wait_dma2 semaphore(%arg18 : memref<!tpu.dma_semaphore, #tpu.memory_space<semaphore_mem>>) src(%dma_wait3A_60 : memref<8000xi32, #tpu.memory_space<hbm>>) dst(%arg8 : memref<8000xi32, #tpu.memory_space<vmem>>)
    %dma_wait3A_61 = tpu.memref_slice %arg5[%multiple_of3A_58] : memref<6400000xf32, #tpu.memory_space<hbm>> -> memref<8000xf32, #tpu.memory_space<hbm>>
    %dma_wait3A_62 = tpu.memref_slice %arg5[%multiple_of3A_58] : memref<6400000xf32, #tpu.memory_space<hbm>> -> memref<8000xf32, #tpu.memory_space<hbm>>
    tpu.wait_dma2 semaphore(%arg18 : memref<!tpu.dma_semaphore, #tpu.memory_space<semaphore_mem>>) src(%dma_wait3A_62 : memref<8000xf32, #tpu.memory_space<hbm>>) dst(%arg12 : memref<8000xf32, #tpu.memory_space<vmem>>)
    %dma_wait3A_63 = tpu.memref_slice %arg4[%multiple_of3A_58] : memref<6400000xi32, #tpu.memory_space<hbm>> -> memref<8000xi32, #tpu.memory_space<hbm>>
    %dma_wait3A_64 = tpu.memref_slice %arg4[%multiple_of3A_58] : memref<6400000xi32, #tpu.memory_space<hbm>> -> memref<8000xi32, #tpu.memory_space<hbm>>
    tpu.wait_dma2 semaphore(%arg18 : memref<!tpu.dma_semaphore, #tpu.memory_space<semaphore_mem>>) src(%dma_wait3A_64 : memref<8000xi32, #tpu.memory_space<hbm>>) dst(%arg10 : memref<8000xi32, #tpu.memory_space<vmem>>)
    %barrier3A_65 = arith.constant 0 : index
    tpu.barrier barrier_id(%barrier3A_65)
    %eq3A = arith.constant 0 : i32
    %eq3A_66 = arith.cmpi eq, %arg0, %eq3A : i32
    %convert_element_type3A = arith.extui %eq3A_66 : i1 to i32
    %cond3A = arith.constant 0 : i32
    %cond3A_67 = arith.cmpi ne, %convert_element_type3A, %cond3A : i32
    scf.if %cond3A_67 {
      %mul3A_73 = arith.constant 6400 : i32
      %mul3A_74 = arith.muli %arg1, %mul3A_73 : i32
      "tpu.region"() ({
        %run_scoped3A = tpu.sem_alloc : memref<!tpu.dma_semaphore, #tpu.memory_space<semaphore_mem>>
        %dma_start3A_77 = arith.constant 0 : i32
        %dma_start3A_78 = tpu.memref_slice %arg14[%dma_start3A_77] : memref<8000xf32, #tpu.memory_space<vmem>> -> memref<6400xf32, #tpu.memory_space<vmem>>
        %dma_start3A_79 = tpu.memref_slice %arg16[%mul3A_74] : memref<102400xf32, #tpu.memory_space<vmem_shared>> -> memref<6400xf32, #tpu.memory_space<vmem_shared>>
        %dma_start3A_80 = arith.constant 0 : i32
        %dma_start3A_81 = tpu.memref_slice %arg14[%dma_start3A_80] : memref<8000xf32, #tpu.memory_space<vmem>> -> memref<6400xf32, #tpu.memory_space<vmem>>
        %dma_start3A_82 = tpu.memref_slice %arg16[%mul3A_74] : memref<102400xf32, #tpu.memory_space<vmem_shared>> -> memref<6400xf32, #tpu.memory_space<vmem_shared>>
        tpu.enqueue_dma source(%dma_start3A_82 : memref<6400xf32, #tpu.memory_space<vmem_shared>>) target(%dma_start3A_81 : memref<6400xf32, #tpu.memory_space<vmem>>) target_semaphore(%run_scoped3A : memref<!tpu.dma_semaphore, #tpu.memory_space<semaphore_mem>>)
        %dma_wait3A_83 = arith.constant 0 : i32
        %dma_wait3A_84 = tpu.memref_slice %arg14[%dma_wait3A_83] : memref<8000xf32, #tpu.memory_space<vmem>> -> memref<6400xf32, #tpu.memory_space<vmem>>
        %dma_wait3A_85 = tpu.memref_slice %arg16[%mul3A_74] : memref<102400xf32, #tpu.memory_space<vmem_shared>> -> memref<6400xf32, #tpu.memory_space<vmem_shared>>
        %dma_wait3A_86 = arith.constant 0 : i32
        %dma_wait3A_87 = tpu.memref_slice %arg14[%dma_wait3A_86] : memref<8000xf32, #tpu.memory_space<vmem>> -> memref<6400xf32, #tpu.memory_space<vmem>>
        %dma_wait3A_88 = tpu.memref_slice %arg16[%mul3A_74] : memref<102400xf32, #tpu.memory_space<vmem_shared>> -> memref<6400xf32, #tpu.memory_space<vmem_shared>>
        tpu.wait_dma2 semaphore(%run_scoped3A : memref<!tpu.dma_semaphore, #tpu.memory_space<semaphore_mem>>) src(%dma_wait3A_88 : memref<6400xf32, #tpu.memory_space<vmem_shared>>) dst(%dma_wait3A_87 : memref<6400xf32, #tpu.memory_space<vmem>>)
        tpu.yield
      }) : () -> ()
      %mul3A_75 = arith.constant 6400 : i32
      %mul3A_76 = arith.muli %arg1, %mul3A_75 : i32
      "tpu.region"() ({
        %run_scoped3A = tpu.sem_alloc : memref<!tpu.dma_semaphore, #tpu.memory_space<semaphore_mem>>
        %dma_start3A_77 = arith.constant 0 : i32
        %dma_start3A_78 = tpu.memref_slice %arg14[%dma_start3A_77] : memref<8000xf32, #tpu.memory_space<vmem>> -> memref<6400xf32, #tpu.memory_space<vmem>>
        %dma_start3A_79 = tpu.memref_slice %arg6[%mul3A_76] : memref<102400xf32, #tpu.memory_space<hbm>> -> memref<6400xf32, #tpu.memory_space<hbm>>
        %dma_start3A_80 = tpu.memref_slice %arg6[%mul3A_76] : memref<102400xf32, #tpu.memory_space<hbm>> -> memref<6400xf32, #tpu.memory_space<hbm>>
        %dma_start3A_81 = arith.constant 0 : i32
        %dma_start3A_82 = tpu.memref_slice %arg14[%dma_start3A_81] : memref<8000xf32, #tpu.memory_space<vmem>> -> memref<6400xf32, #tpu.memory_space<vmem>>
        tpu.enqueue_dma source(%dma_start3A_82 : memref<6400xf32, #tpu.memory_space<vmem>>) target(%dma_start3A_80 : memref<6400xf32, #tpu.memory_space<hbm>>) target_semaphore(%run_scoped3A : memref<!tpu.dma_semaphore, #tpu.memory_space<semaphore_mem>>)
        %dma_wait3A_83 = arith.constant 0 : i32
        %dma_wait3A_84 = tpu.memref_slice %arg14[%dma_wait3A_83] : memref<8000xf32, #tpu.memory_space<vmem>> -> memref<6400xf32, #tpu.memory_space<vmem>>
        %dma_wait3A_85 = tpu.memref_slice %arg6[%mul3A_76] : memref<102400xf32, #tpu.memory_space<hbm>> -> memref<6400xf32, #tpu.memory_space<hbm>>
        %dma_wait3A_86 = tpu.memref_slice %arg6[%mul3A_76] : memref<102400xf32, #tpu.memory_space<hbm>> -> memref<6400xf32, #tpu.memory_space<hbm>>
        %dma_wait3A_87 = arith.constant 0 : i32
        %dma_wait3A_88 = tpu.memref_slice %arg14[%dma_wait3A_87] : memref<8000xf32, #tpu.memory_space<vmem>> -> memref<6400xf32, #tpu.memory_space<vmem>>
        tpu.wait_dma2 semaphore(%run_scoped3A : memref<!tpu.dma_semaphore, #tpu.memory_space<semaphore_mem>>) src(%dma_wait3A_88 : memref<6400xf32, #tpu.memory_space<vmem>>) dst(%dma_wait3A_86 : memref<6400xf32, #tpu.memory_space<hbm>>)
        tpu.yield
      }) : () -> ()
    } else {
    }
    %eq3A_68 = arith.constant 1 : i32
    %eq3A_69 = arith.cmpi eq, %arg0, %eq3A_68 : i32
    %convert_element_type3A_70 = arith.extui %eq3A_69 : i1 to i32
    %cond3A_71 = arith.constant 0 : i32
    %cond3A_72 = arith.cmpi ne, %convert_element_type3A_70, %cond3A_71 : i32
    scf.if %cond3A_72 {
      %mul3A_73 = arith.constant 6400 : i32
      %mul3A_74 = arith.muli %arg1, %mul3A_73 : i32
      "tpu.region"() ({
        %run_scoped3A = tpu.sem_alloc : memref<!tpu.dma_semaphore, #tpu.memory_space<semaphore_mem>>
        %dma_start3A_77 = arith.constant 0 : i32
        %dma_start3A_78 = tpu.memref_slice %arg14[%dma_start3A_77] : memref<8000xf32, #tpu.memory_space<vmem>> -> memref<6400xf32, #tpu.memory_space<vmem>>
        %dma_start3A_79 = tpu.memref_slice %arg16[%mul3A_74] : memref<102400xf32, #tpu.memory_space<vmem_shared>> -> memref<6400xf32, #tpu.memory_space<vmem_shared>>
        %dma_start3A_80 = arith.constant 0 : i32
        %dma_start3A_81 = tpu.memref_slice %arg14[%dma_start3A_80] : memref<8000xf32, #tpu.memory_space<vmem>> -> memref<6400xf32, #tpu.memory_space<vmem>>
        %dma_start3A_82 = tpu.memref_slice %arg16[%mul3A_74] : memref<102400xf32, #tpu.memory_space<vmem_shared>> -> memref<6400xf32, #tpu.memory_space<vmem_shared>>
        tpu.enqueue_dma source(%dma_start3A_82 : memref<6400xf32, #tpu.memory_space<vmem_shared>>) target(%dma_start3A_81 : memref<6400xf32, #tpu.memory_space<vmem>>) target_semaphore(%run_scoped3A : memref<!tpu.dma_semaphore, #tpu.memory_space<semaphore_mem>>)
        %dma_wait3A_83 = arith.constant 0 : i32
        %dma_wait3A_84 = tpu.memref_slice %arg14[%dma_wait3A_83] : memref<8000xf32, #tpu.memory_space<vmem>> -> memref<6400xf32, #tpu.memory_space<vmem>>
        %dma_wait3A_85 = tpu.memref_slice %arg16[%mul3A_74] : memref<102400xf32, #tpu.memory_space<vmem_shared>> -> memref<6400xf32, #tpu.memory_space<vmem_shared>>
        %dma_wait3A_86 = arith.constant 0 : i32
        %dma_wait3A_87 = tpu.memref_slice %arg14[%dma_wait3A_86] : memref<8000xf32, #tpu.memory_space<vmem>> -> memref<6400xf32, #tpu.memory_space<vmem>>
        %dma_wait3A_88 = tpu.memref_slice %arg16[%mul3A_74] : memref<102400xf32, #tpu.memory_space<vmem_shared>> -> memref<6400xf32, #tpu.memory_space<vmem_shared>>
        tpu.wait_dma2 semaphore(%run_scoped3A : memref<!tpu.dma_semaphore, #tpu.memory_space<semaphore_mem>>) src(%dma_wait3A_88 : memref<6400xf32, #tpu.memory_space<vmem_shared>>) dst(%dma_wait3A_87 : memref<6400xf32, #tpu.memory_space<vmem>>)
        tpu.yield
      }) : () -> ()
      %mul3A_75 = arith.constant 6400 : i32
      %mul3A_76 = arith.muli %arg1, %mul3A_75 : i32
      "tpu.region"() ({
        %run_scoped3A = tpu.sem_alloc : memref<!tpu.dma_semaphore, #tpu.memory_space<semaphore_mem>>
        %dma_start3A_77 = arith.constant 0 : i32
        %dma_start3A_78 = tpu.memref_slice %arg14[%dma_start3A_77] : memref<8000xf32, #tpu.memory_space<vmem>> -> memref<6400xf32, #tpu.memory_space<vmem>>
        %dma_start3A_79 = tpu.memref_slice %arg7[%mul3A_76] : memref<102400xf32, #tpu.memory_space<hbm>> -> memref<6400xf32, #tpu.memory_space<hbm>>
        %dma_start3A_80 = tpu.memref_slice %arg7[%mul3A_76] : memref<102400xf32, #tpu.memory_space<hbm>> -> memref<6400xf32, #tpu.memory_space<hbm>>
        %dma_start3A_81 = arith.constant 0 : i32
        %dma_start3A_82 = tpu.memref_slice %arg14[%dma_start3A_81] : memref<8000xf32, #tpu.memory_space<vmem>> -> memref<6400xf32, #tpu.memory_space<vmem>>
        tpu.enqueue_dma source(%dma_start3A_82 : memref<6400xf32, #tpu.memory_space<vmem>>) target(%dma_start3A_80 : memref<6400xf32, #tpu.memory_space<hbm>>) target_semaphore(%run_scoped3A : memref<!tpu.dma_semaphore, #tpu.memory_space<semaphore_mem>>)
        %dma_wait3A_83 = arith.constant 0 : i32
        %dma_wait3A_84 = tpu.memref_slice %arg14[%dma_wait3A_83] : memref<8000xf32, #tpu.memory_space<vmem>> -> memref<6400xf32, #tpu.memory_space<vmem>>
        %dma_wait3A_85 = tpu.memref_slice %arg7[%mul3A_76] : memref<102400xf32, #tpu.memory_space<hbm>> -> memref<6400xf32, #tpu.memory_space<hbm>>
        %dma_wait3A_86 = tpu.memref_slice %arg7[%mul3A_76] : memref<102400xf32, #tpu.memory_space<hbm>> -> memref<6400xf32, #tpu.memory_space<hbm>>
        %dma_wait3A_87 = arith.constant 0 : i32
        %dma_wait3A_88 = tpu.memref_slice %arg14[%dma_wait3A_87] : memref<8000xf32, #tpu.memory_space<vmem>> -> memref<6400xf32, #tpu.memory_space<vmem>>
        tpu.wait_dma2 semaphore(%run_scoped3A : memref<!tpu.dma_semaphore, #tpu.memory_space<semaphore_mem>>) src(%dma_wait3A_88 : memref<6400xf32, #tpu.memory_space<vmem>>) dst(%dma_wait3A_86 : memref<6400xf32, #tpu.memory_space<hbm>>)
        tpu.yield
      }) : () -> ()
    } else {
    }
    return
  }
}

#map = affine_map<(d0, d1) -> (0)>
module attributes {stable_mosaic.version = 14 : i64} {
  func.func @edge_agg(%arg0: i32, %arg1: i32, %arg2: memref<102400xf32, #tpu.memory_space<hbm>>, %arg3: memref<6400000xi32, #tpu.memory_space<hbm>>, %arg4: memref<6400000xi32, #tpu.memory_space<hbm>>, %arg5: memref<6400000xf32, #tpu.memory_space<hbm>>, %arg6: memref<102400xf32, #tpu.memory_space<hbm>>, %arg7: memref<102400xf32, #tpu.memory_space<hbm>>, %arg8: memref<8000xi32, #tpu.memory_space<vmem>>, %arg9: memref<8000xi32, #tpu.memory_space<vmem>>, %arg10: memref<8000xi32, #tpu.memory_space<vmem>>, %arg11: memref<8000xi32, #tpu.memory_space<vmem>>, %arg12: memref<8000xf32, #tpu.memory_space<vmem>>, %arg13: memref<8000xf32, #tpu.memory_space<vmem>>, %arg14: memref<8000xf32, #tpu.memory_space<vmem>>, %arg15: memref<8000xf32, #tpu.memory_space<vmem>>, %arg16: memref<102400xf32, #tpu.memory_space<vmem_shared>>, %arg17: memref<102400xf32, #tpu.memory_space<vmem_shared>>, %arg18: memref<!tpu.dma_semaphore, #tpu.memory_space<semaphore_mem>>, %arg19: memref<!tpu.dma_semaphore, #tpu.memory_space<semaphore_mem>>, %arg20: memref<!tpu.dma_semaphore, #tpu.memory_space<semaphore_mem>>) attributes {dimension_semantics = [#tpu.dimension_semantics<core_parallel>, #tpu.dimension_semantics<subcore_parallel>], iteration_bounds = array<i64: 2, 16>, scalar_prefetch = 0 : i64, scratch_operands = 13 : i64, tpu.core_type = #tpu.core_type<sc_vector_subcore>, window_params = [{transform_indices = #map}, {transform_indices = #map}, {transform_indices = #map}, {transform_indices = #map}, {transform_indices = #map}, {transform_indices = #map}]} {
    %mul3A = arith.constant 2 : i32
    %mul3A_0 = arith.muli %arg1, %mul3A : i32
    %add3A = arith.addi %mul3A_0, %arg0 : i32
    %mul3A_1 = arith.constant 200000 : i32
    %mul3A_2 = arith.muli %add3A, %mul3A_1 : i32
    %mul3A_3 = arith.constant 6400 : i32
    %mul3A_4 = arith.muli %arg1, %mul3A_3 : i32
    "tpu.region"() ({
      %run_scoped3A = tpu.sem_alloc : memref<!tpu.dma_semaphore, #tpu.memory_space<semaphore_mem>>
      %dma_start3A_73 = arith.constant 0 : i32
      %dma_start3A_74 = tpu.memref_slice %arg14[%dma_start3A_73] : memref<8000xf32, #tpu.memory_space<vmem>> -> memref<6400xf32, #tpu.memory_space<vmem>>
      %dma_start3A_75 = tpu.memref_slice %arg2[%mul3A_4] : memref<102400xf32, #tpu.memory_space<hbm>> -> memref<6400xf32, #tpu.memory_space<hbm>>
      %dma_start3A_76 = arith.constant 0 : i32
      %dma_start3A_77 = tpu.memref_slice %arg14[%dma_start3A_76] : memref<8000xf32, #tpu.memory_space<vmem>> -> memref<6400xf32, #tpu.memory_space<vmem>>
      %dma_start3A_78 = tpu.memref_slice %arg2[%mul3A_4] : memref<102400xf32, #tpu.memory_space<hbm>> -> memref<6400xf32, #tpu.memory_space<hbm>>
      tpu.enqueue_dma source(%dma_start3A_78 : memref<6400xf32, #tpu.memory_space<hbm>>) target(%dma_start3A_77 : memref<6400xf32, #tpu.memory_space<vmem>>) target_semaphore(%run_scoped3A : memref<!tpu.dma_semaphore, #tpu.memory_space<semaphore_mem>>)
      %dma_wait3A_79 = arith.constant 0 : i32
      %dma_wait3A_80 = tpu.memref_slice %arg14[%dma_wait3A_79] : memref<8000xf32, #tpu.memory_space<vmem>> -> memref<6400xf32, #tpu.memory_space<vmem>>
      %dma_wait3A_81 = tpu.memref_slice %arg2[%mul3A_4] : memref<102400xf32, #tpu.memory_space<hbm>> -> memref<6400xf32, #tpu.memory_space<hbm>>
      %dma_wait3A_82 = arith.constant 0 : i32
      %dma_wait3A_83 = tpu.memref_slice %arg14[%dma_wait3A_82] : memref<8000xf32, #tpu.memory_space<vmem>> -> memref<6400xf32, #tpu.memory_space<vmem>>
      %dma_wait3A_84 = tpu.memref_slice %arg2[%mul3A_4] : memref<102400xf32, #tpu.memory_space<hbm>> -> memref<6400xf32, #tpu.memory_space<hbm>>
      tpu.wait_dma2 semaphore(%run_scoped3A : memref<!tpu.dma_semaphore, #tpu.memory_space<semaphore_mem>>) src(%dma_wait3A_84 : memref<6400xf32, #tpu.memory_space<hbm>>) dst(%dma_wait3A_83 : memref<6400xf32, #tpu.memory_space<vmem>>)
      tpu.yield
    }) : () -> ()
    %mul3A_5 = arith.constant 6400 : i32
    %mul3A_6 = arith.muli %arg1, %mul3A_5 : i32
    "tpu.region"() ({
      %run_scoped3A = tpu.sem_alloc : memref<!tpu.dma_semaphore, #tpu.memory_space<semaphore_mem>>
      %dma_start3A_73 = arith.constant 0 : i32
      %dma_start3A_74 = tpu.memref_slice %arg14[%dma_start3A_73] : memref<8000xf32, #tpu.memory_space<vmem>> -> memref<6400xf32, #tpu.memory_space<vmem>>
      %dma_start3A_75 = tpu.memref_slice %arg17[%mul3A_6] : memref<102400xf32, #tpu.memory_space<vmem_shared>> -> memref<6400xf32, #tpu.memory_space<vmem_shared>>
      %dma_start3A_76 = tpu.memref_slice %arg17[%mul3A_6] : memref<102400xf32, #tpu.memory_space<vmem_shared>> -> memref<6400xf32, #tpu.memory_space<vmem_shared>>
      %dma_start3A_77 = arith.constant 0 : i32
      %dma_start3A_78 = tpu.memref_slice %arg14[%dma_start3A_77] : memref<8000xf32, #tpu.memory_space<vmem>> -> memref<6400xf32, #tpu.memory_space<vmem>>
      tpu.enqueue_dma source(%dma_start3A_78 : memref<6400xf32, #tpu.memory_space<vmem>>) target(%dma_start3A_76 : memref<6400xf32, #tpu.memory_space<vmem_shared>>) target_semaphore(%run_scoped3A : memref<!tpu.dma_semaphore, #tpu.memory_space<semaphore_mem>>)
      %dma_wait3A_79 = arith.constant 0 : i32
      %dma_wait3A_80 = tpu.memref_slice %arg14[%dma_wait3A_79] : memref<8000xf32, #tpu.memory_space<vmem>> -> memref<6400xf32, #tpu.memory_space<vmem>>
      %dma_wait3A_81 = tpu.memref_slice %arg17[%mul3A_6] : memref<102400xf32, #tpu.memory_space<vmem_shared>> -> memref<6400xf32, #tpu.memory_space<vmem_shared>>
      %dma_wait3A_82 = tpu.memref_slice %arg17[%mul3A_6] : memref<102400xf32, #tpu.memory_space<vmem_shared>> -> memref<6400xf32, #tpu.memory_space<vmem_shared>>
      %dma_wait3A_83 = arith.constant 0 : i32
      %dma_wait3A_84 = tpu.memref_slice %arg14[%dma_wait3A_83] : memref<8000xf32, #tpu.memory_space<vmem>> -> memref<6400xf32, #tpu.memory_space<vmem>>
      tpu.wait_dma2 semaphore(%run_scoped3A : memref<!tpu.dma_semaphore, #tpu.memory_space<semaphore_mem>>) src(%dma_wait3A_84 : memref<6400xf32, #tpu.memory_space<vmem>>) dst(%dma_wait3A_82 : memref<6400xf32, #tpu.memory_space<vmem_shared>>)
      tpu.yield
    }) : () -> ()
    %mul3A_7 = arith.constant 6400 : i32
    %mul3A_8 = arith.muli %arg1, %mul3A_7 : i32
    "tpu.region"() ({
      %run_scoped3A = tpu.sem_alloc : memref<!tpu.dma_semaphore, #tpu.memory_space<semaphore_mem>>
      %dma_start3A_73 = arith.constant 0 : i32
      %dma_start3A_74 = tpu.memref_slice %arg14[%dma_start3A_73] : memref<8000xf32, #tpu.memory_space<vmem>> -> memref<6400xf32, #tpu.memory_space<vmem>>
      %dma_start3A_75 = tpu.memref_slice %arg16[%mul3A_8] : memref<102400xf32, #tpu.memory_space<vmem_shared>> -> memref<6400xf32, #tpu.memory_space<vmem_shared>>
      %dma_start3A_76 = tpu.memref_slice %arg16[%mul3A_8] : memref<102400xf32, #tpu.memory_space<vmem_shared>> -> memref<6400xf32, #tpu.memory_space<vmem_shared>>
      %dma_start3A_77 = arith.constant 0 : i32
      %dma_start3A_78 = tpu.memref_slice %arg14[%dma_start3A_77] : memref<8000xf32, #tpu.memory_space<vmem>> -> memref<6400xf32, #tpu.memory_space<vmem>>
      tpu.enqueue_dma source(%dma_start3A_78 : memref<6400xf32, #tpu.memory_space<vmem>>) target(%dma_start3A_76 : memref<6400xf32, #tpu.memory_space<vmem_shared>>) target_semaphore(%run_scoped3A : memref<!tpu.dma_semaphore, #tpu.memory_space<semaphore_mem>>)
      %dma_wait3A_79 = arith.constant 0 : i32
      %dma_wait3A_80 = tpu.memref_slice %arg14[%dma_wait3A_79] : memref<8000xf32, #tpu.memory_space<vmem>> -> memref<6400xf32, #tpu.memory_space<vmem>>
      %dma_wait3A_81 = tpu.memref_slice %arg16[%mul3A_8] : memref<102400xf32, #tpu.memory_space<vmem_shared>> -> memref<6400xf32, #tpu.memory_space<vmem_shared>>
      %dma_wait3A_82 = tpu.memref_slice %arg16[%mul3A_8] : memref<102400xf32, #tpu.memory_space<vmem_shared>> -> memref<6400xf32, #tpu.memory_space<vmem_shared>>
      %dma_wait3A_83 = arith.constant 0 : i32
      %dma_wait3A_84 = tpu.memref_slice %arg14[%dma_wait3A_83] : memref<8000xf32, #tpu.memory_space<vmem>> -> memref<6400xf32, #tpu.memory_space<vmem>>
      tpu.wait_dma2 semaphore(%run_scoped3A : memref<!tpu.dma_semaphore, #tpu.memory_space<semaphore_mem>>) src(%dma_wait3A_84 : memref<6400xf32, #tpu.memory_space<vmem>>) dst(%dma_wait3A_82 : memref<6400xf32, #tpu.memory_space<vmem_shared>>)
      tpu.yield
    }) : () -> ()
    %barrier3A = arith.constant 0 : index
    tpu.barrier barrier_id(%barrier3A)
    %add3A_9 = arith.constant 0 : i32
    %add3A_10 = arith.addi %mul3A_2, %add3A_9 : i32
    %multiple_of3A = tpu.assume_multiple %add3A_10, 8 : i32
    %dma_start3A = tpu.memref_slice %arg3[%multiple_of3A] : memref<6400000xi32, #tpu.memory_space<hbm>> -> memref<8000xi32, #tpu.memory_space<hbm>>
    %dma_start3A_11 = tpu.memref_slice %arg3[%multiple_of3A] : memref<6400000xi32, #tpu.memory_space<hbm>> -> memref<8000xi32, #tpu.memory_space<hbm>>
    tpu.enqueue_dma source(%dma_start3A_11 : memref<8000xi32, #tpu.memory_space<hbm>>) target(%arg8 : memref<8000xi32, #tpu.memory_space<vmem>>) target_semaphore(%arg18 : memref<!tpu.dma_semaphore, #tpu.memory_space<semaphore_mem>>)
    %dma_start3A_12 = tpu.memref_slice %arg5[%multiple_of3A] : memref<6400000xf32, #tpu.memory_space<hbm>> -> memref<8000xf32, #tpu.memory_space<hbm>>
    %dma_start3A_13 = tpu.memref_slice %arg5[%multiple_of3A] : memref<6400000xf32, #tpu.memory_space<hbm>> -> memref<8000xf32, #tpu.memory_space<hbm>>
    tpu.enqueue_dma source(%dma_start3A_13 : memref<8000xf32, #tpu.memory_space<hbm>>) target(%arg12 : memref<8000xf32, #tpu.memory_space<vmem>>) target_semaphore(%arg18 : memref<!tpu.dma_semaphore, #tpu.memory_space<semaphore_mem>>)
    %dma_start3A_14 = tpu.memref_slice %arg4[%multiple_of3A] : memref<6400000xi32, #tpu.memory_space<hbm>> -> memref<8000xi32, #tpu.memory_space<hbm>>
    %dma_start3A_15 = tpu.memref_slice %arg4[%multiple_of3A] : memref<6400000xi32, #tpu.memory_space<hbm>> -> memref<8000xi32, #tpu.memory_space<hbm>>
    tpu.enqueue_dma source(%dma_start3A_15 : memref<8000xi32, #tpu.memory_space<hbm>>) target(%arg10 : memref<8000xi32, #tpu.memory_space<vmem>>) target_semaphore(%arg18 : memref<!tpu.dma_semaphore, #tpu.memory_space<semaphore_mem>>)
    %add3A_16 = arith.constant 0 : i32
    %add3A_17 = arith.addi %mul3A_2, %add3A_16 : i32
    %multiple_of3A_18 = tpu.assume_multiple %add3A_17, 8 : i32
    %dma_wait3A = tpu.memref_slice %arg3[%multiple_of3A_18] : memref<6400000xi32, #tpu.memory_space<hbm>> -> memref<8000xi32, #tpu.memory_space<hbm>>
    %dma_wait3A_19 = tpu.memref_slice %arg3[%multiple_of3A_18] : memref<6400000xi32, #tpu.memory_space<hbm>> -> memref<8000xi32, #tpu.memory_space<hbm>>
    tpu.wait_dma2 semaphore(%arg18 : memref<!tpu.dma_semaphore, #tpu.memory_space<semaphore_mem>>) src(%dma_wait3A_19 : memref<8000xi32, #tpu.memory_space<hbm>>) dst(%arg8 : memref<8000xi32, #tpu.memory_space<vmem>>)
    %dma_wait3A_20 = tpu.memref_slice %arg5[%multiple_of3A_18] : memref<6400000xf32, #tpu.memory_space<hbm>> -> memref<8000xf32, #tpu.memory_space<hbm>>
    %dma_wait3A_21 = tpu.memref_slice %arg5[%multiple_of3A_18] : memref<6400000xf32, #tpu.memory_space<hbm>> -> memref<8000xf32, #tpu.memory_space<hbm>>
    tpu.wait_dma2 semaphore(%arg18 : memref<!tpu.dma_semaphore, #tpu.memory_space<semaphore_mem>>) src(%dma_wait3A_21 : memref<8000xf32, #tpu.memory_space<hbm>>) dst(%arg12 : memref<8000xf32, #tpu.memory_space<vmem>>)
    %dma_wait3A_22 = tpu.memref_slice %arg4[%multiple_of3A_18] : memref<6400000xi32, #tpu.memory_space<hbm>> -> memref<8000xi32, #tpu.memory_space<hbm>>
    %dma_wait3A_23 = tpu.memref_slice %arg4[%multiple_of3A_18] : memref<6400000xi32, #tpu.memory_space<hbm>> -> memref<8000xi32, #tpu.memory_space<hbm>>
    tpu.wait_dma2 semaphore(%arg18 : memref<!tpu.dma_semaphore, #tpu.memory_space<semaphore_mem>>) src(%dma_wait3A_23 : memref<8000xi32, #tpu.memory_space<hbm>>) dst(%arg10 : memref<8000xi32, #tpu.memory_space<vmem>>)
    %add3A_24 = arith.constant 8000 : i32
    %add3A_25 = arith.addi %mul3A_2, %add3A_24 : i32
    %multiple_of3A_26 = tpu.assume_multiple %add3A_25, 8 : i32
    %dma_start3A_27 = tpu.memref_slice %arg3[%multiple_of3A_26] : memref<6400000xi32, #tpu.memory_space<hbm>> -> memref<8000xi32, #tpu.memory_space<hbm>>
    %dma_start3A_28 = tpu.memref_slice %arg3[%multiple_of3A_26] : memref<6400000xi32, #tpu.memory_space<hbm>> -> memref<8000xi32, #tpu.memory_space<hbm>>
    tpu.enqueue_dma source(%dma_start3A_28 : memref<8000xi32, #tpu.memory_space<hbm>>) target(%arg9 : memref<8000xi32, #tpu.memory_space<vmem>>) target_semaphore(%arg19 : memref<!tpu.dma_semaphore, #tpu.memory_space<semaphore_mem>>)
    %dma_start3A_29 = tpu.memref_slice %arg5[%multiple_of3A_26] : memref<6400000xf32, #tpu.memory_space<hbm>> -> memref<8000xf32, #tpu.memory_space<hbm>>
    %dma_start3A_30 = tpu.memref_slice %arg5[%multiple_of3A_26] : memref<6400000xf32, #tpu.memory_space<hbm>> -> memref<8000xf32, #tpu.memory_space<hbm>>
    tpu.enqueue_dma source(%dma_start3A_30 : memref<8000xf32, #tpu.memory_space<hbm>>) target(%arg13 : memref<8000xf32, #tpu.memory_space<vmem>>) target_semaphore(%arg19 : memref<!tpu.dma_semaphore, #tpu.memory_space<semaphore_mem>>)
    %dma_start3A_31 = tpu.memref_slice %arg4[%multiple_of3A_26] : memref<6400000xi32, #tpu.memory_space<hbm>> -> memref<8000xi32, #tpu.memory_space<hbm>>
    %dma_start3A_32 = tpu.memref_slice %arg4[%multiple_of3A_26] : memref<6400000xi32, #tpu.memory_space<hbm>> -> memref<8000xi32, #tpu.memory_space<hbm>>
    tpu.enqueue_dma source(%dma_start3A_32 : memref<8000xi32, #tpu.memory_space<hbm>>) target(%arg11 : memref<8000xi32, #tpu.memory_space<vmem>>) target_semaphore(%arg19 : memref<!tpu.dma_semaphore, #tpu.memory_space<semaphore_mem>>)
    %scan3A = arith.constant 0 : i32
    %scan3A_33 = arith.constant 0 : i32
    %scan3A_34 = arith.constant 11 : i32
    %scan3A_35 = arith.addi %scan3A_33, %scan3A_34 : i32
    %scan3A_36 = arith.constant 1 : i32
    scf.for %scan3A_73 = %scan3A_33 to %scan3A_35 step %scan3A_36  : i32 {
      %mul3A_74 = arith.constant 2 : i32
      %mul3A_75 = arith.muli %mul3A_74, %scan3A_73 : i32
      %add3A_76 = arith.constant 1 : i32
      %add3A_77 = arith.addi %mul3A_75, %add3A_76 : i32
      %mul3A_78 = arith.constant 8000 : i32
      %mul3A_79 = arith.muli %add3A_77, %mul3A_78 : i32
      %add3A_80 = arith.addi %mul3A_2, %mul3A_79 : i32
      %multiple_of3A_81 = tpu.assume_multiple %add3A_80, 8 : i32
      %dma_wait3A_82 = tpu.memref_slice %arg3[%multiple_of3A_81] : memref<6400000xi32, #tpu.memory_space<hbm>> -> memref<8000xi32, #tpu.memory_space<hbm>>
      %dma_wait3A_83 = tpu.memref_slice %arg3[%multiple_of3A_81] : memref<6400000xi32, #tpu.memory_space<hbm>> -> memref<8000xi32, #tpu.memory_space<hbm>>
      tpu.wait_dma2 semaphore(%arg19 : memref<!tpu.dma_semaphore, #tpu.memory_space<semaphore_mem>>) src(%dma_wait3A_83 : memref<8000xi32, #tpu.memory_space<hbm>>) dst(%arg9 : memref<8000xi32, #tpu.memory_space<vmem>>)
      %dma_wait3A_84 = tpu.memref_slice %arg5[%multiple_of3A_81] : memref<6400000xf32, #tpu.memory_space<hbm>> -> memref<8000xf32, #tpu.memory_space<hbm>>
      %dma_wait3A_85 = tpu.memref_slice %arg5[%multiple_of3A_81] : memref<6400000xf32, #tpu.memory_space<hbm>> -> memref<8000xf32, #tpu.memory_space<hbm>>
      tpu.wait_dma2 semaphore(%arg19 : memref<!tpu.dma_semaphore, #tpu.memory_space<semaphore_mem>>) src(%dma_wait3A_85 : memref<8000xf32, #tpu.memory_space<hbm>>) dst(%arg13 : memref<8000xf32, #tpu.memory_space<vmem>>)
      %dma_wait3A_86 = tpu.memref_slice %arg4[%multiple_of3A_81] : memref<6400000xi32, #tpu.memory_space<hbm>> -> memref<8000xi32, #tpu.memory_space<hbm>>
      %dma_wait3A_87 = tpu.memref_slice %arg4[%multiple_of3A_81] : memref<6400000xi32, #tpu.memory_space<hbm>> -> memref<8000xi32, #tpu.memory_space<hbm>>
      tpu.wait_dma2 semaphore(%arg19 : memref<!tpu.dma_semaphore, #tpu.memory_space<semaphore_mem>>) src(%dma_wait3A_87 : memref<8000xi32, #tpu.memory_space<hbm>>) dst(%arg11 : memref<8000xi32, #tpu.memory_space<vmem>>)
      %add3A_88 = arith.constant 1 : i32
      %add3A_89 = arith.addi %add3A_77, %add3A_88 : i32
      %mul3A_90 = arith.constant 8000 : i32
      %mul3A_91 = arith.muli %add3A_89, %mul3A_90 : i32
      %add3A_92 = arith.addi %mul3A_2, %mul3A_91 : i32
      %multiple_of3A_93 = tpu.assume_multiple %add3A_92, 8 : i32
      %dma_start3A_94 = tpu.memref_slice %arg3[%multiple_of3A_93] : memref<6400000xi32, #tpu.memory_space<hbm>> -> memref<8000xi32, #tpu.memory_space<hbm>>
      %dma_start3A_95 = tpu.memref_slice %arg3[%multiple_of3A_93] : memref<6400000xi32, #tpu.memory_space<hbm>> -> memref<8000xi32, #tpu.memory_space<hbm>>
      tpu.enqueue_dma source(%dma_start3A_95 : memref<8000xi32, #tpu.memory_space<hbm>>) target(%arg8 : memref<8000xi32, #tpu.memory_space<vmem>>) target_semaphore(%arg18 : memref<!tpu.dma_semaphore, #tpu.memory_space<semaphore_mem>>)
      %dma_start3A_96 = tpu.memref_slice %arg5[%multiple_of3A_93] : memref<6400000xf32, #tpu.memory_space<hbm>> -> memref<8000xf32, #tpu.memory_space<hbm>>
      %dma_start3A_97 = tpu.memref_slice %arg5[%multiple_of3A_93] : memref<6400000xf32, #tpu.memory_space<hbm>> -> memref<8000xf32, #tpu.memory_space<hbm>>
      tpu.enqueue_dma source(%dma_start3A_97 : memref<8000xf32, #tpu.memory_space<hbm>>) target(%arg12 : memref<8000xf32, #tpu.memory_space<vmem>>) target_semaphore(%arg18 : memref<!tpu.dma_semaphore, #tpu.memory_space<semaphore_mem>>)
      %dma_start3A_98 = tpu.memref_slice %arg4[%multiple_of3A_93] : memref<6400000xi32, #tpu.memory_space<hbm>> -> memref<8000xi32, #tpu.memory_space<hbm>>
      %dma_start3A_99 = tpu.memref_slice %arg4[%multiple_of3A_93] : memref<6400000xi32, #tpu.memory_space<hbm>> -> memref<8000xi32, #tpu.memory_space<hbm>>
      tpu.enqueue_dma source(%dma_start3A_99 : memref<8000xi32, #tpu.memory_space<hbm>>) target(%arg10 : memref<8000xi32, #tpu.memory_space<vmem>>) target_semaphore(%arg18 : memref<!tpu.dma_semaphore, #tpu.memory_space<semaphore_mem>>)
      %mul3A_100 = arith.constant 2 : i32
      %mul3A_101 = arith.muli %mul3A_100, %scan3A_73 : i32
      %add3A_102 = arith.constant 2 : i32
      %add3A_103 = arith.addi %mul3A_101, %add3A_102 : i32
      %mul3A_104 = arith.constant 8000 : i32
      %mul3A_105 = arith.muli %add3A_103, %mul3A_104 : i32
      %add3A_106 = arith.addi %mul3A_2, %mul3A_105 : i32
      %multiple_of3A_107 = tpu.assume_multiple %add3A_106, 8 : i32
      %dma_wait3A_108 = tpu.memref_slice %arg3[%multiple_of3A_107] : memref<6400000xi32, #tpu.memory_space<hbm>> -> memref<8000xi32, #tpu.memory_space<hbm>>
      %dma_wait3A_109 = tpu.memref_slice %arg3[%multiple_of3A_107] : memref<6400000xi32, #tpu.memory_space<hbm>> -> memref<8000xi32, #tpu.memory_space<hbm>>
      tpu.wait_dma2 semaphore(%arg18 : memref<!tpu.dma_semaphore, #tpu.memory_space<semaphore_mem>>) src(%dma_wait3A_109 : memref<8000xi32, #tpu.memory_space<hbm>>) dst(%arg8 : memref<8000xi32, #tpu.memory_space<vmem>>)
      %dma_wait3A_110 = tpu.memref_slice %arg5[%multiple_of3A_107] : memref<6400000xf32, #tpu.memory_space<hbm>> -> memref<8000xf32, #tpu.memory_space<hbm>>
      %dma_wait3A_111 = tpu.memref_slice %arg5[%multiple_of3A_107] : memref<6400000xf32, #tpu.memory_space<hbm>> -> memref<8000xf32, #tpu.memory_space<hbm>>
      tpu.wait_dma2 semaphore(%arg18 : memref<!tpu.dma_semaphore, #tpu.memory_space<semaphore_mem>>) src(%dma_wait3A_111 : memref<8000xf32, #tpu.memory_space<hbm>>) dst(%arg12 : memref<8000xf32, #tpu.memory_space<vmem>>)
      %dma_wait3A_112 = tpu.memref_slice %arg4[%multiple_of3A_107] : memref<6400000xi32, #tpu.memory_space<hbm>> -> memref<8000xi32, #tpu.memory_space<hbm>>
      %dma_wait3A_113 = tpu.memref_slice %arg4[%multiple_of3A_107] : memref<6400000xi32, #tpu.memory_space<hbm>> -> memref<8000xi32, #tpu.memory_space<hbm>>
      tpu.wait_dma2 semaphore(%arg18 : memref<!tpu.dma_semaphore, #tpu.memory_space<semaphore_mem>>) src(%dma_wait3A_113 : memref<8000xi32, #tpu.memory_space<hbm>>) dst(%arg10 : memref<8000xi32, #tpu.memory_space<vmem>>)
      %add3A_114 = arith.constant 1 : i32
      %add3A_115 = arith.addi %add3A_103, %add3A_114 : i32
      %mul3A_116 = arith.constant 8000 : i32
      %mul3A_117 = arith.muli %add3A_115, %mul3A_116 : i32
      %add3A_118 = arith.addi %mul3A_2, %mul3A_117 : i32
      %multiple_of3A_119 = tpu.assume_multiple %add3A_118, 8 : i32
      %dma_start3A_120 = tpu.memref_slice %arg3[%multiple_of3A_119] : memref<6400000xi32, #tpu.memory_space<hbm>> -> memref<8000xi32, #tpu.memory_space<hbm>>
      %dma_start3A_121 = tpu.memref_slice %arg3[%multiple_of3A_119] : memref<6400000xi32, #tpu.memory_space<hbm>> -> memref<8000xi32, #tpu.memory_space<hbm>>
      tpu.enqueue_dma source(%dma_start3A_121 : memref<8000xi32, #tpu.memory_space<hbm>>) target(%arg9 : memref<8000xi32, #tpu.memory_space<vmem>>) target_semaphore(%arg19 : memref<!tpu.dma_semaphore, #tpu.memory_space<semaphore_mem>>)
      %dma_start3A_122 = tpu.memref_slice %arg5[%multiple_of3A_119] : memref<6400000xf32, #tpu.memory_space<hbm>> -> memref<8000xf32, #tpu.memory_space<hbm>>
      %dma_start3A_123 = tpu.memref_slice %arg5[%multiple_of3A_119] : memref<6400000xf32, #tpu.memory_space<hbm>> -> memref<8000xf32, #tpu.memory_space<hbm>>
      tpu.enqueue_dma source(%dma_start3A_123 : memref<8000xf32, #tpu.memory_space<hbm>>) target(%arg13 : memref<8000xf32, #tpu.memory_space<vmem>>) target_semaphore(%arg19 : memref<!tpu.dma_semaphore, #tpu.memory_space<semaphore_mem>>)
      %dma_start3A_124 = tpu.memref_slice %arg4[%multiple_of3A_119] : memref<6400000xi32, #tpu.memory_space<hbm>> -> memref<8000xi32, #tpu.memory_space<hbm>>
      %dma_start3A_125 = tpu.memref_slice %arg4[%multiple_of3A_119] : memref<6400000xi32, #tpu.memory_space<hbm>> -> memref<8000xi32, #tpu.memory_space<hbm>>
      tpu.enqueue_dma source(%dma_start3A_125 : memref<8000xi32, #tpu.memory_space<hbm>>) target(%arg11 : memref<8000xi32, #tpu.memory_space<vmem>>) target_semaphore(%arg19 : memref<!tpu.dma_semaphore, #tpu.memory_space<semaphore_mem>>)
    }
    %scan3A_37 = arith.constant 11 : i32
    %add3A_38 = arith.constant 184000 : i32
    %add3A_39 = arith.addi %mul3A_2, %add3A_38 : i32
    %multiple_of3A_40 = tpu.assume_multiple %add3A_39, 8 : i32
    %dma_wait3A_41 = tpu.memref_slice %arg3[%multiple_of3A_40] : memref<6400000xi32, #tpu.memory_space<hbm>> -> memref<8000xi32, #tpu.memory_space<hbm>>
    %dma_wait3A_42 = tpu.memref_slice %arg3[%multiple_of3A_40] : memref<6400000xi32, #tpu.memory_space<hbm>> -> memref<8000xi32, #tpu.memory_space<hbm>>
    tpu.wait_dma2 semaphore(%arg19 : memref<!tpu.dma_semaphore, #tpu.memory_space<semaphore_mem>>) src(%dma_wait3A_42 : memref<8000xi32, #tpu.memory_space<hbm>>) dst(%arg9 : memref<8000xi32, #tpu.memory_space<vmem>>)
    %dma_wait3A_43 = tpu.memref_slice %arg5[%multiple_of3A_40] : memref<6400000xf32, #tpu.memory_space<hbm>> -> memref<8000xf32, #tpu.memory_space<hbm>>
    %dma_wait3A_44 = tpu.memref_slice %arg5[%multiple_of3A_40] : memref<6400000xf32, #tpu.memory_space<hbm>> -> memref<8000xf32, #tpu.memory_space<hbm>>
    tpu.wait_dma2 semaphore(%arg19 : memref<!tpu.dma_semaphore, #tpu.memory_space<semaphore_mem>>) src(%dma_wait3A_44 : memref<8000xf32, #tpu.memory_space<hbm>>) dst(%arg13 : memref<8000xf32, #tpu.memory_space<vmem>>)
    %dma_wait3A_45 = tpu.memref_slice %arg4[%multiple_of3A_40] : memref<6400000xi32, #tpu.memory_space<hbm>> -> memref<8000xi32, #tpu.memory_space<hbm>>
    %dma_wait3A_46 = tpu.memref_slice %arg4[%multiple_of3A_40] : memref<6400000xi32, #tpu.memory_space<hbm>> -> memref<8000xi32, #tpu.memory_space<hbm>>
    tpu.wait_dma2 semaphore(%arg19 : memref<!tpu.dma_semaphore, #tpu.memory_space<semaphore_mem>>) src(%dma_wait3A_46 : memref<8000xi32, #tpu.memory_space<hbm>>) dst(%arg11 : memref<8000xi32, #tpu.memory_space<vmem>>)
    %add3A_47 = arith.constant 192000 : i32
    %add3A_48 = arith.addi %mul3A_2, %add3A_47 : i32
    %multiple_of3A_49 = tpu.assume_multiple %add3A_48, 8 : i32
    %dma_start3A_50 = tpu.memref_slice %arg3[%multiple_of3A_49] : memref<6400000xi32, #tpu.memory_space<hbm>> -> memref<8000xi32, #tpu.memory_space<hbm>>
    %dma_start3A_51 = tpu.memref_slice %arg3[%multiple_of3A_49] : memref<6400000xi32, #tpu.memory_space<hbm>> -> memref<8000xi32, #tpu.memory_space<hbm>>
    tpu.enqueue_dma source(%dma_start3A_51 : memref<8000xi32, #tpu.memory_space<hbm>>) target(%arg8 : memref<8000xi32, #tpu.memory_space<vmem>>) target_semaphore(%arg18 : memref<!tpu.dma_semaphore, #tpu.memory_space<semaphore_mem>>)
    %dma_start3A_52 = tpu.memref_slice %arg5[%multiple_of3A_49] : memref<6400000xf32, #tpu.memory_space<hbm>> -> memref<8000xf32, #tpu.memory_space<hbm>>
    %dma_start3A_53 = tpu.memref_slice %arg5[%multiple_of3A_49] : memref<6400000xf32, #tpu.memory_space<hbm>> -> memref<8000xf32, #tpu.memory_space<hbm>>
    tpu.enqueue_dma source(%dma_start3A_53 : memref<8000xf32, #tpu.memory_space<hbm>>) target(%arg12 : memref<8000xf32, #tpu.memory_space<vmem>>) target_semaphore(%arg18 : memref<!tpu.dma_semaphore, #tpu.memory_space<semaphore_mem>>)
    %dma_start3A_54 = tpu.memref_slice %arg4[%multiple_of3A_49] : memref<6400000xi32, #tpu.memory_space<hbm>> -> memref<8000xi32, #tpu.memory_space<hbm>>
    %dma_start3A_55 = tpu.memref_slice %arg4[%multiple_of3A_49] : memref<6400000xi32, #tpu.memory_space<hbm>> -> memref<8000xi32, #tpu.memory_space<hbm>>
    tpu.enqueue_dma source(%dma_start3A_55 : memref<8000xi32, #tpu.memory_space<hbm>>) target(%arg10 : memref<8000xi32, #tpu.memory_space<vmem>>) target_semaphore(%arg18 : memref<!tpu.dma_semaphore, #tpu.memory_space<semaphore_mem>>)
    %add3A_56 = arith.constant 192000 : i32
    %add3A_57 = arith.addi %mul3A_2, %add3A_56 : i32
    %multiple_of3A_58 = tpu.assume_multiple %add3A_57, 8 : i32
    %dma_wait3A_59 = tpu.memref_slice %arg3[%multiple_of3A_58] : memref<6400000xi32, #tpu.memory_space<hbm>> -> memref<8000xi32, #tpu.memory_space<hbm>>
    %dma_wait3A_60 = tpu.memref_slice %arg3[%multiple_of3A_58] : memref<6400000xi32, #tpu.memory_space<hbm>> -> memref<8000xi32, #tpu.memory_space<hbm>>
    tpu.wait_dma2 semaphore(%arg18 : memref<!tpu.dma_semaphore, #tpu.memory_space<semaphore_mem>>) src(%dma_wait3A_60 : memref<8000xi32, #tpu.memory_space<hbm>>) dst(%arg8 : memref<8000xi32, #tpu.memory_space<vmem>>)
    %dma_wait3A_61 = tpu.memref_slice %arg5[%multiple_of3A_58] : memref<6400000xf32, #tpu.memory_space<hbm>> -> memref<8000xf32, #tpu.memory_space<hbm>>
    %dma_wait3A_62 = tpu.memref_slice %arg5[%multiple_of3A_58] : memref<6400000xf32, #tpu.memory_space<hbm>> -> memref<8000xf32, #tpu.memory_space<hbm>>
    tpu.wait_dma2 semaphore(%arg18 : memref<!tpu.dma_semaphore, #tpu.memory_space<semaphore_mem>>) src(%dma_wait3A_62 : memref<8000xf32, #tpu.memory_space<hbm>>) dst(%arg12 : memref<8000xf32, #tpu.memory_space<vmem>>)
    %dma_wait3A_63 = tpu.memref_slice %arg4[%multiple_of3A_58] : memref<6400000xi32, #tpu.memory_space<hbm>> -> memref<8000xi32, #tpu.memory_space<hbm>>
    %dma_wait3A_64 = tpu.memref_slice %arg4[%multiple_of3A_58] : memref<6400000xi32, #tpu.memory_space<hbm>> -> memref<8000xi32, #tpu.memory_space<hbm>>
    tpu.wait_dma2 semaphore(%arg18 : memref<!tpu.dma_semaphore, #tpu.memory_space<semaphore_mem>>) src(%dma_wait3A_64 : memref<8000xi32, #tpu.memory_space<hbm>>) dst(%arg10 : memref<8000xi32, #tpu.memory_space<vmem>>)
    %barrier3A_65 = arith.constant 0 : index
    tpu.barrier barrier_id(%barrier3A_65)
    %eq3A = arith.constant 0 : i32
    %eq3A_66 = arith.cmpi eq, %arg0, %eq3A : i32
    %convert_element_type3A = arith.extui %eq3A_66 : i1 to i32
    %cond3A = arith.constant 0 : i32
    %cond3A_67 = arith.cmpi ne, %convert_element_type3A, %cond3A : i32
    scf.if %cond3A_67 {
      %mul3A_73 = arith.constant 6400 : i32
      %mul3A_74 = arith.muli %arg1, %mul3A_73 : i32
      "tpu.region"() ({
        %run_scoped3A = tpu.sem_alloc : memref<!tpu.dma_semaphore, #tpu.memory_space<semaphore_mem>>
        %dma_start3A_77 = arith.constant 0 : i32
        %dma_start3A_78 = tpu.memref_slice %arg14[%dma_start3A_77] : memref<8000xf32, #tpu.memory_space<vmem>> -> memref<6400xf32, #tpu.memory_space<vmem>>
        %dma_start3A_79 = tpu.memref_slice %arg16[%mul3A_74] : memref<102400xf32, #tpu.memory_space<vmem_shared>> -> memref<6400xf32, #tpu.memory_space<vmem_shared>>
        %dma_start3A_80 = arith.constant 0 : i32
        %dma_start3A_81 = tpu.memref_slice %arg14[%dma_start3A_80] : memref<8000xf32, #tpu.memory_space<vmem>> -> memref<6400xf32, #tpu.memory_space<vmem>>
        %dma_start3A_82 = tpu.memref_slice %arg16[%mul3A_74] : memref<102400xf32, #tpu.memory_space<vmem_shared>> -> memref<6400xf32, #tpu.memory_space<vmem_shared>>
        tpu.enqueue_dma source(%dma_start3A_82 : memref<6400xf32, #tpu.memory_space<vmem_shared>>) target(%dma_start3A_81 : memref<6400xf32, #tpu.memory_space<vmem>>) target_semaphore(%run_scoped3A : memref<!tpu.dma_semaphore, #tpu.memory_space<semaphore_mem>>)
        %dma_wait3A_83 = arith.constant 0 : i32
        %dma_wait3A_84 = tpu.memref_slice %arg14[%dma_wait3A_83] : memref<8000xf32, #tpu.memory_space<vmem>> -> memref<6400xf32, #tpu.memory_space<vmem>>
        %dma_wait3A_85 = tpu.memref_slice %arg16[%mul3A_74] : memref<102400xf32, #tpu.memory_space<vmem_shared>> -> memref<6400xf32, #tpu.memory_space<vmem_shared>>
        %dma_wait3A_86 = arith.constant 0 : i32
        %dma_wait3A_87 = tpu.memref_slice %arg14[%dma_wait3A_86] : memref<8000xf32, #tpu.memory_space<vmem>> -> memref<6400xf32, #tpu.memory_space<vmem>>
        %dma_wait3A_88 = tpu.memref_slice %arg16[%mul3A_74] : memref<102400xf32, #tpu.memory_space<vmem_shared>> -> memref<6400xf32, #tpu.memory_space<vmem_shared>>
        tpu.wait_dma2 semaphore(%run_scoped3A : memref<!tpu.dma_semaphore, #tpu.memory_space<semaphore_mem>>) src(%dma_wait3A_88 : memref<6400xf32, #tpu.memory_space<vmem_shared>>) dst(%dma_wait3A_87 : memref<6400xf32, #tpu.memory_space<vmem>>)
        tpu.yield
      }) : () -> ()
      %mul3A_75 = arith.constant 6400 : i32
      %mul3A_76 = arith.muli %arg1, %mul3A_75 : i32
      "tpu.region"() ({
        %run_scoped3A = tpu.sem_alloc : memref<!tpu.dma_semaphore, #tpu.memory_space<semaphore_mem>>
        %dma_start3A_77 = arith.constant 0 : i32
        %dma_start3A_78 = tpu.memref_slice %arg14[%dma_start3A_77] : memref<8000xf32, #tpu.memory_space<vmem>> -> memref<6400xf32, #tpu.memory_space<vmem>>
        %dma_start3A_79 = tpu.memref_slice %arg6[%mul3A_76] : memref<102400xf32, #tpu.memory_space<hbm>> -> memref<6400xf32, #tpu.memory_space<hbm>>
        %dma_start3A_80 = tpu.memref_slice %arg6[%mul3A_76] : memref<102400xf32, #tpu.memory_space<hbm>> -> memref<6400xf32, #tpu.memory_space<hbm>>
        %dma_start3A_81 = arith.constant 0 : i32
        %dma_start3A_82 = tpu.memref_slice %arg14[%dma_start3A_81] : memref<8000xf32, #tpu.memory_space<vmem>> -> memref<6400xf32, #tpu.memory_space<vmem>>
        tpu.enqueue_dma source(%dma_start3A_82 : memref<6400xf32, #tpu.memory_space<vmem>>) target(%dma_start3A_80 : memref<6400xf32, #tpu.memory_space<hbm>>) target_semaphore(%run_scoped3A : memref<!tpu.dma_semaphore, #tpu.memory_space<semaphore_mem>>)
        %dma_wait3A_83 = arith.constant 0 : i32
        %dma_wait3A_84 = tpu.memref_slice %arg14[%dma_wait3A_83] : memref<8000xf32, #tpu.memory_space<vmem>> -> memref<6400xf32, #tpu.memory_space<vmem>>
        %dma_wait3A_85 = tpu.memref_slice %arg6[%mul3A_76] : memref<102400xf32, #tpu.memory_space<hbm>> -> memref<6400xf32, #tpu.memory_space<hbm>>
        %dma_wait3A_86 = tpu.memref_slice %arg6[%mul3A_76] : memref<102400xf32, #tpu.memory_space<hbm>> -> memref<6400xf32, #tpu.memory_space<hbm>>
        %dma_wait3A_87 = arith.constant 0 : i32
        %dma_wait3A_88 = tpu.memref_slice %arg14[%dma_wait3A_87] : memref<8000xf32, #tpu.memory_space<vmem>> -> memref<6400xf32, #tpu.memory_space<vmem>>
        tpu.wait_dma2 semaphore(%run_scoped3A : memref<!tpu.dma_semaphore, #tpu.memory_space<semaphore_mem>>) src(%dma_wait3A_88 : memref<6400xf32, #tpu.memory_space<vmem>>) dst(%dma_wait3A_86 : memref<6400xf32, #tpu.memory_space<hbm>>)
        tpu.yield
      }) : () -> ()
    } else {
    }
    %eq3A_68 = arith.constant 1 : i32
    %eq3A_69 = arith.cmpi eq, %arg0, %eq3A_68 : i32
    %convert_element_type3A_70 = arith.extui %eq3A_69 : i1 to i32
    %cond3A_71 = arith.constant 0 : i32
    %cond3A_72 = arith.cmpi ne, %convert_element_type3A_70, %cond3A_71 : i32
    scf.if %cond3A_72 {
      %mul3A_73 = arith.constant 6400 : i32
      %mul3A_74 = arith.muli %arg1, %mul3A_73 : i32
      "tpu.region"() ({
        %run_scoped3A = tpu.sem_alloc : memref<!tpu.dma_semaphore, #tpu.memory_space<semaphore_mem>>
        %dma_start3A_77 = arith.constant 0 : i32
        %dma_start3A_78 = tpu.memref_slice %arg14[%dma_start3A_77] : memref<8000xf32, #tpu.memory_space<vmem>> -> memref<6400xf32, #tpu.memory_space<vmem>>
        %dma_start3A_79 = tpu.memref_slice %arg16[%mul3A_74] : memref<102400xf32, #tpu.memory_space<vmem_shared>> -> memref<6400xf32, #tpu.memory_space<vmem_shared>>
        %dma_start3A_80 = arith.constant 0 : i32
        %dma_start3A_81 = tpu.memref_slice %arg14[%dma_start3A_80] : memref<8000xf32, #tpu.memory_space<vmem>> -> memref<6400xf32, #tpu.memory_space<vmem>>
        %dma_start3A_82 = tpu.memref_slice %arg16[%mul3A_74] : memref<102400xf32, #tpu.memory_space<vmem_shared>> -> memref<6400xf32, #tpu.memory_space<vmem_shared>>
        tpu.enqueue_dma source(%dma_start3A_82 : memref<6400xf32, #tpu.memory_space<vmem_shared>>) target(%dma_start3A_81 : memref<6400xf32, #tpu.memory_space<vmem>>) target_semaphore(%run_scoped3A : memref<!tpu.dma_semaphore, #tpu.memory_space<semaphore_mem>>)
        %dma_wait3A_83 = arith.constant 0 : i32
        %dma_wait3A_84 = tpu.memref_slice %arg14[%dma_wait3A_83] : memref<8000xf32, #tpu.memory_space<vmem>> -> memref<6400xf32, #tpu.memory_space<vmem>>
        %dma_wait3A_85 = tpu.memref_slice %arg16[%mul3A_74] : memref<102400xf32, #tpu.memory_space<vmem_shared>> -> memref<6400xf32, #tpu.memory_space<vmem_shared>>
        %dma_wait3A_86 = arith.constant 0 : i32
        %dma_wait3A_87 = tpu.memref_slice %arg14[%dma_wait3A_86] : memref<8000xf32, #tpu.memory_space<vmem>> -> memref<6400xf32, #tpu.memory_space<vmem>>
        %dma_wait3A_88 = tpu.memref_slice %arg16[%mul3A_74] : memref<102400xf32, #tpu.memory_space<vmem_shared>> -> memref<6400xf32, #tpu.memory_space<vmem_shared>>
        tpu.wait_dma2 semaphore(%run_scoped3A : memref<!tpu.dma_semaphore, #tpu.memory_space<semaphore_mem>>) src(%dma_wait3A_88 : memref<6400xf32, #tpu.memory_space<vmem_shared>>) dst(%dma_wait3A_87 : memref<6400xf32, #tpu.memory_space<vmem>>)
        tpu.yield
      }) : () -> ()
      %mul3A_75 = arith.constant 6400 : i32
      %mul3A_76 = arith.muli %arg1, %mul3A_75 : i32
      "tpu.region"() ({
        %run_scoped3A = tpu.sem_alloc : memref<!tpu.dma_semaphore, #tpu.memory_space<semaphore_mem>>
        %dma_start3A_77 = arith.constant 0 : i32
        %dma_start3A_78 = tpu.memref_slice %arg14[%dma_start3A_77] : memref<8000xf32, #tpu.memory_space<vmem>> -> memref<6400xf32, #tpu.memory_space<vmem>>
        %dma_start3A_79 = tpu.memref_slice %arg7[%mul3A_76] : memref<102400xf32, #tpu.memory_space<hbm>> -> memref<6400xf32, #tpu.memory_space<hbm>>
        %dma_start3A_80 = tpu.memref_slice %arg7[%mul3A_76] : memref<102400xf32, #tpu.memory_space<hbm>> -> memref<6400xf32, #tpu.memory_space<hbm>>
        %dma_start3A_81 = arith.constant 0 : i32
        %dma_start3A_82 = tpu.memref_slice %arg14[%dma_start3A_81] : memref<8000xf32, #tpu.memory_space<vmem>> -> memref<6400xf32, #tpu.memory_space<vmem>>
        tpu.enqueue_dma source(%dma_start3A_82 : memref<6400xf32, #tpu.memory_space<vmem>>) target(%dma_start3A_80 : memref<6400xf32, #tpu.memory_space<hbm>>) target_semaphore(%run_scoped3A : memref<!tpu.dma_semaphore, #tpu.memory_space<semaphore_mem>>)
        %dma_wait3A_83 = arith.constant 0 : i32
        %dma_wait3A_84 = tpu.memref_slice %arg14[%dma_wait3A_83] : memref<8000xf32, #tpu.memory_space<vmem>> -> memref<6400xf32, #tpu.memory_space<vmem>>
        %dma_wait3A_85 = tpu.memref_slice %arg7[%mul3A_76] : memref<102400xf32, #tpu.memory_space<hbm>> -> memref<6400xf32, #tpu.memory_space<hbm>>
        %dma_wait3A_86 = tpu.memref_slice %arg7[%mul3A_76] : memref<102400xf32, #tpu.memory_space<hbm>> -> memref<6400xf32, #tpu.memory_space<hbm>>
        %dma_wait3A_87 = arith.constant 0 : i32
        %dma_wait3A_88 = tpu.memref_slice %arg14[%dma_wait3A_87] : memref<8000xf32, #tpu.memory_space<vmem>> -> memref<6400xf32, #tpu.memory_space<vmem>>
        tpu.wait_dma2 semaphore(%run_scoped3A : memref<!tpu.dma_semaphore, #tpu.memory_space<semaphore_mem>>) src(%dma_wait3A_88 : memref<6400xf32, #tpu.memory_space<vmem>>) dst(%dma_wait3A_86 : memref<6400xf32, #tpu.memory_space<hbm>>)
        tpu.yield
      }) : () -> ()
    } else {
    }
    return
  }
}

#map = affine_map<(d0, d1) -> (0)>
module attributes {stable_mosaic.version = 14 : i64} {
  func.func @edge_agg(%arg0: i32, %arg1: i32, %arg2: memref<102400xf32, #tpu.memory_space<hbm>>, %arg3: memref<6400000xi32, #tpu.memory_space<hbm>>, %arg4: memref<6400000xi32, #tpu.memory_space<hbm>>, %arg5: memref<6400000xf32, #tpu.memory_space<hbm>>, %arg6: memref<102400xf32, #tpu.memory_space<hbm>>, %arg7: memref<102400xf32, #tpu.memory_space<hbm>>, %arg8: memref<8000xi32, #tpu.memory_space<vmem>>, %arg9: memref<8000xi32, #tpu.memory_space<vmem>>, %arg10: memref<8000xi32, #tpu.memory_space<vmem>>, %arg11: memref<8000xi32, #tpu.memory_space<vmem>>, %arg12: memref<8000xf32, #tpu.memory_space<vmem>>, %arg13: memref<8000xf32, #tpu.memory_space<vmem>>, %arg14: memref<8000xf32, #tpu.memory_space<vmem>>, %arg15: memref<8000xf32, #tpu.memory_space<vmem>>, %arg16: memref<102400xf32, #tpu.memory_space<vmem_shared>>, %arg17: memref<102400xf32, #tpu.memory_space<vmem_shared>>, %arg18: memref<!tpu.dma_semaphore, #tpu.memory_space<semaphore_mem>>, %arg19: memref<!tpu.dma_semaphore, #tpu.memory_space<semaphore_mem>>, %arg20: memref<!tpu.dma_semaphore, #tpu.memory_space<semaphore_mem>>) attributes {dimension_semantics = [#tpu.dimension_semantics<core_parallel>, #tpu.dimension_semantics<subcore_parallel>], iteration_bounds = array<i64: 2, 16>, scalar_prefetch = 0 : i64, scratch_operands = 13 : i64, tpu.core_type = #tpu.core_type<sc_vector_subcore>, window_params = [{transform_indices = #map}, {transform_indices = #map}, {transform_indices = #map}, {transform_indices = #map}, {transform_indices = #map}, {transform_indices = #map}]} {
    %mul3A = arith.constant 2 : i32
    %mul3A_0 = arith.muli %arg1, %mul3A : i32
    %add3A = arith.addi %mul3A_0, %arg0 : i32
    %mul3A_1 = arith.constant 200000 : i32
    %mul3A_2 = arith.muli %add3A, %mul3A_1 : i32
    %mul3A_3 = arith.constant 6400 : i32
    %mul3A_4 = arith.muli %arg1, %mul3A_3 : i32
    "tpu.region"() ({
      %run_scoped3A = tpu.sem_alloc : memref<!tpu.dma_semaphore, #tpu.memory_space<semaphore_mem>>
      %dma_start3A_73 = arith.constant 0 : i32
      %dma_start3A_74 = tpu.memref_slice %arg14[%dma_start3A_73] : memref<8000xf32, #tpu.memory_space<vmem>> -> memref<6400xf32, #tpu.memory_space<vmem>>
      %dma_start3A_75 = tpu.memref_slice %arg2[%mul3A_4] : memref<102400xf32, #tpu.memory_space<hbm>> -> memref<6400xf32, #tpu.memory_space<hbm>>
      %dma_start3A_76 = arith.constant 0 : i32
      %dma_start3A_77 = tpu.memref_slice %arg14[%dma_start3A_76] : memref<8000xf32, #tpu.memory_space<vmem>> -> memref<6400xf32, #tpu.memory_space<vmem>>
      %dma_start3A_78 = tpu.memref_slice %arg2[%mul3A_4] : memref<102400xf32, #tpu.memory_space<hbm>> -> memref<6400xf32, #tpu.memory_space<hbm>>
      tpu.enqueue_dma source(%dma_start3A_78 : memref<6400xf32, #tpu.memory_space<hbm>>) target(%dma_start3A_77 : memref<6400xf32, #tpu.memory_space<vmem>>) target_semaphore(%run_scoped3A : memref<!tpu.dma_semaphore, #tpu.memory_space<semaphore_mem>>)
      %dma_wait3A_79 = arith.constant 0 : i32
      %dma_wait3A_80 = tpu.memref_slice %arg14[%dma_wait3A_79] : memref<8000xf32, #tpu.memory_space<vmem>> -> memref<6400xf32, #tpu.memory_space<vmem>>
      %dma_wait3A_81 = tpu.memref_slice %arg2[%mul3A_4] : memref<102400xf32, #tpu.memory_space<hbm>> -> memref<6400xf32, #tpu.memory_space<hbm>>
      %dma_wait3A_82 = arith.constant 0 : i32
      %dma_wait3A_83 = tpu.memref_slice %arg14[%dma_wait3A_82] : memref<8000xf32, #tpu.memory_space<vmem>> -> memref<6400xf32, #tpu.memory_space<vmem>>
      %dma_wait3A_84 = tpu.memref_slice %arg2[%mul3A_4] : memref<102400xf32, #tpu.memory_space<hbm>> -> memref<6400xf32, #tpu.memory_space<hbm>>
      tpu.wait_dma2 semaphore(%run_scoped3A : memref<!tpu.dma_semaphore, #tpu.memory_space<semaphore_mem>>) src(%dma_wait3A_84 : memref<6400xf32, #tpu.memory_space<hbm>>) dst(%dma_wait3A_83 : memref<6400xf32, #tpu.memory_space<vmem>>)
      tpu.yield
    }) : () -> ()
    %mul3A_5 = arith.constant 6400 : i32
    %mul3A_6 = arith.muli %arg1, %mul3A_5 : i32
    "tpu.region"() ({
      %run_scoped3A = tpu.sem_alloc : memref<!tpu.dma_semaphore, #tpu.memory_space<semaphore_mem>>
      %dma_start3A_73 = arith.constant 0 : i32
      %dma_start3A_74 = tpu.memref_slice %arg14[%dma_start3A_73] : memref<8000xf32, #tpu.memory_space<vmem>> -> memref<6400xf32, #tpu.memory_space<vmem>>
      %dma_start3A_75 = tpu.memref_slice %arg17[%mul3A_6] : memref<102400xf32, #tpu.memory_space<vmem_shared>> -> memref<6400xf32, #tpu.memory_space<vmem_shared>>
      %dma_start3A_76 = tpu.memref_slice %arg17[%mul3A_6] : memref<102400xf32, #tpu.memory_space<vmem_shared>> -> memref<6400xf32, #tpu.memory_space<vmem_shared>>
      %dma_start3A_77 = arith.constant 0 : i32
      %dma_start3A_78 = tpu.memref_slice %arg14[%dma_start3A_77] : memref<8000xf32, #tpu.memory_space<vmem>> -> memref<6400xf32, #tpu.memory_space<vmem>>
      tpu.enqueue_dma source(%dma_start3A_78 : memref<6400xf32, #tpu.memory_space<vmem>>) target(%dma_start3A_76 : memref<6400xf32, #tpu.memory_space<vmem_shared>>) target_semaphore(%run_scoped3A : memref<!tpu.dma_semaphore, #tpu.memory_space<semaphore_mem>>)
      %dma_wait3A_79 = arith.constant 0 : i32
      %dma_wait3A_80 = tpu.memref_slice %arg14[%dma_wait3A_79] : memref<8000xf32, #tpu.memory_space<vmem>> -> memref<6400xf32, #tpu.memory_space<vmem>>
      %dma_wait3A_81 = tpu.memref_slice %arg17[%mul3A_6] : memref<102400xf32, #tpu.memory_space<vmem_shared>> -> memref<6400xf32, #tpu.memory_space<vmem_shared>>
      %dma_wait3A_82 = tpu.memref_slice %arg17[%mul3A_6] : memref<102400xf32, #tpu.memory_space<vmem_shared>> -> memref<6400xf32, #tpu.memory_space<vmem_shared>>
      %dma_wait3A_83 = arith.constant 0 : i32
      %dma_wait3A_84 = tpu.memref_slice %arg14[%dma_wait3A_83] : memref<8000xf32, #tpu.memory_space<vmem>> -> memref<6400xf32, #tpu.memory_space<vmem>>
      tpu.wait_dma2 semaphore(%run_scoped3A : memref<!tpu.dma_semaphore, #tpu.memory_space<semaphore_mem>>) src(%dma_wait3A_84 : memref<6400xf32, #tpu.memory_space<vmem>>) dst(%dma_wait3A_82 : memref<6400xf32, #tpu.memory_space<vmem_shared>>)
      tpu.yield
    }) : () -> ()
    %mul3A_7 = arith.constant 6400 : i32
    %mul3A_8 = arith.muli %arg1, %mul3A_7 : i32
    "tpu.region"() ({
      %run_scoped3A = tpu.sem_alloc : memref<!tpu.dma_semaphore, #tpu.memory_space<semaphore_mem>>
      %dma_start3A_73 = arith.constant 0 : i32
      %dma_start3A_74 = tpu.memref_slice %arg14[%dma_start3A_73] : memref<8000xf32, #tpu.memory_space<vmem>> -> memref<6400xf32, #tpu.memory_space<vmem>>
      %dma_start3A_75 = tpu.memref_slice %arg16[%mul3A_8] : memref<102400xf32, #tpu.memory_space<vmem_shared>> -> memref<6400xf32, #tpu.memory_space<vmem_shared>>
      %dma_start3A_76 = tpu.memref_slice %arg16[%mul3A_8] : memref<102400xf32, #tpu.memory_space<vmem_shared>> -> memref<6400xf32, #tpu.memory_space<vmem_shared>>
      %dma_start3A_77 = arith.constant 0 : i32
      %dma_start3A_78 = tpu.memref_slice %arg14[%dma_start3A_77] : memref<8000xf32, #tpu.memory_space<vmem>> -> memref<6400xf32, #tpu.memory_space<vmem>>
      tpu.enqueue_dma source(%dma_start3A_78 : memref<6400xf32, #tpu.memory_space<vmem>>) target(%dma_start3A_76 : memref<6400xf32, #tpu.memory_space<vmem_shared>>) target_semaphore(%run_scoped3A : memref<!tpu.dma_semaphore, #tpu.memory_space<semaphore_mem>>)
      %dma_wait3A_79 = arith.constant 0 : i32
      %dma_wait3A_80 = tpu.memref_slice %arg14[%dma_wait3A_79] : memref<8000xf32, #tpu.memory_space<vmem>> -> memref<6400xf32, #tpu.memory_space<vmem>>
      %dma_wait3A_81 = tpu.memref_slice %arg16[%mul3A_8] : memref<102400xf32, #tpu.memory_space<vmem_shared>> -> memref<6400xf32, #tpu.memory_space<vmem_shared>>
      %dma_wait3A_82 = tpu.memref_slice %arg16[%mul3A_8] : memref<102400xf32, #tpu.memory_space<vmem_shared>> -> memref<6400xf32, #tpu.memory_space<vmem_shared>>
      %dma_wait3A_83 = arith.constant 0 : i32
      %dma_wait3A_84 = tpu.memref_slice %arg14[%dma_wait3A_83] : memref<8000xf32, #tpu.memory_space<vmem>> -> memref<6400xf32, #tpu.memory_space<vmem>>
      tpu.wait_dma2 semaphore(%run_scoped3A : memref<!tpu.dma_semaphore, #tpu.memory_space<semaphore_mem>>) src(%dma_wait3A_84 : memref<6400xf32, #tpu.memory_space<vmem>>) dst(%dma_wait3A_82 : memref<6400xf32, #tpu.memory_space<vmem_shared>>)
      tpu.yield
    }) : () -> ()
    %barrier3A = arith.constant 0 : index
    tpu.barrier barrier_id(%barrier3A)
    %add3A_9 = arith.constant 0 : i32
    %add3A_10 = arith.addi %mul3A_2, %add3A_9 : i32
    %multiple_of3A = tpu.assume_multiple %add3A_10, 8 : i32
    %dma_start3A = tpu.memref_slice %arg3[%multiple_of3A] : memref<6400000xi32, #tpu.memory_space<hbm>> -> memref<8000xi32, #tpu.memory_space<hbm>>
    %dma_start3A_11 = tpu.memref_slice %arg3[%multiple_of3A] : memref<6400000xi32, #tpu.memory_space<hbm>> -> memref<8000xi32, #tpu.memory_space<hbm>>
    tpu.enqueue_dma source(%dma_start3A_11 : memref<8000xi32, #tpu.memory_space<hbm>>) target(%arg8 : memref<8000xi32, #tpu.memory_space<vmem>>) target_semaphore(%arg18 : memref<!tpu.dma_semaphore, #tpu.memory_space<semaphore_mem>>)
    %dma_start3A_12 = tpu.memref_slice %arg5[%multiple_of3A] : memref<6400000xf32, #tpu.memory_space<hbm>> -> memref<8000xf32, #tpu.memory_space<hbm>>
    %dma_start3A_13 = tpu.memref_slice %arg5[%multiple_of3A] : memref<6400000xf32, #tpu.memory_space<hbm>> -> memref<8000xf32, #tpu.memory_space<hbm>>
    tpu.enqueue_dma source(%dma_start3A_13 : memref<8000xf32, #tpu.memory_space<hbm>>) target(%arg12 : memref<8000xf32, #tpu.memory_space<vmem>>) target_semaphore(%arg18 : memref<!tpu.dma_semaphore, #tpu.memory_space<semaphore_mem>>)
    %dma_start3A_14 = tpu.memref_slice %arg4[%multiple_of3A] : memref<6400000xi32, #tpu.memory_space<hbm>> -> memref<8000xi32, #tpu.memory_space<hbm>>
    %dma_start3A_15 = tpu.memref_slice %arg4[%multiple_of3A] : memref<6400000xi32, #tpu.memory_space<hbm>> -> memref<8000xi32, #tpu.memory_space<hbm>>
    tpu.enqueue_dma source(%dma_start3A_15 : memref<8000xi32, #tpu.memory_space<hbm>>) target(%arg10 : memref<8000xi32, #tpu.memory_space<vmem>>) target_semaphore(%arg18 : memref<!tpu.dma_semaphore, #tpu.memory_space<semaphore_mem>>)
    %add3A_16 = arith.constant 0 : i32
    %add3A_17 = arith.addi %mul3A_2, %add3A_16 : i32
    %multiple_of3A_18 = tpu.assume_multiple %add3A_17, 8 : i32
    %dma_wait3A = tpu.memref_slice %arg3[%multiple_of3A_18] : memref<6400000xi32, #tpu.memory_space<hbm>> -> memref<8000xi32, #tpu.memory_space<hbm>>
    %dma_wait3A_19 = tpu.memref_slice %arg3[%multiple_of3A_18] : memref<6400000xi32, #tpu.memory_space<hbm>> -> memref<8000xi32, #tpu.memory_space<hbm>>
    tpu.wait_dma2 semaphore(%arg18 : memref<!tpu.dma_semaphore, #tpu.memory_space<semaphore_mem>>) src(%dma_wait3A_19 : memref<8000xi32, #tpu.memory_space<hbm>>) dst(%arg8 : memref<8000xi32, #tpu.memory_space<vmem>>)
    %dma_wait3A_20 = tpu.memref_slice %arg5[%multiple_of3A_18] : memref<6400000xf32, #tpu.memory_space<hbm>> -> memref<8000xf32, #tpu.memory_space<hbm>>
    %dma_wait3A_21 = tpu.memref_slice %arg5[%multiple_of3A_18] : memref<6400000xf32, #tpu.memory_space<hbm>> -> memref<8000xf32, #tpu.memory_space<hbm>>
    tpu.wait_dma2 semaphore(%arg18 : memref<!tpu.dma_semaphore, #tpu.memory_space<semaphore_mem>>) src(%dma_wait3A_21 : memref<8000xf32, #tpu.memory_space<hbm>>) dst(%arg12 : memref<8000xf32, #tpu.memory_space<vmem>>)
    %dma_wait3A_22 = tpu.memref_slice %arg4[%multiple_of3A_18] : memref<6400000xi32, #tpu.memory_space<hbm>> -> memref<8000xi32, #tpu.memory_space<hbm>>
    %dma_wait3A_23 = tpu.memref_slice %arg4[%multiple_of3A_18] : memref<6400000xi32, #tpu.memory_space<hbm>> -> memref<8000xi32, #tpu.memory_space<hbm>>
    tpu.wait_dma2 semaphore(%arg18 : memref<!tpu.dma_semaphore, #tpu.memory_space<semaphore_mem>>) src(%dma_wait3A_23 : memref<8000xi32, #tpu.memory_space<hbm>>) dst(%arg10 : memref<8000xi32, #tpu.memory_space<vmem>>)
    %add3A_24 = arith.constant 8000 : i32
    %add3A_25 = arith.addi %mul3A_2, %add3A_24 : i32
    %multiple_of3A_26 = tpu.assume_multiple %add3A_25, 8 : i32
    %dma_start3A_27 = tpu.memref_slice %arg3[%multiple_of3A_26] : memref<6400000xi32, #tpu.memory_space<hbm>> -> memref<8000xi32, #tpu.memory_space<hbm>>
    %dma_start3A_28 = tpu.memref_slice %arg3[%multiple_of3A_26] : memref<6400000xi32, #tpu.memory_space<hbm>> -> memref<8000xi32, #tpu.memory_space<hbm>>
    tpu.enqueue_dma source(%dma_start3A_28 : memref<8000xi32, #tpu.memory_space<hbm>>) target(%arg9 : memref<8000xi32, #tpu.memory_space<vmem>>) target_semaphore(%arg19 : memref<!tpu.dma_semaphore, #tpu.memory_space<semaphore_mem>>)
    %dma_start3A_29 = tpu.memref_slice %arg5[%multiple_of3A_26] : memref<6400000xf32, #tpu.memory_space<hbm>> -> memref<8000xf32, #tpu.memory_space<hbm>>
    %dma_start3A_30 = tpu.memref_slice %arg5[%multiple_of3A_26] : memref<6400000xf32, #tpu.memory_space<hbm>> -> memref<8000xf32, #tpu.memory_space<hbm>>
    tpu.enqueue_dma source(%dma_start3A_30 : memref<8000xf32, #tpu.memory_space<hbm>>) target(%arg13 : memref<8000xf32, #tpu.memory_space<vmem>>) target_semaphore(%arg19 : memref<!tpu.dma_semaphore, #tpu.memory_space<semaphore_mem>>)
    %dma_start3A_31 = tpu.memref_slice %arg4[%multiple_of3A_26] : memref<6400000xi32, #tpu.memory_space<hbm>> -> memref<8000xi32, #tpu.memory_space<hbm>>
    %dma_start3A_32 = tpu.memref_slice %arg4[%multiple_of3A_26] : memref<6400000xi32, #tpu.memory_space<hbm>> -> memref<8000xi32, #tpu.memory_space<hbm>>
    tpu.enqueue_dma source(%dma_start3A_32 : memref<8000xi32, #tpu.memory_space<hbm>>) target(%arg11 : memref<8000xi32, #tpu.memory_space<vmem>>) target_semaphore(%arg19 : memref<!tpu.dma_semaphore, #tpu.memory_space<semaphore_mem>>)
    %scan3A = arith.constant 0 : i32
    %scan3A_33 = arith.constant 0 : i32
    %scan3A_34 = arith.constant 11 : i32
    %scan3A_35 = arith.addi %scan3A_33, %scan3A_34 : i32
    %scan3A_36 = arith.constant 1 : i32
    scf.for %scan3A_73 = %scan3A_33 to %scan3A_35 step %scan3A_36  : i32 {
      %mul3A_74 = arith.constant 2 : i32
      %mul3A_75 = arith.muli %mul3A_74, %scan3A_73 : i32
      %add3A_76 = arith.constant 1 : i32
      %add3A_77 = arith.addi %mul3A_75, %add3A_76 : i32
      %mul3A_78 = arith.constant 8000 : i32
      %mul3A_79 = arith.muli %add3A_77, %mul3A_78 : i32
      %add3A_80 = arith.addi %mul3A_2, %mul3A_79 : i32
      %multiple_of3A_81 = tpu.assume_multiple %add3A_80, 8 : i32
      %dma_wait3A_82 = tpu.memref_slice %arg3[%multiple_of3A_81] : memref<6400000xi32, #tpu.memory_space<hbm>> -> memref<8000xi32, #tpu.memory_space<hbm>>
      %dma_wait3A_83 = tpu.memref_slice %arg3[%multiple_of3A_81] : memref<6400000xi32, #tpu.memory_space<hbm>> -> memref<8000xi32, #tpu.memory_space<hbm>>
      tpu.wait_dma2 semaphore(%arg19 : memref<!tpu.dma_semaphore, #tpu.memory_space<semaphore_mem>>) src(%dma_wait3A_83 : memref<8000xi32, #tpu.memory_space<hbm>>) dst(%arg9 : memref<8000xi32, #tpu.memory_space<vmem>>)
      %dma_wait3A_84 = tpu.memref_slice %arg5[%multiple_of3A_81] : memref<6400000xf32, #tpu.memory_space<hbm>> -> memref<8000xf32, #tpu.memory_space<hbm>>
      %dma_wait3A_85 = tpu.memref_slice %arg5[%multiple_of3A_81] : memref<6400000xf32, #tpu.memory_space<hbm>> -> memref<8000xf32, #tpu.memory_space<hbm>>
      tpu.wait_dma2 semaphore(%arg19 : memref<!tpu.dma_semaphore, #tpu.memory_space<semaphore_mem>>) src(%dma_wait3A_85 : memref<8000xf32, #tpu.memory_space<hbm>>) dst(%arg13 : memref<8000xf32, #tpu.memory_space<vmem>>)
      %dma_wait3A_86 = tpu.memref_slice %arg4[%multiple_of3A_81] : memref<6400000xi32, #tpu.memory_space<hbm>> -> memref<8000xi32, #tpu.memory_space<hbm>>
      %dma_wait3A_87 = tpu.memref_slice %arg4[%multiple_of3A_81] : memref<6400000xi32, #tpu.memory_space<hbm>> -> memref<8000xi32, #tpu.memory_space<hbm>>
      tpu.wait_dma2 semaphore(%arg19 : memref<!tpu.dma_semaphore, #tpu.memory_space<semaphore_mem>>) src(%dma_wait3A_87 : memref<8000xi32, #tpu.memory_space<hbm>>) dst(%arg11 : memref<8000xi32, #tpu.memory_space<vmem>>)
      %add3A_88 = arith.constant 1 : i32
      %add3A_89 = arith.addi %add3A_77, %add3A_88 : i32
      %mul3A_90 = arith.constant 8000 : i32
      %mul3A_91 = arith.muli %add3A_89, %mul3A_90 : i32
      %add3A_92 = arith.addi %mul3A_2, %mul3A_91 : i32
      %multiple_of3A_93 = tpu.assume_multiple %add3A_92, 8 : i32
      %dma_start3A_94 = tpu.memref_slice %arg3[%multiple_of3A_93] : memref<6400000xi32, #tpu.memory_space<hbm>> -> memref<8000xi32, #tpu.memory_space<hbm>>
      %dma_start3A_95 = tpu.memref_slice %arg3[%multiple_of3A_93] : memref<6400000xi32, #tpu.memory_space<hbm>> -> memref<8000xi32, #tpu.memory_space<hbm>>
      tpu.enqueue_dma source(%dma_start3A_95 : memref<8000xi32, #tpu.memory_space<hbm>>) target(%arg8 : memref<8000xi32, #tpu.memory_space<vmem>>) target_semaphore(%arg18 : memref<!tpu.dma_semaphore, #tpu.memory_space<semaphore_mem>>)
      %dma_start3A_96 = tpu.memref_slice %arg5[%multiple_of3A_93] : memref<6400000xf32, #tpu.memory_space<hbm>> -> memref<8000xf32, #tpu.memory_space<hbm>>
      %dma_start3A_97 = tpu.memref_slice %arg5[%multiple_of3A_93] : memref<6400000xf32, #tpu.memory_space<hbm>> -> memref<8000xf32, #tpu.memory_space<hbm>>
      tpu.enqueue_dma source(%dma_start3A_97 : memref<8000xf32, #tpu.memory_space<hbm>>) target(%arg12 : memref<8000xf32, #tpu.memory_space<vmem>>) target_semaphore(%arg18 : memref<!tpu.dma_semaphore, #tpu.memory_space<semaphore_mem>>)
      %dma_start3A_98 = tpu.memref_slice %arg4[%multiple_of3A_93] : memref<6400000xi32, #tpu.memory_space<hbm>> -> memref<8000xi32, #tpu.memory_space<hbm>>
      %dma_start3A_99 = tpu.memref_slice %arg4[%multiple_of3A_93] : memref<6400000xi32, #tpu.memory_space<hbm>> -> memref<8000xi32, #tpu.memory_space<hbm>>
      tpu.enqueue_dma source(%dma_start3A_99 : memref<8000xi32, #tpu.memory_space<hbm>>) target(%arg10 : memref<8000xi32, #tpu.memory_space<vmem>>) target_semaphore(%arg18 : memref<!tpu.dma_semaphore, #tpu.memory_space<semaphore_mem>>)
      %mul3A_100 = arith.constant 2 : i32
      %mul3A_101 = arith.muli %mul3A_100, %scan3A_73 : i32
      %add3A_102 = arith.constant 2 : i32
      %add3A_103 = arith.addi %mul3A_101, %add3A_102 : i32
      %mul3A_104 = arith.constant 8000 : i32
      %mul3A_105 = arith.muli %add3A_103, %mul3A_104 : i32
      %add3A_106 = arith.addi %mul3A_2, %mul3A_105 : i32
      %multiple_of3A_107 = tpu.assume_multiple %add3A_106, 8 : i32
      %dma_wait3A_108 = tpu.memref_slice %arg3[%multiple_of3A_107] : memref<6400000xi32, #tpu.memory_space<hbm>> -> memref<8000xi32, #tpu.memory_space<hbm>>
      %dma_wait3A_109 = tpu.memref_slice %arg3[%multiple_of3A_107] : memref<6400000xi32, #tpu.memory_space<hbm>> -> memref<8000xi32, #tpu.memory_space<hbm>>
      tpu.wait_dma2 semaphore(%arg18 : memref<!tpu.dma_semaphore, #tpu.memory_space<semaphore_mem>>) src(%dma_wait3A_109 : memref<8000xi32, #tpu.memory_space<hbm>>) dst(%arg8 : memref<8000xi32, #tpu.memory_space<vmem>>)
      %dma_wait3A_110 = tpu.memref_slice %arg5[%multiple_of3A_107] : memref<6400000xf32, #tpu.memory_space<hbm>> -> memref<8000xf32, #tpu.memory_space<hbm>>
      %dma_wait3A_111 = tpu.memref_slice %arg5[%multiple_of3A_107] : memref<6400000xf32, #tpu.memory_space<hbm>> -> memref<8000xf32, #tpu.memory_space<hbm>>
      tpu.wait_dma2 semaphore(%arg18 : memref<!tpu.dma_semaphore, #tpu.memory_space<semaphore_mem>>) src(%dma_wait3A_111 : memref<8000xf32, #tpu.memory_space<hbm>>) dst(%arg12 : memref<8000xf32, #tpu.memory_space<vmem>>)
      %dma_wait3A_112 = tpu.memref_slice %arg4[%multiple_of3A_107] : memref<6400000xi32, #tpu.memory_space<hbm>> -> memref<8000xi32, #tpu.memory_space<hbm>>
      %dma_wait3A_113 = tpu.memref_slice %arg4[%multiple_of3A_107] : memref<6400000xi32, #tpu.memory_space<hbm>> -> memref<8000xi32, #tpu.memory_space<hbm>>
      tpu.wait_dma2 semaphore(%arg18 : memref<!tpu.dma_semaphore, #tpu.memory_space<semaphore_mem>>) src(%dma_wait3A_113 : memref<8000xi32, #tpu.memory_space<hbm>>) dst(%arg10 : memref<8000xi32, #tpu.memory_space<vmem>>)
      %add3A_114 = arith.constant 1 : i32
      %add3A_115 = arith.addi %add3A_103, %add3A_114 : i32
      %mul3A_116 = arith.constant 8000 : i32
      %mul3A_117 = arith.muli %add3A_115, %mul3A_116 : i32
      %add3A_118 = arith.addi %mul3A_2, %mul3A_117 : i32
      %multiple_of3A_119 = tpu.assume_multiple %add3A_118, 8 : i32
      %dma_start3A_120 = tpu.memref_slice %arg3[%multiple_of3A_119] : memref<6400000xi32, #tpu.memory_space<hbm>> -> memref<8000xi32, #tpu.memory_space<hbm>>
      %dma_start3A_121 = tpu.memref_slice %arg3[%multiple_of3A_119] : memref<6400000xi32, #tpu.memory_space<hbm>> -> memref<8000xi32, #tpu.memory_space<hbm>>
      tpu.enqueue_dma source(%dma_start3A_121 : memref<8000xi32, #tpu.memory_space<hbm>>) target(%arg9 : memref<8000xi32, #tpu.memory_space<vmem>>) target_semaphore(%arg19 : memref<!tpu.dma_semaphore, #tpu.memory_space<semaphore_mem>>)
      %dma_start3A_122 = tpu.memref_slice %arg5[%multiple_of3A_119] : memref<6400000xf32, #tpu.memory_space<hbm>> -> memref<8000xf32, #tpu.memory_space<hbm>>
      %dma_start3A_123 = tpu.memref_slice %arg5[%multiple_of3A_119] : memref<6400000xf32, #tpu.memory_space<hbm>> -> memref<8000xf32, #tpu.memory_space<hbm>>
      tpu.enqueue_dma source(%dma_start3A_123 : memref<8000xf32, #tpu.memory_space<hbm>>) target(%arg13 : memref<8000xf32, #tpu.memory_space<vmem>>) target_semaphore(%arg19 : memref<!tpu.dma_semaphore, #tpu.memory_space<semaphore_mem>>)
      %dma_start3A_124 = tpu.memref_slice %arg4[%multiple_of3A_119] : memref<6400000xi32, #tpu.memory_space<hbm>> -> memref<8000xi32, #tpu.memory_space<hbm>>
      %dma_start3A_125 = tpu.memref_slice %arg4[%multiple_of3A_119] : memref<6400000xi32, #tpu.memory_space<hbm>> -> memref<8000xi32, #tpu.memory_space<hbm>>
      tpu.enqueue_dma source(%dma_start3A_125 : memref<8000xi32, #tpu.memory_space<hbm>>) target(%arg11 : memref<8000xi32, #tpu.memory_space<vmem>>) target_semaphore(%arg19 : memref<!tpu.dma_semaphore, #tpu.memory_space<semaphore_mem>>)
    }
    %scan3A_37 = arith.constant 11 : i32
    %add3A_38 = arith.constant 184000 : i32
    %add3A_39 = arith.addi %mul3A_2, %add3A_38 : i32
    %multiple_of3A_40 = tpu.assume_multiple %add3A_39, 8 : i32
    %dma_wait3A_41 = tpu.memref_slice %arg3[%multiple_of3A_40] : memref<6400000xi32, #tpu.memory_space<hbm>> -> memref<8000xi32, #tpu.memory_space<hbm>>
    %dma_wait3A_42 = tpu.memref_slice %arg3[%multiple_of3A_40] : memref<6400000xi32, #tpu.memory_space<hbm>> -> memref<8000xi32, #tpu.memory_space<hbm>>
    tpu.wait_dma2 semaphore(%arg19 : memref<!tpu.dma_semaphore, #tpu.memory_space<semaphore_mem>>) src(%dma_wait3A_42 : memref<8000xi32, #tpu.memory_space<hbm>>) dst(%arg9 : memref<8000xi32, #tpu.memory_space<vmem>>)
    %dma_wait3A_43 = tpu.memref_slice %arg5[%multiple_of3A_40] : memref<6400000xf32, #tpu.memory_space<hbm>> -> memref<8000xf32, #tpu.memory_space<hbm>>
    %dma_wait3A_44 = tpu.memref_slice %arg5[%multiple_of3A_40] : memref<6400000xf32, #tpu.memory_space<hbm>> -> memref<8000xf32, #tpu.memory_space<hbm>>
    tpu.wait_dma2 semaphore(%arg19 : memref<!tpu.dma_semaphore, #tpu.memory_space<semaphore_mem>>) src(%dma_wait3A_44 : memref<8000xf32, #tpu.memory_space<hbm>>) dst(%arg13 : memref<8000xf32, #tpu.memory_space<vmem>>)
    %dma_wait3A_45 = tpu.memref_slice %arg4[%multiple_of3A_40] : memref<6400000xi32, #tpu.memory_space<hbm>> -> memref<8000xi32, #tpu.memory_space<hbm>>
    %dma_wait3A_46 = tpu.memref_slice %arg4[%multiple_of3A_40] : memref<6400000xi32, #tpu.memory_space<hbm>> -> memref<8000xi32, #tpu.memory_space<hbm>>
    tpu.wait_dma2 semaphore(%arg19 : memref<!tpu.dma_semaphore, #tpu.memory_space<semaphore_mem>>) src(%dma_wait3A_46 : memref<8000xi32, #tpu.memory_space<hbm>>) dst(%arg11 : memref<8000xi32, #tpu.memory_space<vmem>>)
    %add3A_47 = arith.constant 192000 : i32
    %add3A_48 = arith.addi %mul3A_2, %add3A_47 : i32
    %multiple_of3A_49 = tpu.assume_multiple %add3A_48, 8 : i32
    %dma_start3A_50 = tpu.memref_slice %arg3[%multiple_of3A_49] : memref<6400000xi32, #tpu.memory_space<hbm>> -> memref<8000xi32, #tpu.memory_space<hbm>>
    %dma_start3A_51 = tpu.memref_slice %arg3[%multiple_of3A_49] : memref<6400000xi32, #tpu.memory_space<hbm>> -> memref<8000xi32, #tpu.memory_space<hbm>>
    tpu.enqueue_dma source(%dma_start3A_51 : memref<8000xi32, #tpu.memory_space<hbm>>) target(%arg8 : memref<8000xi32, #tpu.memory_space<vmem>>) target_semaphore(%arg18 : memref<!tpu.dma_semaphore, #tpu.memory_space<semaphore_mem>>)
    %dma_start3A_52 = tpu.memref_slice %arg5[%multiple_of3A_49] : memref<6400000xf32, #tpu.memory_space<hbm>> -> memref<8000xf32, #tpu.memory_space<hbm>>
    %dma_start3A_53 = tpu.memref_slice %arg5[%multiple_of3A_49] : memref<6400000xf32, #tpu.memory_space<hbm>> -> memref<8000xf32, #tpu.memory_space<hbm>>
    tpu.enqueue_dma source(%dma_start3A_53 : memref<8000xf32, #tpu.memory_space<hbm>>) target(%arg12 : memref<8000xf32, #tpu.memory_space<vmem>>) target_semaphore(%arg18 : memref<!tpu.dma_semaphore, #tpu.memory_space<semaphore_mem>>)
    %dma_start3A_54 = tpu.memref_slice %arg4[%multiple_of3A_49] : memref<6400000xi32, #tpu.memory_space<hbm>> -> memref<8000xi32, #tpu.memory_space<hbm>>
    %dma_start3A_55 = tpu.memref_slice %arg4[%multiple_of3A_49] : memref<6400000xi32, #tpu.memory_space<hbm>> -> memref<8000xi32, #tpu.memory_space<hbm>>
    tpu.enqueue_dma source(%dma_start3A_55 : memref<8000xi32, #tpu.memory_space<hbm>>) target(%arg10 : memref<8000xi32, #tpu.memory_space<vmem>>) target_semaphore(%arg18 : memref<!tpu.dma_semaphore, #tpu.memory_space<semaphore_mem>>)
    %add3A_56 = arith.constant 192000 : i32
    %add3A_57 = arith.addi %mul3A_2, %add3A_56 : i32
    %multiple_of3A_58 = tpu.assume_multiple %add3A_57, 8 : i32
    %dma_wait3A_59 = tpu.memref_slice %arg3[%multiple_of3A_58] : memref<6400000xi32, #tpu.memory_space<hbm>> -> memref<8000xi32, #tpu.memory_space<hbm>>
    %dma_wait3A_60 = tpu.memref_slice %arg3[%multiple_of3A_58] : memref<6400000xi32, #tpu.memory_space<hbm>> -> memref<8000xi32, #tpu.memory_space<hbm>>
    tpu.wait_dma2 semaphore(%arg18 : memref<!tpu.dma_semaphore, #tpu.memory_space<semaphore_mem>>) src(%dma_wait3A_60 : memref<8000xi32, #tpu.memory_space<hbm>>) dst(%arg8 : memref<8000xi32, #tpu.memory_space<vmem>>)
    %dma_wait3A_61 = tpu.memref_slice %arg5[%multiple_of3A_58] : memref<6400000xf32, #tpu.memory_space<hbm>> -> memref<8000xf32, #tpu.memory_space<hbm>>
    %dma_wait3A_62 = tpu.memref_slice %arg5[%multiple_of3A_58] : memref<6400000xf32, #tpu.memory_space<hbm>> -> memref<8000xf32, #tpu.memory_space<hbm>>
    tpu.wait_dma2 semaphore(%arg18 : memref<!tpu.dma_semaphore, #tpu.memory_space<semaphore_mem>>) src(%dma_wait3A_62 : memref<8000xf32, #tpu.memory_space<hbm>>) dst(%arg12 : memref<8000xf32, #tpu.memory_space<vmem>>)
    %dma_wait3A_63 = tpu.memref_slice %arg4[%multiple_of3A_58] : memref<6400000xi32, #tpu.memory_space<hbm>> -> memref<8000xi32, #tpu.memory_space<hbm>>
    %dma_wait3A_64 = tpu.memref_slice %arg4[%multiple_of3A_58] : memref<6400000xi32, #tpu.memory_space<hbm>> -> memref<8000xi32, #tpu.memory_space<hbm>>
    tpu.wait_dma2 semaphore(%arg18 : memref<!tpu.dma_semaphore, #tpu.memory_space<semaphore_mem>>) src(%dma_wait3A_64 : memref<8000xi32, #tpu.memory_space<hbm>>) dst(%arg10 : memref<8000xi32, #tpu.memory_space<vmem>>)
    %barrier3A_65 = arith.constant 0 : index
    tpu.barrier barrier_id(%barrier3A_65)
    %eq3A = arith.constant 0 : i32
    %eq3A_66 = arith.cmpi eq, %arg0, %eq3A : i32
    %convert_element_type3A = arith.extui %eq3A_66 : i1 to i32
    %cond3A = arith.constant 0 : i32
    %cond3A_67 = arith.cmpi ne, %convert_element_type3A, %cond3A : i32
    scf.if %cond3A_67 {
      %mul3A_73 = arith.constant 6400 : i32
      %mul3A_74 = arith.muli %arg1, %mul3A_73 : i32
      "tpu.region"() ({
        %run_scoped3A = tpu.sem_alloc : memref<!tpu.dma_semaphore, #tpu.memory_space<semaphore_mem>>
        %dma_start3A_77 = arith.constant 0 : i32
        %dma_start3A_78 = tpu.memref_slice %arg14[%dma_start3A_77] : memref<8000xf32, #tpu.memory_space<vmem>> -> memref<6400xf32, #tpu.memory_space<vmem>>
        %dma_start3A_79 = tpu.memref_slice %arg16[%mul3A_74] : memref<102400xf32, #tpu.memory_space<vmem_shared>> -> memref<6400xf32, #tpu.memory_space<vmem_shared>>
        %dma_start3A_80 = arith.constant 0 : i32
        %dma_start3A_81 = tpu.memref_slice %arg14[%dma_start3A_80] : memref<8000xf32, #tpu.memory_space<vmem>> -> memref<6400xf32, #tpu.memory_space<vmem>>
        %dma_start3A_82 = tpu.memref_slice %arg16[%mul3A_74] : memref<102400xf32, #tpu.memory_space<vmem_shared>> -> memref<6400xf32, #tpu.memory_space<vmem_shared>>
        tpu.enqueue_dma source(%dma_start3A_82 : memref<6400xf32, #tpu.memory_space<vmem_shared>>) target(%dma_start3A_81 : memref<6400xf32, #tpu.memory_space<vmem>>) target_semaphore(%run_scoped3A : memref<!tpu.dma_semaphore, #tpu.memory_space<semaphore_mem>>)
        %dma_wait3A_83 = arith.constant 0 : i32
        %dma_wait3A_84 = tpu.memref_slice %arg14[%dma_wait3A_83] : memref<8000xf32, #tpu.memory_space<vmem>> -> memref<6400xf32, #tpu.memory_space<vmem>>
        %dma_wait3A_85 = tpu.memref_slice %arg16[%mul3A_74] : memref<102400xf32, #tpu.memory_space<vmem_shared>> -> memref<6400xf32, #tpu.memory_space<vmem_shared>>
        %dma_wait3A_86 = arith.constant 0 : i32
        %dma_wait3A_87 = tpu.memref_slice %arg14[%dma_wait3A_86] : memref<8000xf32, #tpu.memory_space<vmem>> -> memref<6400xf32, #tpu.memory_space<vmem>>
        %dma_wait3A_88 = tpu.memref_slice %arg16[%mul3A_74] : memref<102400xf32, #tpu.memory_space<vmem_shared>> -> memref<6400xf32, #tpu.memory_space<vmem_shared>>
        tpu.wait_dma2 semaphore(%run_scoped3A : memref<!tpu.dma_semaphore, #tpu.memory_space<semaphore_mem>>) src(%dma_wait3A_88 : memref<6400xf32, #tpu.memory_space<vmem_shared>>) dst(%dma_wait3A_87 : memref<6400xf32, #tpu.memory_space<vmem>>)
        tpu.yield
      }) : () -> ()
      %mul3A_75 = arith.constant 6400 : i32
      %mul3A_76 = arith.muli %arg1, %mul3A_75 : i32
      "tpu.region"() ({
        %run_scoped3A = tpu.sem_alloc : memref<!tpu.dma_semaphore, #tpu.memory_space<semaphore_mem>>
        %dma_start3A_77 = arith.constant 0 : i32
        %dma_start3A_78 = tpu.memref_slice %arg14[%dma_start3A_77] : memref<8000xf32, #tpu.memory_space<vmem>> -> memref<6400xf32, #tpu.memory_space<vmem>>
        %dma_start3A_79 = tpu.memref_slice %arg6[%mul3A_76] : memref<102400xf32, #tpu.memory_space<hbm>> -> memref<6400xf32, #tpu.memory_space<hbm>>
        %dma_start3A_80 = tpu.memref_slice %arg6[%mul3A_76] : memref<102400xf32, #tpu.memory_space<hbm>> -> memref<6400xf32, #tpu.memory_space<hbm>>
        %dma_start3A_81 = arith.constant 0 : i32
        %dma_start3A_82 = tpu.memref_slice %arg14[%dma_start3A_81] : memref<8000xf32, #tpu.memory_space<vmem>> -> memref<6400xf32, #tpu.memory_space<vmem>>
        tpu.enqueue_dma source(%dma_start3A_82 : memref<6400xf32, #tpu.memory_space<vmem>>) target(%dma_start3A_80 : memref<6400xf32, #tpu.memory_space<hbm>>) target_semaphore(%run_scoped3A : memref<!tpu.dma_semaphore, #tpu.memory_space<semaphore_mem>>)
        %dma_wait3A_83 = arith.constant 0 : i32
        %dma_wait3A_84 = tpu.memref_slice %arg14[%dma_wait3A_83] : memref<8000xf32, #tpu.memory_space<vmem>> -> memref<6400xf32, #tpu.memory_space<vmem>>
        %dma_wait3A_85 = tpu.memref_slice %arg6[%mul3A_76] : memref<102400xf32, #tpu.memory_space<hbm>> -> memref<6400xf32, #tpu.memory_space<hbm>>
        %dma_wait3A_86 = tpu.memref_slice %arg6[%mul3A_76] : memref<102400xf32, #tpu.memory_space<hbm>> -> memref<6400xf32, #tpu.memory_space<hbm>>
        %dma_wait3A_87 = arith.constant 0 : i32
        %dma_wait3A_88 = tpu.memref_slice %arg14[%dma_wait3A_87] : memref<8000xf32, #tpu.memory_space<vmem>> -> memref<6400xf32, #tpu.memory_space<vmem>>
        tpu.wait_dma2 semaphore(%run_scoped3A : memref<!tpu.dma_semaphore, #tpu.memory_space<semaphore_mem>>) src(%dma_wait3A_88 : memref<6400xf32, #tpu.memory_space<vmem>>) dst(%dma_wait3A_86 : memref<6400xf32, #tpu.memory_space<hbm>>)
        tpu.yield
      }) : () -> ()
    } else {
    }
    %eq3A_68 = arith.constant 1 : i32
    %eq3A_69 = arith.cmpi eq, %arg0, %eq3A_68 : i32
    %convert_element_type3A_70 = arith.extui %eq3A_69 : i1 to i32
    %cond3A_71 = arith.constant 0 : i32
    %cond3A_72 = arith.cmpi ne, %convert_element_type3A_70, %cond3A_71 : i32
    scf.if %cond3A_72 {
      %mul3A_73 = arith.constant 6400 : i32
      %mul3A_74 = arith.muli %arg1, %mul3A_73 : i32
      "tpu.region"() ({
        %run_scoped3A = tpu.sem_alloc : memref<!tpu.dma_semaphore, #tpu.memory_space<semaphore_mem>>
        %dma_start3A_77 = arith.constant 0 : i32
        %dma_start3A_78 = tpu.memref_slice %arg14[%dma_start3A_77] : memref<8000xf32, #tpu.memory_space<vmem>> -> memref<6400xf32, #tpu.memory_space<vmem>>
        %dma_start3A_79 = tpu.memref_slice %arg16[%mul3A_74] : memref<102400xf32, #tpu.memory_space<vmem_shared>> -> memref<6400xf32, #tpu.memory_space<vmem_shared>>
        %dma_start3A_80 = arith.constant 0 : i32
        %dma_start3A_81 = tpu.memref_slice %arg14[%dma_start3A_80] : memref<8000xf32, #tpu.memory_space<vmem>> -> memref<6400xf32, #tpu.memory_space<vmem>>
        %dma_start3A_82 = tpu.memref_slice %arg16[%mul3A_74] : memref<102400xf32, #tpu.memory_space<vmem_shared>> -> memref<6400xf32, #tpu.memory_space<vmem_shared>>
        tpu.enqueue_dma source(%dma_start3A_82 : memref<6400xf32, #tpu.memory_space<vmem_shared>>) target(%dma_start3A_81 : memref<6400xf32, #tpu.memory_space<vmem>>) target_semaphore(%run_scoped3A : memref<!tpu.dma_semaphore, #tpu.memory_space<semaphore_mem>>)
        %dma_wait3A_83 = arith.constant 0 : i32
        %dma_wait3A_84 = tpu.memref_slice %arg14[%dma_wait3A_83] : memref<8000xf32, #tpu.memory_space<vmem>> -> memref<6400xf32, #tpu.memory_space<vmem>>
        %dma_wait3A_85 = tpu.memref_slice %arg16[%mul3A_74] : memref<102400xf32, #tpu.memory_space<vmem_shared>> -> memref<6400xf32, #tpu.memory_space<vmem_shared>>
        %dma_wait3A_86 = arith.constant 0 : i32
        %dma_wait3A_87 = tpu.memref_slice %arg14[%dma_wait3A_86] : memref<8000xf32, #tpu.memory_space<vmem>> -> memref<6400xf32, #tpu.memory_space<vmem>>
        %dma_wait3A_88 = tpu.memref_slice %arg16[%mul3A_74] : memref<102400xf32, #tpu.memory_space<vmem_shared>> -> memref<6400xf32, #tpu.memory_space<vmem_shared>>
        tpu.wait_dma2 semaphore(%run_scoped3A : memref<!tpu.dma_semaphore, #tpu.memory_space<semaphore_mem>>) src(%dma_wait3A_88 : memref<6400xf32, #tpu.memory_space<vmem_shared>>) dst(%dma_wait3A_87 : memref<6400xf32, #tpu.memory_space<vmem>>)
        tpu.yield
      }) : () -> ()
      %mul3A_75 = arith.constant 6400 : i32
      %mul3A_76 = arith.muli %arg1, %mul3A_75 : i32
      "tpu.region"() ({
        %run_scoped3A = tpu.sem_alloc : memref<!tpu.dma_semaphore, #tpu.memory_space<semaphore_mem>>
        %dma_start3A_77 = arith.constant 0 : i32
        %dma_start3A_78 = tpu.memref_slice %arg14[%dma_start3A_77] : memref<8000xf32, #tpu.memory_space<vmem>> -> memref<6400xf32, #tpu.memory_space<vmem>>
        %dma_start3A_79 = tpu.memref_slice %arg7[%mul3A_76] : memref<102400xf32, #tpu.memory_space<hbm>> -> memref<6400xf32, #tpu.memory_space<hbm>>
        %dma_start3A_80 = tpu.memref_slice %arg7[%mul3A_76] : memref<102400xf32, #tpu.memory_space<hbm>> -> memref<6400xf32, #tpu.memory_space<hbm>>
        %dma_start3A_81 = arith.constant 0 : i32
        %dma_start3A_82 = tpu.memref_slice %arg14[%dma_start3A_81] : memref<8000xf32, #tpu.memory_space<vmem>> -> memref<6400xf32, #tpu.memory_space<vmem>>
        tpu.enqueue_dma source(%dma_start3A_82 : memref<6400xf32, #tpu.memory_space<vmem>>) target(%dma_start3A_80 : memref<6400xf32, #tpu.memory_space<hbm>>) target_semaphore(%run_scoped3A : memref<!tpu.dma_semaphore, #tpu.memory_space<semaphore_mem>>)
        %dma_wait3A_83 = arith.constant 0 : i32
        %dma_wait3A_84 = tpu.memref_slice %arg14[%dma_wait3A_83] : memref<8000xf32, #tpu.memory_space<vmem>> -> memref<6400xf32, #tpu.memory_space<vmem>>
        %dma_wait3A_85 = tpu.memref_slice %arg7[%mul3A_76] : memref<102400xf32, #tpu.memory_space<hbm>> -> memref<6400xf32, #tpu.memory_space<hbm>>
        %dma_wait3A_86 = tpu.memref_slice %arg7[%mul3A_76] : memref<102400xf32, #tpu.memory_space<hbm>> -> memref<6400xf32, #tpu.memory_space<hbm>>
        %dma_wait3A_87 = arith.constant 0 : i32
        %dma_wait3A_88 = tpu.memref_slice %arg14[%dma_wait3A_87] : memref<8000xf32, #tpu.memory_space<vmem>> -> memref<6400xf32, #tpu.memory_space<vmem>>
        tpu.wait_dma2 semaphore(%run_scoped3A : memref<!tpu.dma_semaphore, #tpu.memory_space<semaphore_mem>>) src(%dma_wait3A_88 : memref<6400xf32, #tpu.memory_space<vmem>>) dst(%dma_wait3A_86 : memref<6400xf32, #tpu.memory_space<hbm>>)
        tpu.yield
      }) : () -> ()
    } else {
    }
    return
  }
}

module attributes {stable_mosaic.version = 14 : i64} {
  func.func @_node_gate_body(%arg0: i32, %arg1: memref<16x10240xf32, #tpu.memory_space<vmem>>, %arg2: memref<32x16xf32, #tpu.memory_space<vmem>>, %arg3: memref<32x1xf32, #tpu.memory_space<vmem>>, %arg4: memref<32x32xf32, #tpu.memory_space<vmem>>, %arg5: memref<32x1xf32, #tpu.memory_space<vmem>>, %arg6: memref<1x32xf32, #tpu.memory_space<vmem>>, %arg7: memref<1x1xf32, #tpu.memory_space<vmem>>, %arg8: memref<80x128xf32, #tpu.memory_space<vmem>>) attributes {dimension_semantics = [#tpu.dimension_semantics<arbitrary>], iteration_bounds = array<i64: 10>, scalar_prefetch = 0 : i64, scratch_operands = 0 : i64, tpu.core_type = #tpu.core_type<tc>, window_params = [{transform_indices = @transform_0, window_bounds = array<i64: 16, 10240>}, {pipeline_mode = #tpu.pipeline_mode<synchronous>, transform_indices = @transform_1, window_bounds = array<i64: 32, 16>}, {pipeline_mode = #tpu.pipeline_mode<synchronous>, transform_indices = @transform_2, window_bounds = array<i64: 32, 1>}, {pipeline_mode = #tpu.pipeline_mode<synchronous>, transform_indices = @transform_3, window_bounds = array<i64: 32, 32>}, {pipeline_mode = #tpu.pipeline_mode<synchronous>, transform_indices = @transform_4, window_bounds = array<i64: 32, 1>}, {pipeline_mode = #tpu.pipeline_mode<synchronous>, transform_indices = @transform_5, window_bounds = array<i64: 1, 32>}, {pipeline_mode = #tpu.pipeline_mode<synchronous>, transform_indices = @transform_6, window_bounds = array<i64: 1, 1>}, {transform_indices = @transform_7, window_bounds = array<i64: 80, 128>}]} {
    %get3A = arith.constant 0 : index
    %get3A_0 = arith.constant 0 : index
    %get3A_1 = vector.load %arg1[%get3A, %get3A_0] : memref<16x10240xf32, #tpu.memory_space<vmem>>, vector<16x10240xf32>
    %get3A_2 = arith.constant 0 : index
    %get3A_3 = arith.constant 0 : index
    %get3A_4 = vector.load %arg2[%get3A_2, %get3A_3] : memref<32x16xf32, #tpu.memory_space<vmem>>, vector<32x16xf32>
    %get3A_5 = arith.constant 0 : index
    %get3A_6 = arith.constant 0 : index
    %get3A_7 = vector.load %arg3[%get3A_5, %get3A_6] : memref<32x1xf32, #tpu.memory_space<vmem>>, vector<32x1xf32>
    %get3A_8 = arith.constant 0 : index
    %get3A_9 = arith.constant 0 : index
    %get3A_10 = vector.load %arg4[%get3A_8, %get3A_9] : memref<32x32xf32, #tpu.memory_space<vmem>>, vector<32x32xf32>
    %get3A_11 = arith.constant 0 : index
    %get3A_12 = arith.constant 0 : index
    %get3A_13 = vector.load %arg5[%get3A_11, %get3A_12] : memref<32x1xf32, #tpu.memory_space<vmem>>, vector<32x1xf32>
    %get3A_14 = arith.constant 0 : index
    %get3A_15 = arith.constant 0 : index
    %get3A_16 = vector.load %arg6[%get3A_14, %get3A_15] : memref<1x32xf32, #tpu.memory_space<vmem>>, vector<1x32xf32>
    %get3A_17 = arith.constant 0 : index
    %get3A_18 = arith.constant 0 : index
    %get3A_19 = vector.load %arg7[%get3A_17, %get3A_18] : memref<1x1xf32, #tpu.memory_space<vmem>>, vector<1x1xf32>
    %dot_general3A = arith.constant dense<0.000000e+00> : vector<32x10240xf32>
    %dot_general3A_20 = tpu.matmul %get3A_4, %get3A_1, %dot_general3A {dimension_numbers = #tpu.dot_dimension_numbers<[1], [0], [0], [1], [0, 0, 1, 1], [], []>, transpose_lhs_hint = false} : vector<32x16xf32>, vector<16x10240xf32>, vector<32x10240xf32> -> vector<32x10240xf32>
    %add3A = vector.broadcast %get3A_7 : vector<32x1xf32> to vector<32x10240xf32>
    %add3A_21 = arith.addf %dot_general3A_20, %add3A : vector<32x10240xf32>
    %max3A = arith.constant 0.000000e+00 : f32
    %max3A_22 = vector.broadcast %max3A : f32 to vector<32x10240xf32>
    %max3A_23 = arith.maximumf %add3A_21, %max3A_22 : vector<32x10240xf32>
    %dot_general3A_24 = arith.constant dense<0.000000e+00> : vector<32x10240xf32>
    %dot_general3A_25 = tpu.matmul %get3A_10, %max3A_23, %dot_general3A_24 {dimension_numbers = #tpu.dot_dimension_numbers<[1], [0], [0], [1], [0, 0, 1, 1], [], []>, transpose_lhs_hint = false} : vector<32x32xf32>, vector<32x10240xf32>, vector<32x10240xf32> -> vector<32x10240xf32>
    %add3A_26 = vector.broadcast %get3A_13 : vector<32x1xf32> to vector<32x10240xf32>
    %add3A_27 = arith.addf %dot_general3A_25, %add3A_26 : vector<32x10240xf32>
    %max3A_28 = arith.constant 0.000000e+00 : f32
    %max3A_29 = vector.broadcast %max3A_28 : f32 to vector<32x10240xf32>
    %max3A_30 = arith.maximumf %add3A_27, %max3A_29 : vector<32x10240xf32>
    %dot_general3A_31 = arith.constant dense<0.000000e+00> : vector<1x10240xf32>
    %dot_general3A_32 = tpu.matmul %get3A_16, %max3A_30, %dot_general3A_31 {dimension_numbers = #tpu.dot_dimension_numbers<[1], [0], [0], [1], [0, 0, 1, 1], [], []>, transpose_lhs_hint = false} : vector<1x32xf32>, vector<32x10240xf32>, vector<1x10240xf32> -> vector<1x10240xf32>
    %add3A_33 = vector.broadcast %get3A_19 : vector<1x1xf32> to vector<1x10240xf32>
    %add3A_34 = arith.addf %dot_general3A_32, %add3A_33 : vector<1x10240xf32>
    %neg3A = arith.constant 0.000000e+00 : f32
    %neg3A_35 = vector.broadcast %neg3A : f32 to vector<1x10240xf32>
    %neg3A_36 = arith.subf %neg3A_35, %add3A_34 : vector<1x10240xf32>
    %exp3A = math.exp %neg3A_36 : vector<1x10240xf32>
    %add3A_37 = arith.constant 1.000000e+00 : f32
    %add3A_38 = vector.broadcast %add3A_37 : f32 to vector<1x10240xf32>
    %add3A_39 = arith.addf %add3A_38, %exp3A : vector<1x10240xf32>
    %div3A = arith.constant 1.000000e+00 : f32
    %div3A_40 = vector.broadcast %div3A : f32 to vector<1x10240xf32>
    %div3A_41 = arith.divf %div3A_40, %add3A_39 : vector<1x10240xf32>
    %reshape3A = vector.shape_cast %div3A_41 : vector<1x10240xf32> to vector<80x128xf32>
    %swap3A = arith.constant 0 : index
    %swap3A_42 = arith.constant 0 : index
    %swap3A_43 = vector.load %arg8[%swap3A, %swap3A_42] : memref<80x128xf32, #tpu.memory_space<vmem>>, vector<80x128xf32>
    tpu.vector_store %arg8[%swap3A, %swap3A_42], %reshape3A {strides = array<i32>} : memref<80x128xf32, #tpu.memory_space<vmem>>, vector<80x128xf32>,
    return
  }
  func.func @transform_0(%arg0: i32) -> (i32, i32) {
    %c0_i32 = arith.constant 0 : i32
    %c0_i32_0 = arith.constant 0 : i32
    return %c0_i32, %arg0 : i32, i32
  }
  func.func @transform_1(%arg0: i32) -> (i32, i32) {
    %c0_i32 = arith.constant 0 : i32
    %c0_i32_0 = arith.constant 0 : i32
    %c0_i32_1 = arith.constant 0 : i32
    return %c0_i32, %c0_i32_0 : i32, i32
  }
  func.func @transform_2(%arg0: i32) -> (i32, i32) {
    %c0_i32 = arith.constant 0 : i32
    %c0_i32_0 = arith.constant 0 : i32
    %c0_i32_1 = arith.constant 0 : i32
    return %c0_i32, %c0_i32_0 : i32, i32
  }
  func.func @transform_3(%arg0: i32) -> (i32, i32) {
    %c0_i32 = arith.constant 0 : i32
    %c0_i32_0 = arith.constant 0 : i32
    %c0_i32_1 = arith.constant 0 : i32
    return %c0_i32, %c0_i32_0 : i32, i32
  }
  func.func @transform_4(%arg0: i32) -> (i32, i32) {
    %c0_i32 = arith.constant 0 : i32
    %c0_i32_0 = arith.constant 0 : i32
    %c0_i32_1 = arith.constant 0 : i32
    return %c0_i32, %c0_i32_0 : i32, i32
  }
  func.func @transform_5(%arg0: i32) -> (i32, i32) {
    %c0_i32 = arith.constant 0 : i32
    %c0_i32_0 = arith.constant 0 : i32
    %c0_i32_1 = arith.constant 0 : i32
    return %c0_i32, %c0_i32_0 : i32, i32
  }
  func.func @transform_6(%arg0: i32) -> (i32, i32) {
    %c0_i32 = arith.constant 0 : i32
    %c0_i32_0 = arith.constant 0 : i32
    %c0_i32_1 = arith.constant 0 : i32
    return %c0_i32, %c0_i32_0 : i32, i32
  }
  func.func @transform_7(%arg0: i32) -> (i32, i32) {
    %c0_i32 = arith.constant 0 : i32
    %c0_i32_0 = arith.constant 0 : i32
    return %arg0, %c0_i32 : i32, i32
  }
}

module attributes {stable_mosaic.version = 14 : i64} {
  func.func @_node_update_body(%arg0: i32, %arg1: memref<16x10240xf32, #tpu.memory_space<vmem>>, %arg2: memref<80x128xf32, #tpu.memory_space<vmem>>, %arg3: memref<80x128xf32, #tpu.memory_space<vmem>>, %arg4: memref<16x10xf32, #tpu.memory_space<vmem>>, %arg5: memref<16x1xf32, #tpu.memory_space<vmem>>, %arg6: memref<8x16xf32, #tpu.memory_space<vmem>>, %arg7: memref<8x1xf32, #tpu.memory_space<vmem>>, %arg8: memref<32x16xf32, #tpu.memory_space<vmem>>, %arg9: memref<32x1xf32, #tpu.memory_space<vmem>>, %arg10: memref<32x32xf32, #tpu.memory_space<vmem>>, %arg11: memref<32x1xf32, #tpu.memory_space<vmem>>, %arg12: memref<1x32xf32, #tpu.memory_space<vmem>>, %arg13: memref<1x1xf32, #tpu.memory_space<vmem>>, %arg14: memref<16x10240xf32, #tpu.memory_space<vmem>>, %arg15: memref<80x128xf32, #tpu.memory_space<vmem>>) attributes {dimension_semantics = [#tpu.dimension_semantics<arbitrary>], iteration_bounds = array<i64: 10>, scalar_prefetch = 0 : i64, scratch_operands = 0 : i64, tpu.core_type = #tpu.core_type<tc>, window_params = [{transform_indices = @transform_0, window_bounds = array<i64: 16, 10240>}, {transform_indices = @transform_1, window_bounds = array<i64: 80, 128>}, {transform_indices = @transform_2, window_bounds = array<i64: 80, 128>}, {pipeline_mode = #tpu.pipeline_mode<synchronous>, transform_indices = @transform_3, window_bounds = array<i64: 16, 10>}, {pipeline_mode = #tpu.pipeline_mode<synchronous>, transform_indices = @transform_4, window_bounds = array<i64: 16, 1>}, {pipeline_mode = #tpu.pipeline_mode<synchronous>, transform_indices = @transform_5, window_bounds = array<i64: 8, 16>}, {pipeline_mode = #tpu.pipeline_mode<synchronous>, transform_indices = @transform_6, window_bounds = array<i64: 8, 1>}, {pipeline_mode = #tpu.pipeline_mode<synchronous>, transform_indices = @transform_7, window_bounds = array<i64: 32, 16>}, {pipeline_mode = #tpu.pipeline_mode<synchronous>, transform_indices = @transform_8, window_bounds = array<i64: 32, 1>}, {pipeline_mode = #tpu.pipeline_mode<synchronous>, transform_indices = @transform_9, window_bounds = array<i64: 32, 32>}, {pipeline_mode = #tpu.pipeline_mode<synchronous>, transform_indices = @transform_10, window_bounds = array<i64: 32, 1>}, {pipeline_mode = #tpu.pipeline_mode<synchronous>, transform_indices = @transform_11, window_bounds = array<i64: 1, 32>}, {pipeline_mode = #tpu.pipeline_mode<synchronous>, transform_indices = @transform_12, window_bounds = array<i64: 1, 1>}, {transform_indices = @transform_13, window_bounds = array<i64: 16, 10240>}, {transform_indices = @transform_14, window_bounds = array<i64: 80, 128>}]} {
    %get3A = arith.constant 0 : index
    %get3A_0 = arith.constant 0 : index
    %get3A_1 = vector.load %arg2[%get3A, %get3A_0] : memref<80x128xf32, #tpu.memory_space<vmem>>, vector<80x128xf32>
    %get3A_2 = arith.constant 0 : index
    %get3A_3 = arith.constant 0 : index
    %get3A_4 = vector.load %arg3[%get3A_2, %get3A_3] : memref<80x128xf32, #tpu.memory_space<vmem>>, vector<80x128xf32>
    %add3A = arith.addf %get3A_1, %get3A_4 : vector<80x128xf32>
    %reshape3A = vector.shape_cast %add3A : vector<80x128xf32> to vector<1x10240xf32>
    %get3A_5 = arith.constant 0 : index
    %get3A_6 = arith.constant 0 : index
    %get3A_7 = vector.load %arg1[%get3A_5, %get3A_6] : memref<16x10240xf32, #tpu.memory_space<vmem>>, vector<9x10240xf32>
    %get3A_8 = arith.constant 0 : index
    %get3A_9 = arith.constant 0 : index
    %get3A_10 = vector.load %arg4[%get3A_8, %get3A_9] : memref<16x10xf32, #tpu.memory_space<vmem>>, vector<16x10xf32>
    %get3A_11 = arith.constant 0 : index
    %get3A_12 = arith.constant 0 : index
    %get3A_13 = vector.load %arg5[%get3A_11, %get3A_12] : memref<16x1xf32, #tpu.memory_space<vmem>>, vector<16x1xf32>
    %get3A_14 = arith.constant 0 : index
    %get3A_15 = arith.constant 0 : index
    %get3A_16 = vector.load %arg6[%get3A_14, %get3A_15] : memref<8x16xf32, #tpu.memory_space<vmem>>, vector<8x16xf32>
    %get3A_17 = arith.constant 0 : index
    %get3A_18 = arith.constant 0 : index
    %get3A_19 = vector.load %arg7[%get3A_17, %get3A_18] : memref<8x1xf32, #tpu.memory_space<vmem>>, vector<8x1xf32>
    %concatenate3A = tpu.concatenate %get3A_7, %reshape3A in 0 : vector<9x10240xf32>, vector<1x10240xf32> -> vector<10x10240xf32>
    %dot_general3A = arith.constant dense<0.000000e+00> : vector<16x10240xf32>
    %dot_general3A_20 = tpu.matmul %get3A_10, %concatenate3A, %dot_general3A {dimension_numbers = #tpu.dot_dimension_numbers<[1], [0], [0], [1], [0, 0, 1, 1], [], []>, transpose_lhs_hint = false} : vector<16x10xf32>, vector<10x10240xf32>, vector<16x10240xf32> -> vector<16x10240xf32>
    %add3A_21 = vector.broadcast %get3A_13 : vector<16x1xf32> to vector<16x10240xf32>
    %add3A_22 = arith.addf %dot_general3A_20, %add3A_21 : vector<16x10240xf32>
    %max3A = arith.constant 0.000000e+00 : f32
    %max3A_23 = vector.broadcast %max3A : f32 to vector<16x10240xf32>
    %max3A_24 = arith.maximumf %add3A_22, %max3A_23 : vector<16x10240xf32>
    %dot_general3A_25 = arith.constant dense<0.000000e+00> : vector<8x10240xf32>
    %dot_general3A_26 = tpu.matmul %get3A_16, %max3A_24, %dot_general3A_25 {dimension_numbers = #tpu.dot_dimension_numbers<[1], [0], [0], [1], [0, 0, 1, 1], [], []>, transpose_lhs_hint = false} : vector<8x16xf32>, vector<16x10240xf32>, vector<8x10240xf32> -> vector<8x10240xf32>
    %add3A_27 = vector.broadcast %get3A_19 : vector<8x1xf32> to vector<8x10240xf32>
    %add3A_28 = arith.addf %dot_general3A_26, %add3A_27 : vector<8x10240xf32>
    %max3A_29 = arith.constant 0.000000e+00 : f32
    %max3A_30 = vector.broadcast %max3A_29 : f32 to vector<8x10240xf32>
    %max3A_31 = arith.maximumf %add3A_28, %max3A_30 : vector<8x10240xf32>
    %get3A_32 = arith.constant 0 : index
    %get3A_33 = arith.constant 0 : index
    %get3A_34 = vector.load %arg1[%get3A_32, %get3A_33] : memref<16x10240xf32, #tpu.memory_space<vmem>>, vector<1x10240xf32>
    %broadcast_in_dim3A = arith.constant 0.000000e+00 : f32
    %broadcast_in_dim3A_35 = vector.broadcast %broadcast_in_dim3A : f32 to vector<7x10240xf32>
    %concatenate3A_36 = tpu.concatenate %get3A_34, %max3A_31, %broadcast_in_dim3A_35 in 0 : vector<1x10240xf32>, vector<8x10240xf32>, vector<7x10240xf32> -> vector<16x10240xf32>
    %swap3A = arith.constant 0 : index
    %swap3A_37 = arith.constant 0 : index
    %swap3A_38 = vector.load %arg14[%swap3A, %swap3A_37] : memref<16x10240xf32, #tpu.memory_space<vmem>>, vector<16x10240xf32>
    tpu.vector_store %arg14[%swap3A, %swap3A_37], %concatenate3A_36 {strides = array<i32>} : memref<16x10240xf32, #tpu.memory_space<vmem>>, vector<16x10240xf32>,
    %get3A_39 = arith.constant 0 : index
    %get3A_40 = arith.constant 0 : index
    %get3A_41 = vector.load %arg8[%get3A_39, %get3A_40] : memref<32x16xf32, #tpu.memory_space<vmem>>, vector<32x16xf32>
    %get3A_42 = arith.constant 0 : index
    %get3A_43 = arith.constant 0 : index
    %get3A_44 = vector.load %arg9[%get3A_42, %get3A_43] : memref<32x1xf32, #tpu.memory_space<vmem>>, vector<32x1xf32>
    %get3A_45 = arith.constant 0 : index
    %get3A_46 = arith.constant 0 : index
    %get3A_47 = vector.load %arg10[%get3A_45, %get3A_46] : memref<32x32xf32, #tpu.memory_space<vmem>>, vector<32x32xf32>
    %get3A_48 = arith.constant 0 : index
    %get3A_49 = arith.constant 0 : index
    %get3A_50 = vector.load %arg11[%get3A_48, %get3A_49] : memref<32x1xf32, #tpu.memory_space<vmem>>, vector<32x1xf32>
    %get3A_51 = arith.constant 0 : index
    %get3A_52 = arith.constant 0 : index
    %get3A_53 = vector.load %arg12[%get3A_51, %get3A_52] : memref<1x32xf32, #tpu.memory_space<vmem>>, vector<1x32xf32>
    %get3A_54 = arith.constant 0 : index
    %get3A_55 = arith.constant 0 : index
    %get3A_56 = vector.load %arg13[%get3A_54, %get3A_55] : memref<1x1xf32, #tpu.memory_space<vmem>>, vector<1x1xf32>
    %dot_general3A_57 = arith.constant dense<0.000000e+00> : vector<32x10240xf32>
    %dot_general3A_58 = tpu.matmul %get3A_41, %concatenate3A_36, %dot_general3A_57 {dimension_numbers = #tpu.dot_dimension_numbers<[1], [0], [0], [1], [0, 0, 1, 1], [], []>, transpose_lhs_hint = false} : vector<32x16xf32>, vector<16x10240xf32>, vector<32x10240xf32> -> vector<32x10240xf32>
    %add3A_59 = vector.broadcast %get3A_44 : vector<32x1xf32> to vector<32x10240xf32>
    %add3A_60 = arith.addf %dot_general3A_58, %add3A_59 : vector<32x10240xf32>
    %max3A_61 = arith.constant 0.000000e+00 : f32
    %max3A_62 = vector.broadcast %max3A_61 : f32 to vector<32x10240xf32>
    %max3A_63 = arith.maximumf %add3A_60, %max3A_62 : vector<32x10240xf32>
    %dot_general3A_64 = arith.constant dense<0.000000e+00> : vector<32x10240xf32>
    %dot_general3A_65 = tpu.matmul %get3A_47, %max3A_63, %dot_general3A_64 {dimension_numbers = #tpu.dot_dimension_numbers<[1], [0], [0], [1], [0, 0, 1, 1], [], []>, transpose_lhs_hint = false} : vector<32x32xf32>, vector<32x10240xf32>, vector<32x10240xf32> -> vector<32x10240xf32>
    %add3A_66 = vector.broadcast %get3A_50 : vector<32x1xf32> to vector<32x10240xf32>
    %add3A_67 = arith.addf %dot_general3A_65, %add3A_66 : vector<32x10240xf32>
    %max3A_68 = arith.constant 0.000000e+00 : f32
    %max3A_69 = vector.broadcast %max3A_68 : f32 to vector<32x10240xf32>
    %max3A_70 = arith.maximumf %add3A_67, %max3A_69 : vector<32x10240xf32>
    %dot_general3A_71 = arith.constant dense<0.000000e+00> : vector<1x10240xf32>
    %dot_general3A_72 = tpu.matmul %get3A_53, %max3A_70, %dot_general3A_71 {dimension_numbers = #tpu.dot_dimension_numbers<[1], [0], [0], [1], [0, 0, 1, 1], [], []>, transpose_lhs_hint = false} : vector<1x32xf32>, vector<32x10240xf32>, vector<1x10240xf32> -> vector<1x10240xf32>
    %add3A_73 = vector.broadcast %get3A_56 : vector<1x1xf32> to vector<1x10240xf32>
    %add3A_74 = arith.addf %dot_general3A_72, %add3A_73 : vector<1x10240xf32>
    %neg3A = arith.constant 0.000000e+00 : f32
    %neg3A_75 = vector.broadcast %neg3A : f32 to vector<1x10240xf32>
    %neg3A_76 = arith.subf %neg3A_75, %add3A_74 : vector<1x10240xf32>
    %exp3A = math.exp %neg3A_76 : vector<1x10240xf32>
    %add3A_77 = arith.constant 1.000000e+00 : f32
    %add3A_78 = vector.broadcast %add3A_77 : f32 to vector<1x10240xf32>
    %add3A_79 = arith.addf %add3A_78, %exp3A : vector<1x10240xf32>
    %div3A = arith.constant 1.000000e+00 : f32
    %div3A_80 = vector.broadcast %div3A : f32 to vector<1x10240xf32>
    %div3A_81 = arith.divf %div3A_80, %add3A_79 : vector<1x10240xf32>
    %reshape3A_82 = vector.shape_cast %div3A_81 : vector<1x10240xf32> to vector<80x128xf32>
    %swap3A_83 = arith.constant 0 : index
    %swap3A_84 = arith.constant 0 : index
    %swap3A_85 = vector.load %arg15[%swap3A_83, %swap3A_84] : memref<80x128xf32, #tpu.memory_space<vmem>>, vector<80x128xf32>
    tpu.vector_store %arg15[%swap3A_83, %swap3A_84], %reshape3A_82 {strides = array<i32>} : memref<80x128xf32, #tpu.memory_space<vmem>>, vector<80x128xf32>,
    return
  }
  func.func @transform_0(%arg0: i32) -> (i32, i32) {
    %c0_i32 = arith.constant 0 : i32
    %c0_i32_0 = arith.constant 0 : i32
    return %c0_i32, %arg0 : i32, i32
  }
  func.func @transform_1(%arg0: i32) -> (i32, i32) {
    %c0_i32 = arith.constant 0 : i32
    %c0_i32_0 = arith.constant 0 : i32
    return %arg0, %c0_i32 : i32, i32
  }
  func.func @transform_2(%arg0: i32) -> (i32, i32) {
    %c0_i32 = arith.constant 0 : i32
    %c0_i32_0 = arith.constant 0 : i32
    return %arg0, %c0_i32 : i32, i32
  }
  func.func @transform_3(%arg0: i32) -> (i32, i32) {
    %c0_i32 = arith.constant 0 : i32
    %c0_i32_0 = arith.constant 0 : i32
    %c0_i32_1 = arith.constant 0 : i32
    return %c0_i32, %c0_i32_0 : i32, i32
  }
  func.func @transform_4(%arg0: i32) -> (i32, i32) {
    %c0_i32 = arith.constant 0 : i32
    %c0_i32_0 = arith.constant 0 : i32
    %c0_i32_1 = arith.constant 0 : i32
    return %c0_i32, %c0_i32_0 : i32, i32
  }
  func.func @transform_5(%arg0: i32) -> (i32, i32) {
    %c0_i32 = arith.constant 0 : i32
    %c0_i32_0 = arith.constant 0 : i32
    %c0_i32_1 = arith.constant 0 : i32
    return %c0_i32, %c0_i32_0 : i32, i32
  }
  func.func @transform_6(%arg0: i32) -> (i32, i32) {
    %c0_i32 = arith.constant 0 : i32
    %c0_i32_0 = arith.constant 0 : i32
    %c0_i32_1 = arith.constant 0 : i32
    return %c0_i32, %c0_i32_0 : i32, i32
  }
  func.func @transform_7(%arg0: i32) -> (i32, i32) {
    %c0_i32 = arith.constant 0 : i32
    %c0_i32_0 = arith.constant 0 : i32
    %c0_i32_1 = arith.constant 0 : i32
    return %c0_i32, %c0_i32_0 : i32, i32
  }
  func.func @transform_8(%arg0: i32) -> (i32, i32) {
    %c0_i32 = arith.constant 0 : i32
    %c0_i32_0 = arith.constant 0 : i32
    %c0_i32_1 = arith.constant 0 : i32
    return %c0_i32, %c0_i32_0 : i32, i32
  }
  func.func @transform_9(%arg0: i32) -> (i32, i32) {
    %c0_i32 = arith.constant 0 : i32
    %c0_i32_0 = arith.constant 0 : i32
    %c0_i32_1 = arith.constant 0 : i32
    return %c0_i32, %c0_i32_0 : i32, i32
  }
  func.func @transform_10(%arg0: i32) -> (i32, i32) {
    %c0_i32 = arith.constant 0 : i32
    %c0_i32_0 = arith.constant 0 : i32
    %c0_i32_1 = arith.constant 0 : i32
    return %c0_i32, %c0_i32_0 : i32, i32
  }
  func.func @transform_11(%arg0: i32) -> (i32, i32) {
    %c0_i32 = arith.constant 0 : i32
    %c0_i32_0 = arith.constant 0 : i32
    %c0_i32_1 = arith.constant 0 : i32
    return %c0_i32, %c0_i32_0 : i32, i32
  }
  func.func @transform_12(%arg0: i32) -> (i32, i32) {
    %c0_i32 = arith.constant 0 : i32
    %c0_i32_0 = arith.constant 0 : i32
    %c0_i32_1 = arith.constant 0 : i32
    return %c0_i32, %c0_i32_0 : i32, i32
  }
  func.func @transform_13(%arg0: i32) -> (i32, i32) {
    %c0_i32 = arith.constant 0 : i32
    %c0_i32_0 = arith.constant 0 : i32
    return %c0_i32, %arg0 : i32, i32
  }
  func.func @transform_14(%arg0: i32) -> (i32, i32) {
    %c0_i32 = arith.constant 0 : i32
    %c0_i32_0 = arith.constant 0 : i32
    return %arg0, %c0_i32 : i32, i32
  }
}

module attributes {stable_mosaic.version = 14 : i64} {
  func.func @_node_final_body(%arg0: i32, %arg1: memref<16x10240xf32, #tpu.memory_space<vmem>>, %arg2: memref<80x128xf32, #tpu.memory_space<vmem>>, %arg3: memref<80x128xf32, #tpu.memory_space<vmem>>, %arg4: memref<16x10xf32, #tpu.memory_space<vmem>>, %arg5: memref<16x1xf32, #tpu.memory_space<vmem>>, %arg6: memref<8x16xf32, #tpu.memory_space<vmem>>, %arg7: memref<8x1xf32, #tpu.memory_space<vmem>>, %arg8: memref<16x8xf32, #tpu.memory_space<vmem>>, %arg9: memref<16x1xf32, #tpu.memory_space<vmem>>, %arg10: memref<1x16xf32, #tpu.memory_space<vmem>>, %arg11: memref<1x1xf32, #tpu.memory_space<vmem>>, %arg12: memref<80x128xf32, #tpu.memory_space<vmem>>) attributes {dimension_semantics = [#tpu.dimension_semantics<arbitrary>], iteration_bounds = array<i64: 10>, scalar_prefetch = 0 : i64, scratch_operands = 0 : i64, tpu.core_type = #tpu.core_type<tc>, window_params = [{transform_indices = @transform_0, window_bounds = array<i64: 16, 10240>}, {transform_indices = @transform_1, window_bounds = array<i64: 80, 128>}, {transform_indices = @transform_2, window_bounds = array<i64: 80, 128>}, {pipeline_mode = #tpu.pipeline_mode<synchronous>, transform_indices = @transform_3, window_bounds = array<i64: 16, 10>}, {pipeline_mode = #tpu.pipeline_mode<synchronous>, transform_indices = @transform_4, window_bounds = array<i64: 16, 1>}, {pipeline_mode = #tpu.pipeline_mode<synchronous>, transform_indices = @transform_5, window_bounds = array<i64: 8, 16>}, {pipeline_mode = #tpu.pipeline_mode<synchronous>, transform_indices = @transform_6, window_bounds = array<i64: 8, 1>}, {pipeline_mode = #tpu.pipeline_mode<synchronous>, transform_indices = @transform_7, window_bounds = array<i64: 16, 8>}, {pipeline_mode = #tpu.pipeline_mode<synchronous>, transform_indices = @transform_8, window_bounds = array<i64: 16, 1>}, {pipeline_mode = #tpu.pipeline_mode<synchronous>, transform_indices = @transform_9, window_bounds = array<i64: 1, 16>}, {pipeline_mode = #tpu.pipeline_mode<synchronous>, transform_indices = @transform_10, window_bounds = array<i64: 1, 1>}, {transform_indices = @transform_11, window_bounds = array<i64: 80, 128>}]} {
    %get3A = arith.constant 0 : index
    %get3A_0 = arith.constant 0 : index
    %get3A_1 = vector.load %arg2[%get3A, %get3A_0] : memref<80x128xf32, #tpu.memory_space<vmem>>, vector<80x128xf32>
    %get3A_2 = arith.constant 0 : index
    %get3A_3 = arith.constant 0 : index
    %get3A_4 = vector.load %arg3[%get3A_2, %get3A_3] : memref<80x128xf32, #tpu.memory_space<vmem>>, vector<80x128xf32>
    %add3A = arith.addf %get3A_1, %get3A_4 : vector<80x128xf32>
    %reshape3A = vector.shape_cast %add3A : vector<80x128xf32> to vector<1x10240xf32>
    %get3A_5 = arith.constant 0 : index
    %get3A_6 = arith.constant 0 : index
    %get3A_7 = vector.load %arg1[%get3A_5, %get3A_6] : memref<16x10240xf32, #tpu.memory_space<vmem>>, vector<9x10240xf32>
    %get3A_8 = arith.constant 0 : index
    %get3A_9 = arith.constant 0 : index
    %get3A_10 = vector.load %arg4[%get3A_8, %get3A_9] : memref<16x10xf32, #tpu.memory_space<vmem>>, vector<16x10xf32>
    %get3A_11 = arith.constant 0 : index
    %get3A_12 = arith.constant 0 : index
    %get3A_13 = vector.load %arg5[%get3A_11, %get3A_12] : memref<16x1xf32, #tpu.memory_space<vmem>>, vector<16x1xf32>
    %get3A_14 = arith.constant 0 : index
    %get3A_15 = arith.constant 0 : index
    %get3A_16 = vector.load %arg6[%get3A_14, %get3A_15] : memref<8x16xf32, #tpu.memory_space<vmem>>, vector<8x16xf32>
    %get3A_17 = arith.constant 0 : index
    %get3A_18 = arith.constant 0 : index
    %get3A_19 = vector.load %arg7[%get3A_17, %get3A_18] : memref<8x1xf32, #tpu.memory_space<vmem>>, vector<8x1xf32>
    %concatenate3A = tpu.concatenate %get3A_7, %reshape3A in 0 : vector<9x10240xf32>, vector<1x10240xf32> -> vector<10x10240xf32>
    %dot_general3A = arith.constant dense<0.000000e+00> : vector<16x10240xf32>
    %dot_general3A_20 = tpu.matmul %get3A_10, %concatenate3A, %dot_general3A {dimension_numbers = #tpu.dot_dimension_numbers<[1], [0], [0], [1], [0, 0, 1, 1], [], []>, transpose_lhs_hint = false} : vector<16x10xf32>, vector<10x10240xf32>, vector<16x10240xf32> -> vector<16x10240xf32>
    %add3A_21 = vector.broadcast %get3A_13 : vector<16x1xf32> to vector<16x10240xf32>
    %add3A_22 = arith.addf %dot_general3A_20, %add3A_21 : vector<16x10240xf32>
    %max3A = arith.constant 0.000000e+00 : f32
    %max3A_23 = vector.broadcast %max3A : f32 to vector<16x10240xf32>
    %max3A_24 = arith.maximumf %add3A_22, %max3A_23 : vector<16x10240xf32>
    %dot_general3A_25 = arith.constant dense<0.000000e+00> : vector<8x10240xf32>
    %dot_general3A_26 = tpu.matmul %get3A_16, %max3A_24, %dot_general3A_25 {dimension_numbers = #tpu.dot_dimension_numbers<[1], [0], [0], [1], [0, 0, 1, 1], [], []>, transpose_lhs_hint = false} : vector<8x16xf32>, vector<16x10240xf32>, vector<8x10240xf32> -> vector<8x10240xf32>
    %add3A_27 = vector.broadcast %get3A_19 : vector<8x1xf32> to vector<8x10240xf32>
    %add3A_28 = arith.addf %dot_general3A_26, %add3A_27 : vector<8x10240xf32>
    %max3A_29 = arith.constant 0.000000e+00 : f32
    %max3A_30 = vector.broadcast %max3A_29 : f32 to vector<8x10240xf32>
    %max3A_31 = arith.maximumf %add3A_28, %max3A_30 : vector<8x10240xf32>
    %get3A_32 = arith.constant 0 : index
    %get3A_33 = arith.constant 0 : index
    %get3A_34 = vector.load %arg8[%get3A_32, %get3A_33] : memref<16x8xf32, #tpu.memory_space<vmem>>, vector<16x8xf32>
    %dot_general3A_35 = arith.constant dense<0.000000e+00> : vector<16x10240xf32>
    %dot_general3A_36 = tpu.matmul %get3A_34, %max3A_31, %dot_general3A_35 {dimension_numbers = #tpu.dot_dimension_numbers<[1], [0], [0], [1], [0, 0, 1, 1], [], []>, transpose_lhs_hint = false} : vector<16x8xf32>, vector<8x10240xf32>, vector<16x10240xf32> -> vector<16x10240xf32>
    %get3A_37 = arith.constant 0 : index
    %get3A_38 = arith.constant 0 : index
    %get3A_39 = vector.load %arg9[%get3A_37, %get3A_38] : memref<16x1xf32, #tpu.memory_space<vmem>>, vector<16x1xf32>
    %add3A_40 = vector.broadcast %get3A_39 : vector<16x1xf32> to vector<16x10240xf32>
    %add3A_41 = arith.addf %dot_general3A_36, %add3A_40 : vector<16x10240xf32>
    %max3A_42 = arith.constant 0.000000e+00 : f32
    %max3A_43 = vector.broadcast %max3A_42 : f32 to vector<16x10240xf32>
    %max3A_44 = arith.maximumf %add3A_41, %max3A_43 : vector<16x10240xf32>
    %get3A_45 = arith.constant 0 : index
    %get3A_46 = arith.constant 0 : index
    %get3A_47 = vector.load %arg10[%get3A_45, %get3A_46] : memref<1x16xf32, #tpu.memory_space<vmem>>, vector<1x16xf32>
    %dot_general3A_48 = arith.constant dense<0.000000e+00> : vector<1x10240xf32>
    %dot_general3A_49 = tpu.matmul %get3A_47, %max3A_44, %dot_general3A_48 {dimension_numbers = #tpu.dot_dimension_numbers<[1], [0], [0], [1], [0, 0, 1, 1], [], []>, transpose_lhs_hint = false} : vector<1x16xf32>, vector<16x10240xf32>, vector<1x10240xf32> -> vector<1x10240xf32>
    %get3A_50 = arith.constant 0 : index
    %get3A_51 = arith.constant 0 : index
    %get3A_52 = vector.load %arg11[%get3A_50, %get3A_51] : memref<1x1xf32, #tpu.memory_space<vmem>>, vector<1x1xf32>
    %add3A_53 = vector.broadcast %get3A_52 : vector<1x1xf32> to vector<1x10240xf32>
    %add3A_54 = arith.addf %dot_general3A_49, %add3A_53 : vector<1x10240xf32>
    %neg3A = arith.constant 0.000000e+00 : f32
    %neg3A_55 = vector.broadcast %neg3A : f32 to vector<1x10240xf32>
    %neg3A_56 = arith.subf %neg3A_55, %add3A_54 : vector<1x10240xf32>
    %exp3A = math.exp %neg3A_56 : vector<1x10240xf32>
    %add3A_57 = arith.constant 1.000000e+00 : f32
    %add3A_58 = vector.broadcast %add3A_57 : f32 to vector<1x10240xf32>
    %add3A_59 = arith.addf %add3A_58, %exp3A : vector<1x10240xf32>
    %div3A = arith.constant 1.000000e+00 : f32
    %div3A_60 = vector.broadcast %div3A : f32 to vector<1x10240xf32>
    %div3A_61 = arith.divf %div3A_60, %add3A_59 : vector<1x10240xf32>
    %reshape3A_62 = vector.shape_cast %div3A_61 : vector<1x10240xf32> to vector<80x128xf32>
    %swap3A = arith.constant 0 : index
    %swap3A_63 = arith.constant 0 : index
    %swap3A_64 = vector.load %arg12[%swap3A, %swap3A_63] : memref<80x128xf32, #tpu.memory_space<vmem>>, vector<80x128xf32>
    tpu.vector_store %arg12[%swap3A, %swap3A_63], %reshape3A_62 {strides = array<i32>} : memref<80x128xf32, #tpu.memory_space<vmem>>, vector<80x128xf32>,
    return
  }
  func.func @transform_0(%arg0: i32) -> (i32, i32) {
    %c0_i32 = arith.constant 0 : i32
    %c0_i32_0 = arith.constant 0 : i32
    return %c0_i32, %arg0 : i32, i32
  }
  func.func @transform_1(%arg0: i32) -> (i32, i32) {
    %c0_i32 = arith.constant 0 : i32
    %c0_i32_0 = arith.constant 0 : i32
    return %arg0, %c0_i32 : i32, i32
  }
  func.func @transform_2(%arg0: i32) -> (i32, i32) {
    %c0_i32 = arith.constant 0 : i32
    %c0_i32_0 = arith.constant 0 : i32
    return %arg0, %c0_i32 : i32, i32
  }
  func.func @transform_3(%arg0: i32) -> (i32, i32) {
    %c0_i32 = arith.constant 0 : i32
    %c0_i32_0 = arith.constant 0 : i32
    %c0_i32_1 = arith.constant 0 : i32
    return %c0_i32, %c0_i32_0 : i32, i32
  }
  func.func @transform_4(%arg0: i32) -> (i32, i32) {
    %c0_i32 = arith.constant 0 : i32
    %c0_i32_0 = arith.constant 0 : i32
    %c0_i32_1 = arith.constant 0 : i32
    return %c0_i32, %c0_i32_0 : i32, i32
  }
  func.func @transform_5(%arg0: i32) -> (i32, i32) {
    %c0_i32 = arith.constant 0 : i32
    %c0_i32_0 = arith.constant 0 : i32
    %c0_i32_1 = arith.constant 0 : i32
    return %c0_i32, %c0_i32_0 : i32, i32
  }
  func.func @transform_6(%arg0: i32) -> (i32, i32) {
    %c0_i32 = arith.constant 0 : i32
    %c0_i32_0 = arith.constant 0 : i32
    %c0_i32_1 = arith.constant 0 : i32
    return %c0_i32, %c0_i32_0 : i32, i32
  }
  func.func @transform_7(%arg0: i32) -> (i32, i32) {
    %c0_i32 = arith.constant 0 : i32
    %c0_i32_0 = arith.constant 0 : i32
    %c0_i32_1 = arith.constant 0 : i32
    return %c0_i32, %c0_i32_0 : i32, i32
  }
  func.func @transform_8(%arg0: i32) -> (i32, i32) {
    %c0_i32 = arith.constant 0 : i32
    %c0_i32_0 = arith.constant 0 : i32
    %c0_i32_1 = arith.constant 0 : i32
    return %c0_i32, %c0_i32_0 : i32, i32
  }
  func.func @transform_9(%arg0: i32) -> (i32, i32) {
    %c0_i32 = arith.constant 0 : i32
    %c0_i32_0 = arith.constant 0 : i32
    %c0_i32_1 = arith.constant 0 : i32
    return %c0_i32, %c0_i32_0 : i32, i32
  }
  func.func @transform_10(%arg0: i32) -> (i32, i32) {
    %c0_i32 = arith.constant 0 : i32
    %c0_i32_0 = arith.constant 0 : i32
    %c0_i32_1 = arith.constant 0 : i32
    return %c0_i32, %c0_i32_0 : i32, i32
  }
  func.func @transform_11(%arg0: i32) -> (i32, i32) {
    %c0_i32 = arith.constant 0 : i32
    %c0_i32_0 = arith.constant 0 : i32
    return %arg0, %c0_i32 : i32, i32
  }
}

</mosaic_0001>

<sc_bundles>
// kernel: kernel.12.cloned.1.call-start
scs
__scs_entry_jumppad:
0x0: {  	(pc) =	sbr.rel $0x88, $3  }
0x1: {  	(tag) =	ssettag $0x0;
	lr =	simm.s32 $0x1  }
0x2: {  	[smem:$0x3F90] =	sst lr;
	_ =	strace $0xD0000000  }
0x3: {  	_ = 	snop  }
0x4: {  	_ = 	snop  }
0x5: {  	_ = 	snop  }
0x6: {  	_ = 	snop  }
0x7: {  	_ = 	snop  }
__scs_overlays_trampoline_lowered:
0x8: {  	[smem:$0x3F9F] =	sst s0  }
0x9: {  	[smem:$0x3FA0] =	sst s1  }
0xa: {  	[smem:$0x3FA1] =	sst s2  }
0xb: {  	[smem:$0x3FA2] =	sst s3  }
0xc: {  	[smem:$0x3FA3] =	sst s4  }
0xd: {  	[smem:$0x3FA4] =	sst s5  }
0xe: {  	[smem:$0x3FA5] =	sst s6  }
0xf: {  	[smem:$0x3FA6] =	sst s7  }
0x10: {  	[smem:$0x3FA7] =	sst s8  }
0x11: {  	[smem:$0x3FA8] =	sst s9;
	s0 =	simm.s32 @!p0 $0x0  }
0x12: {  	s1 =	sld [smem:$0x3F8E];
	s0 =	simm.s32 @p0 $0x1  }
0x13: {  	[smem:$0x3FA9] =	sst s0;
	s0 =	simm.s32 @!p1 $0x0  }
0x14: {  	s2 =	sld [smem:$0x3F8D];
	s0 =	simm.s32 @p1 $0x1  }
0x15: {  	[smem:$0x3FAA] =	sst s0;
	s0 =	simm.s32 @!p2 $0x0  }
0x16: {  	s3 =	sld [smem:$0x3FDB];
	s0 =	simm.s32 @p2 $0x1  }
0x17: {  	s4 =	simm.s32 $0x1BF5;
	[smem:$0x3FAC] =	sst s0  }
0x18: {  	s0 =	sld [smem:$0x3F8F];
	_ =	swait.ge [sflag:s4], $0x0  }
0x19: {  	s7 =	sld [smem:$0x3F90]  }
0x1a: {  	s8 =	sadd.s32 $0xFFFFE003, lr  }
0x1b: {  	s9 =	sadd.s32 $0xFFFFFEF7, lr;
	s5 =	simm.s32 $0xFFFFFFFF;
	p2 =	slt.u32 s8, $0xFFFFF086  }
0x1c: {  	p1 =	slt.u32 s9, $0xF7A;
	s5 =	simm.s32 @!p2 $0x0  }
0x1d: {  	s5 =	simm.s32 @p1 $0x1;
	p0 =	seq.s32 s7, s2  }
0x1e: {  	s7 =	smul.u32 @!p0 $0xF7A, s2;
	p2 =	seq.s32 @!p0 s5, $0x0  }
0x1f: {  	s9 =	smul.u32 $0xF7A, s1;
	s8 =	simm.s32 @!p0 $0x1BF5;
	p2 =	por !p2, p0  }
0x20: {  	[sflag:s8] =	ssyncset.s32 @!p0 $0xFFFFF086;
	s6 =	sadd.s32 @!p0 s3, s7;
	s7 =	simm.s32 @!p0 $0x108  }
0x21: {  	s3 =	sadd.s32 s3, s9;
	s6 =	sadd.s32 @!p0 $0x88, s6;
	s7 =	simm.s32 @p2 $0x1082  }
0x22: {  	[simem:s7], [sflag:s8] =	dma.local @!p0 [hbm:s6], $0xF7A  }
0x23: {  	s9 =	sor.u32 $0xD0000000, s2;
	s6 =	simm.s32 $0x108;
	_ =	swait.ge @!p0 [sflag:s8], $0x0  }
0x24: {  	s3 =	sadd.s32 $0x88, s3;
	s6 =	simm.s32 @!p1 $0x1082;
	[sflag:s4] =	ssyncset.s32 $0xFFFFF086  }
0x25: {  	[simem:s6], [sflag:s4] =	dma.local [hbm:s3], $0xF7A  }
0x26: {  	[smem:$0x3F90] =	sst s1;
	(tag) =	ssettag s2;
	_ =	strace s9  }
0x27: {  	s1 =	sld [smem:$0x3FA0]  }
0x28: {  	s2 =	sld [smem:$0x3FA1]  }
0x29: {  	s4 =	sld [smem:$0x3FA3]  }
0x2a: {  	p0 =	seq.s32 s5, $0x0;
	s5 =	sld [smem:$0x3FA4]  }
0x2b: {  	s6 =	sld [smem:$0x3FA5]  }
0x2c: {  	s7 =	sld [smem:$0x3FA6]  }
0x2d: {  	s3 =	simm.s32 $0x108;
	s8 =	sld [smem:$0x3FA7]  }
0x2e: {  	s3 =	simm.s32 @!p0 $0x1082;
	s9 =	sld [smem:$0x3FA8]  }
0x2f: {  	lr =	sadd.s32 s0, s3;
	s0 =	sld [smem:$0x3F9F]  }
0x30: {  	s3 =	sld [smem:$0x3FA2]  }
0x31: {  	[smem:$0x3FAB] =	sst s10  }
0x32: {  	s10 =	sld [smem:$0x3FA9];
	_ =	sdelay $0x3  }
0x33: {  	p0 =	seq.s32 s10, $0x1;
	s10 =	sld [smem:$0x3FAB];
	_ =	sdelay $0x3  }
0x34: {  	[smem:$0x3FAB] =	sst s10  }
0x35: {  	s10 =	sld [smem:$0x3FAA];
	_ =	sdelay $0x3  }
0x36: {  	p1 =	seq.s32 s10, $0x1;
	s10 =	sld [smem:$0x3FAB];
	_ =	sdelay $0x3  }
0x37: {  	[smem:$0x3FAB] =	sst s10  }
0x38: {  	s10 =	sld [smem:$0x3FAC]  }
0x39: {  	_ = 	snop;
	(pc) =	sbr.ind lr, $3  }
0x3a: {  	_ = 	snop  }
0x3b: {  	_ = 	snop  }
0x3c: {  	p2 =	seq.s32 s10, $0x1;
	s10 =	sld [smem:$0x3FAB]  }
0x3d: {  	_ =	shalt  }
0x3e: {  	_ =	shalt  }
0x3f: {  	_ =	shalt  }
0x40: {  	_ =	shalt  }
0x41: {  	_ =	shalt  }
0x42: {  	_ =	shalt  }
0x43: {  	_ =	shalt  }
0x44: {  	_ =	shalt  }
0x45: {  	_ =	shalt  }
0x46: {  	_ =	shalt  }
0x47: {  	_ =	shalt  }
0x48: {  	_ =	shalt  }
0x49: {  	_ =	shalt  }
0x4a: {  	_ =	shalt  }
0x4b: {  	_ =	shalt  }
0x4c: {  	_ =	shalt  }
0x4d: {  	_ =	shalt  }
0x4e: {  	_ =	shalt  }
0x4f: {  	_ =	shalt  }
0x50: {  	_ =	shalt  }
0x51: {  	_ =	shalt  }
0x52: {  	_ =	shalt  }
0x53: {  	_ =	shalt  }
0x54: {  	_ =	shalt  }
0x55: {  	_ =	shalt  }
0x56: {  	_ =	shalt  }
0x57: {  	_ =	shalt  }
0x58: {  	_ =	shalt  }
0x59: {  	_ =	shalt  }
0x5a: {  	_ =	shalt  }
0x5b: {  	_ =	shalt  }
0x5c: {  	_ =	shalt  }
0x5d: {  	_ =	shalt  }
0x5e: {  	_ =	shalt  }
0x5f: {  	_ =	shalt  }
0x60: {  	_ =	shalt  }
0x61: {  	_ =	shalt  }
0x62: {  	_ =	shalt  }
0x63: {  	_ =	shalt  }
0x64: {  	_ =	shalt  }
0x65: {  	_ =	shalt  }
0x66: {  	_ =	shalt  }
0x67: {  	_ =	shalt  }
0x68: {  	_ =	shalt  }
0x69: {  	_ =	shalt  }
0x6a: {  	_ =	shalt  }
0x6b: {  	_ =	shalt  }
0x6c: {  	_ =	shalt  }
0x6d: {  	_ =	shalt  }
0x6e: {  	_ =	shalt  }
0x6f: {  	_ =	shalt  }
0x70: {  	_ =	shalt  }
0x71: {  	_ =	shalt  }
0x72: {  	_ =	shalt  }
0x73: {  	_ =	shalt  }
0x74: {  	_ =	shalt  }
0x75: {  	_ =	shalt  }
0x76: {  	_ =	shalt  }
0x77: {  	_ =	shalt  }
0x78: {  	_ =	shalt  }
0x79: {  	_ =	shalt  }
0x7a: {  	_ =	shalt  }
0x7b: {  	_ =	shalt  }
0x7c: {  	_ =	shalt  }
0x7d: {  	_ =	shalt  }
0x7e: {  	_ =	shalt  }
0x7f: {  	_ =	shalt  }
0x80: {  	_ =	shalt  }
0x81: {  	_ =	shalt  }
0x82: {  	_ =	shalt  }
0x83: {  	_ =	shalt  }
0x84: {  	_ =	shalt  }
0x85: {  	_ =	shalt  }
0x86: {  	_ =	shalt  }
0x87: {  	_ =	shalt  }
.Lfunc_end0:
.L_simem_size_0:
called_computation.1_lowered:
.L_overlay_start_0:
0x88: {  	s2 =	sld [smem:$0x3FD9]  }
0x89: {  	s3 =	sld [smem:$0x3FFE];
	_ =	sdelay $0x1  }
0x8a: {  	s1 =	srdreg.scid  }
0x8b: {  	s0 =	sand.u32 $0x1, s1  }
0x8c: {  	s17 =	sshll.u32 s0, $0xA;
	s2 =	sadd.s32 s3, s2  }
0x8d: {  	s2 =	sadd.s32 s2, s17  }
0x8e: {  	[smem:$0x3FB7] =	sst s2  }
0x8f: {  	_ = 	snop  }
0x90: {  	s2 =	sld [smem:$0x3FC7];
	(tm) =	ssettm $0x1  }
0x91: {  	s18 =	sld [smem:$0x3FFB];
	_ =	sdelay $0x3  }
0x92: {  	_ =	strace s18  }
0x93: {  	s3 =	sld [smem:$0x3FFC];
	_ =	sdelay $0x3  }
0x94: {  	_ =	strace s3  }
0x95: {  	s3 =	sld [smem:$0x3FFD];
	_ =	sdelay $0x3  }
0x96: {  	_ =	strace s3  }
0x97: {  	_ =	strace $0x8FFFFFFF  }
0x98: {  	s19 =	sld [smem:$0x3FDB];
	_ =	sdelay $0x1  }
0x99: {  	s4 =	simm.s32 $_scs_section_size  }
0x9a: {  	s5 =	simm.s32 $_size__tile_overlayer_lowered;
	s6 =	simm.s32 $_tile_overlayer_lowered  }
0x9b: {  	s22 =	simm.s32 $0x1BFF;
	s21 =	sshll.u32 s6, $0x1;
	s3 =	sadd.s32 s4, s19  }
0x9c: {  	s7 =	simm.s32 $0x0;
	s20 =	sshll.u32 s5, $0x1;
	s5 =	sadd.s32 s21, s3  }
0x9d: {  	[timem:s7], [sflag:s22] =	dma.local [hbm:s5], s20  }
0x9e: {  	_ =	swait.ge [sflag:s22], s20  }
0x9f: {  	s4 =	ssub.s32 $0x0, s20;
	[sflag:s22] =	ssyncset.done $0x0  }
0xa0: {  	[sflag:s22] =	ssyncadd.s32 s4;
	_ =	sdelay $0x1  }
0xa1: {  	s23 =	simm.s32 $0x1B8B  }
0xa2: {  	_ =	swait.ge [sflag:s23], $0x1  }
0xa3: {  	[sflag:s23] =	ssyncset.done $0x0  }
0xa4: {  	s25 =	simm.s32 $0x1B8E;
	s24 =	sld [smem:$0x3FFE];
	[sflag:s23] =	ssyncadd.s32 $0xFFFFFFFF  }
0xa5: {  	s26 =	simm.s32 $execute0_lowered;
	[smem:$0x3FD2] =	sst s25  }
0xa6: {  	s5 =	sshll.u32 s26, $0x1;
	_ =	strace $0x80000049;
	[dreg:$0x1] =	wrdreg $0xFFFFFFFF  }
0xa7: {  	s28 =	simm.s32 $_size_execute0_lowered;
	s3 =	sadd.s32 s3, s5;
	[dreg:$0x0] =	wrdreg $0x0  }
0xa8: {  	s5 =	sshll.u32 s28, $0x1;
	[dreg:$0x2] =	wrdreg s3  }
0xa9: {  	[dreg:$0x3] =	wrdreg s5  }
0xaa: {  	[dreg:$0x4] =	wrdreg $0xC0  }
0xab: {  	_ =	task [dreg:s7], $0x5FFFF  }
0xac: {  	[dreg:$0x1] =	wrdreg $0xFFFFFFFF  }
0xad: {  	[dreg:$0x0] =	wrdreg $0x60  }
0xae: {  	[dreg:$0x2] =	wrdreg s24  }
0xaf: {  	[dreg:$0x3] =	wrdreg s2  }
0xb0: {  	[dreg:$0x4] =	wrdreg $0xF5800  }
0xb1: {  	[dreg:$0x5] =	wrdreg $0xDC800  }
0xb2: {  	[dreg:$0x6] =	wrdreg $0x9  }
0xb3: {  	_ =	task.clear_ibuf [dreg:s7], $0x7FFFF;
	_ =	strace $0x90000049  }
0xb4: {  	s29 =	simm.s32 $0x9;
	_ =	strace $0x8000004B  }
0xb5: {  	_ =	swait.ge [sflag:s29], $0x1  }
0xb6: {  	[sflag:s29] =	ssyncadd.s32 $0xFFFFFFFF  }
0xb7: {  	_ =	strace $0x9000004B  }
0xb8: {  	_ =	sfence  }
0xb9: {  	s30 =	sld [smem:$0x0];
	_ =	sdelay $0x2  }
0xba: {  	s31 =	sshll.u32 s1, $0xD;
	s1 =	sshrl.u32 s1, $0x2  }
0xbb: {  	s3 =	sand.u32 $0x4000, s31;
	s1 =	sadd.s32 s1, s30  }
0xbc: {  	s0 =	sor.u32 s3, s0;
	s1 =	sshll.u32 s1, $0x11  }
0xbd: {  	s0 =	sor.u32 s1, s0  }
0xbe: {  	s0 =	sadd.s32 $0x8F2B, s0  }
0xbf: {  	[sflag:s0] =	ssyncadd.remote.s32 $0x1  }
0xc0: {  	_ =	sfence.sel $0xFFFF  }
0xc1: {  	[dreg:$0x0] =	wrdreg $0xFFFFFFFF;
	(pc) =	sbr.abs _section_cstart, $3  }
0xc2: {  	[dreg:$0x1] =	wrdreg $0xFFFFFFFF  }
0xc3: {  	_ =	task.clear_ibuf [dreg:s7], $0x2FFFF;
	_ =	strace $0x9FFFFFFF  }
0xc4: {  	(tm) =	ssettm $0x7FFFFFFF  }
0xc5: {  	_ =	shalt  }
tec
execute0_lowered:
.L_overlay_start_1:
0x0: {  	(tag) =	ssettag $0x1  }
0x1: {  	s0 =	rddreg [dreg:$0x0]  }
0x2: {  	s1 =	rddreg [dreg:$0x1]  }
0x3: {  	s2 =	rddreg [dreg:$0x2]  }
0x4: {  	s6 =	rddreg [dreg:$0x3];
	s3 =	simm.s32 $0x0;
	s13 =	stileid.u32  }
0x5: {  	s4 =	srdreg.scid;
	s28 =	simm.s32 $0x3F00;
	s29 =	simm.s32 $0x1  }
0x6: {  	s30 =	simm.s32 $0x1F80;
	s31 =	simm.s32 $0x9D80;
	[smem:$0x7FF] =	sst s3  }
0x7: {  	s7 =	smul.u32 $0x1900, s13;
	s9 =	sand.u32 $0x1, s4;
	s25 =	sshll.u32 s13, $0x1  }
0x8: {  	s23 =	smul.u32 $0x61A80, s13;
	_ =	strace $0x8000004A;
	s8 =	ssub.s32 $0x2, s9  }
0x9: {  	s4 =	sor.u32 s9, s25;
	p0 =	seq.s32 s9, $0x1;
	s5 =	sshrl.u32 s7, $0x3  }
0xa: {  	s11 =	sshrl.u32 s8, $0x1;
	s12 =	smul.u32 $0x30D40, s4;
	s4 =	sadd.s32 $0xC7600, s0  }
0xb: {  	s2 =	sadd.s32 s7, s2;
	s10 =	sadd.s32 s5, s0;
	s5 =	sadd.s32 $0x4000, s0  }
0xc: {  	s26 =	ssub.s32 s8, s11;
	[dreg:$0x6] =	wrdreg s2;
	s8 =	sadd.s32 s7, s6  }
0xd: {  	s6 =	simm.s32 $0x191000;
	s17 =	sadd.s32 $0x18AC00, s10;
	s18 =	sshrl.u32 s12, $0x3  }
0xe: {  	s0 =	simm.s32 $0x5E80;
	[dreg:$0x5] =	wrdreg s17;
	s19 =	sadd.s32 s4, s18  }
0xf: {  	s6 =	simm.s32 @!p0 $0x18DE00;
	s20 =	sadd.s32 s1, s18;
	[dreg:$0x7] =	wrdreg s19  }
0x10: {  	s21 =	sadd.s32 s5, s18;
	s22 =	sadd.s32 $0x3E8, s18;
	[dreg:$0x8] =	wrdreg s20  }
0x11: {  	s2 =	sadd.s32 $0x5DC0, s18;
	s18 =	smul.u32 $0x30D40, s9;
	[dreg:$0x9] =	wrdreg s21  }
0x12: {  	s24 =	sadd.s32 s4, s22;
	s13 =	sadd.s32 s1, s22;
	s14 =	sadd.s32 s5, s22  }
0x13: {  	s15 =	sadd.s32 s4, s2;
	s16 =	sadd.s32 s1, s2;
	s17 =	sadd.s32 s5, s2  }
0x14: {  	s19 =	sadd.s32 s6, s10;
	s2 =	simm.s32 $0x2;
	s25 =	sadd.s32 s18, s23  }
0x15: {  	s6 =	simm.s32 $0x0;
	[dreg:$0xa] =	wrdreg s24;
	s7 =	sadd.s32 $0x5DC0, s25  }
0x16: {  	s18 =	smax.u32 s26, $0x1;
	s24 =	simm.s32 $0xBD00;
	s26 =	sshrl.u32 s7, $0x3  }
0x17: {  	s23 =	sadd.s32 $0x3E80, s25;
	s25 =	simm.s32 $0x3;
	s20 =	sadd.s32 s26, s5  }
0x18: {  	s21 =	sadd.s32 s26, s1;
	s22 =	sadd.s32 s26, s4;
	s26 =	simm.s32 $0x7E00  }
.LBB2_1:
0x19: {  	s7 =	rddreg [dreg:$0x5]  }
0x1a: {  	[tilespmem:s24], [sflag:$0x3] =	stream.linear.gather [hbm4b:s7+s3], $0x1900, $0x38;
	[tilespmem:$0x10E80] =	vst v63  }
0x1b: {  	_ =	swait.ge [sflag:s25], $0x1900  }
0x1c: {  	[sflag:s25] =	ssyncset.done $0x0  }
0x1d: {  	s11 =	rddreg [dreg:$0x6];
	[sflag:s25] =	ssyncadd.s32 $0xFFFFE700  }
0x1e: {  	[spmem:s11] =	stream.linear.scatter [tilespmem:s24], [sflag:$0x3], $0x1900, $0x38;
	[tilespmem:$0x10E80] =	vst v63  }
0x1f: {  	_ =	swait.ge [sflag:s25], $0x1900  }
0x20: {  	[sflag:s25] =	ssyncset.done $0x0  }
0x21: {  	[sflag:s25] =	ssyncadd.s32 $0xFFFFE700  }
0x22: {  	[spmem:s8] =	stream.linear.scatter [tilespmem:s24], [sflag:$0x3], $0x1900, $0x38;
	[tilespmem:$0x10E80] =	vst v63  }
0x23: {  	_ =	swait.ge [sflag:s25], $0x1900  }
0x24: {  	[sflag:s25] =	ssyncset.done $0x0  }
0x25: {  	[sflag:s25] =	ssyncadd.s32 $0xFFFFE700  }
0x26: {  	[bflag:$0x0] =	sbarrier.arrive $0xFFFF  }
0x27: {  	s12 =	rddreg [dreg:$0x7]  }
0x28: {  	[tilespmem:s3], [sflag:$0x1] =	stream.linear.gather [hbm4b:s12+s3], $0x1F40, $0x38;
	[tilespmem:$0x10E80] =	vst v63  }
0x29: {  	s9 =	rddreg [dreg:$0x8]  }
0x2a: {  	[tilespmem:s26], [sflag:$0x1] =	stream.linear.gather [hbm4b:s9+s3], $0x1F40, $0x38;
	[tilespmem:$0x10E80] =	vst v63  }
0x2b: {  	s10 =	rddreg [dreg:$0x9]  }
0x2c: {  	[tilespmem:s28], [sflag:$0x1] =	stream.linear.gather [hbm4b:s10+s3], $0x1F40, $0x38;
	[tilespmem:$0x10E80] =	vst v63  }
0x2d: {  	_ =	swait.ge [sflag:s29], $0x1F40  }
0x2e: {  	[sflag:s29] =	ssyncset.done $0x0  }
0x2f: {  	[sflag:s29] =	ssyncadd.s32 $0xFFFFE0C0  }
0x30: {  	_ =	swait.ge [sflag:s29], $0x1F40  }
0x31: {  	[sflag:s29] =	ssyncset.done $0x0  }
0x32: {  	[sflag:s29] =	ssyncadd.s32 $0xFFFFE0C0  }
0x33: {  	_ =	swait.ge [sflag:s29], $0x1F40  }
0x34: {  	[sflag:s29] =	ssyncset.done $0x0  }
0x35: {  	s11 =	rddreg [dreg:$0xa];
	[sflag:s29] =	ssyncadd.s32 $0xFFFFE0C0  }
0x36: {  	[tilespmem:s30], [sflag:$0x2] =	stream.linear.gather [hbm4b:s11+s3], $0x1F40, $0x38;
	[tilespmem:$0x10E80] =	vst v63  }
0x37: {  	_ = 	snop  }
0x38: {  	[tilespmem:s31], [sflag:$0x2] =	stream.linear.gather [hbm4b:s13+s3], $0x1F40, $0x38;
	[tilespmem:$0x10E80] =	vst v63  }
0x39: {  	_ = 	snop  }
0x3a: {  	[tilespmem:s0], [sflag:$0x2] =	stream.linear.gather [hbm4b:s14+s3], $0x1F40, $0x38;
	[tilespmem:$0x10E80] =	vst v63  }
0x3b: {  	_ =	swait.ge [sflag:s2], $0x1F40  }
0x3c: {  	[sflag:s2] =	ssyncset.done $0x0  }
0x3d: {  	[sflag:s2] =	ssyncadd.s32 $0xFFFFE0C0  }
0x3e: {  	_ =	swait.ge [sflag:s2], $0x1F40  }
0x3f: {  	[sflag:s2] =	ssyncset.done $0x0  }
0x40: {  	[sflag:s2] =	ssyncadd.s32 $0xFFFFE0C0  }
0x41: {  	_ =	swait.ge [sflag:s2], $0x1F40  }
0x42: {  	s12 =	sshrl.u32 s23, $0x3;
	[sflag:s2] =	ssyncset.done $0x0  }
0x43: {  	s9 =	sadd.s32 s4, s12;
	[sflag:s2] =	ssyncadd.s32 $0xFFFFE0C0  }
0x44: {  	[tilespmem:s3], [sflag:$0x1] =	stream.linear.gather [hbm4b:s9+s3], $0x1F40, $0x38;
	[tilespmem:$0x10E80] =	vst v63  }
0x45: {  	s10 =	sadd.s32 s1, s12  }
0x46: {  	[tilespmem:s26], [sflag:$0x1] =	stream.linear.gather [hbm4b:s10+s3], $0x1F40, $0x38;
	[tilespmem:$0x10E80] =	vst v63  }
0x47: {  	s7 =	sadd.s32 s5, s12  }
0x48: {  	[tilespmem:s28], [sflag:$0x1] =	stream.linear.gather [hbm4b:s7+s3], $0x1F40, $0x38;
	[tilespmem:$0x10E80] =	vst v63  }
0x49: {  	_ =	swait.ge [sflag:s29], $0x1F40  }
0x4a: {  	[sflag:s29] =	ssyncset.done $0x0  }
0x4b: {  	[sflag:s29] =	ssyncadd.s32 $0xFFFFE0C0  }
0x4c: {  	_ =	swait.ge [sflag:s29], $0x1F40  }
0x4d: {  	[sflag:s29] =	ssyncset.done $0x0  }
0x4e: {  	[sflag:s29] =	ssyncadd.s32 $0xFFFFE0C0  }
0x4f: {  	_ =	swait.ge [sflag:s29], $0x1F40  }
0x50: {  	[sflag:s29] =	ssyncset.done $0x0  }
0x51: {  	s12 =	sadd.s32 $0x0, s21;
	s11 =	sadd.s32 $0x0, s22;
	[sflag:s29] =	ssyncadd.s32 $0xFFFFE0C0  }
0x52: {  	[tilespmem:s30], [sflag:$0x2] =	stream.linear.gather [hbm4b:s11+s3], $0x1F40, $0x38;
	[tilespmem:$0x10E80] =	vst v63  }
0x53: {  	s9 =	sadd.s32 $0x3E80, s23;
	s10 =	sadd.s32 $0x0, s20;
	s7 =	simm.s32 $0x7D0  }
0x54: {  	[tilespmem:s31], [sflag:$0x2] =	stream.linear.gather [hbm4b:s12+s3], $0x1F40, $0x38;
	[tilespmem:$0x10E80] =	vst v63  }
.LBB2_2:
0x55: {  	[tilespmem:s0], [sflag:$0x2] =	stream.linear.gather [hbm4b:s10+s3], $0x1F40, $0x38;
	[tilespmem:$0x10E80] =	vst v63  }
0x56: {  	s10 =	smov.u32 s7  }
0x57: {  	p0 =	sne.s32 s7, $0x4E20;
	s7 =	sadd.s32 $0x7D0, s7;
	_ =	swait.ge [sflag:s2], $0x1F40  }
0x58: {  	[sflag:s2] =	ssyncset.done $0x0  }
0x59: {  	[sflag:s2] =	ssyncadd.s32 $0xFFFFE0C0  }
0x5a: {  	_ =	swait.ge [sflag:s2], $0x1F40  }
0x5b: {  	[sflag:s2] =	ssyncset.done $0x0  }
0x5c: {  	[sflag:s2] =	ssyncadd.s32 $0xFFFFE0C0  }
0x5d: {  	_ =	swait.ge [sflag:s2], $0x1F40  }
0x5e: {  	s11 =	sshrl.u32 s9, $0x3;
	[sflag:s2] =	ssyncset.done $0x0  }
0x5f: {  	s12 =	sadd.s32 s4, s11;
	[sflag:s2] =	ssyncadd.s32 $0xFFFFE0C0  }
0x60: {  	[tilespmem:s3], [sflag:$0x1] =	stream.linear.gather [hbm4b:s12+s3], $0x1F40, $0x38;
	[tilespmem:$0x10E80] =	vst v63  }
0x61: {  	s12 =	sadd.s32 s1, s11  }
0x62: {  	[tilespmem:s26], [sflag:$0x1] =	stream.linear.gather [hbm4b:s12+s3], $0x1F40, $0x38;
	[tilespmem:$0x10E80] =	vst v63  }
0x63: {  	s11 =	sadd.s32 s5, s11  }
0x64: {  	[tilespmem:s28], [sflag:$0x1] =	stream.linear.gather [hbm4b:s11+s3], $0x1F40, $0x38;
	[tilespmem:$0x10E80] =	vst v63  }
0x65: {  	_ =	swait.ge [sflag:s29], $0x1F40  }
0x66: {  	[sflag:s29] =	ssyncset.done $0x0  }
0x67: {  	[sflag:s29] =	ssyncadd.s32 $0xFFFFE0C0  }
0x68: {  	_ =	swait.ge [sflag:s29], $0x1F40  }
0x69: {  	[sflag:s29] =	ssyncset.done $0x0  }
0x6a: {  	[sflag:s29] =	ssyncadd.s32 $0xFFFFE0C0  }
0x6b: {  	_ =	swait.ge [sflag:s29], $0x1F40  }
0x6c: {  	[sflag:s29] =	ssyncset.done $0x0  }
.Ltmp0:
0x6d: {  	s11 =	sadd.s32 s10, s22;
	[sflag:s29] =	ssyncadd.s32 $0xFFFFE0C0;
	(pc) =	sbr.rel @p0 .LBB2_2-.Ltmp0, $4  }
0x6e: {  	[tilespmem:s30], [sflag:$0x2] =	stream.linear.gather [hbm4b:s11+s3], $0x1F40, $0x38;
	[tilespmem:$0x10E80] =	vst v63  }
0x6f: {  	s11 =	sadd.s32 s10, s21  }
0x70: {  	[tilespmem:s31], [sflag:$0x2] =	stream.linear.gather [hbm4b:s11+s3], $0x1F40, $0x38;
	[tilespmem:$0x10E80] =	vst v63  }
0x71: {  	s9 =	sadd.s32 $0x3E80, s9;
	s10 =	sadd.s32 s10, s20  }
0x72: {  	[tilespmem:s0], [sflag:$0x2] =	stream.linear.gather [hbm4b:s10+s3], $0x1F40, $0x38;
	[tilespmem:$0x10E80] =	vst v63  }
0x73: {  	_ =	swait.ge [sflag:s2], $0x1F40  }
0x74: {  	[sflag:s2] =	ssyncset.done $0x0  }
0x75: {  	[sflag:s2] =	ssyncadd.s32 $0xFFFFE0C0  }
0x76: {  	_ =	swait.ge [sflag:s2], $0x1F40  }
0x77: {  	[sflag:s2] =	ssyncset.done $0x0  }
0x78: {  	[sflag:s2] =	ssyncadd.s32 $0xFFFFE0C0  }
0x79: {  	_ =	swait.ge [sflag:s2], $0x1F40  }
0x7a: {  	[sflag:s2] =	ssyncset.done $0x0  }
0x7b: {  	[sflag:s2] =	ssyncadd.s32 $0xFFFFE0C0  }
0x7c: {  	[tilespmem:s3], [sflag:$0x1] =	stream.linear.gather [hbm4b:s15+s3], $0x1F40, $0x38;
	[tilespmem:$0x10E80] =	vst v63  }
0x7d: {  	_ = 	snop  }
0x7e: {  	[tilespmem:s26], [sflag:$0x1] =	stream.linear.gather [hbm4b:s16+s3], $0x1F40, $0x38;
	[tilespmem:$0x10E80] =	vst v63  }
0x7f: {  	_ = 	snop  }
0x80: {  	[tilespmem:s28], [sflag:$0x1] =	stream.linear.gather [hbm4b:s17+s3], $0x1F40, $0x38;
	[tilespmem:$0x10E80] =	vst v63  }
0x81: {  	_ =	swait.ge [sflag:s29], $0x1F40  }
0x82: {  	[sflag:s29] =	ssyncset.done $0x0  }
0x83: {  	[sflag:s29] =	ssyncadd.s32 $0xFFFFE0C0  }
0x84: {  	_ =	swait.ge [sflag:s29], $0x1F40  }
0x85: {  	[sflag:s29] =	ssyncset.done $0x0  }
0x86: {  	[sflag:s29] =	ssyncadd.s32 $0xFFFFE0C0  }
0x87: {  	_ =	swait.ge [sflag:s29], $0x1F40  }
0x88: {  	[sflag:s29] =	ssyncset.done $0x0  }
0x89: {  	[sflag:s29] =	ssyncadd.s32 $0xFFFFE0C0  }
0x8a: {  	[bflag:$0x0] =	sbarrier.arrive $0xFFFF  }
0x8b: {  	[tilespmem:s24], [sflag:$0x3] =	stream.linear.gather [spmem:s8], $0x1900, $0x38;
	[tilespmem:$0x10E80] =	vst v63  }
0x8c: {  	s6 =	sadd.s32 $0x1, s6;
	_ =	swait.ge [sflag:s25], $0x1900  }
0x8d: {  	p0 =	sne.s32 s6, s18;
	[sflag:s25] =	ssyncset.done $0x0  }
.Ltmp1:
0x8e: {  	[sflag:s25] =	ssyncadd.s32 $0xFFFFE700;
	(pc) =	sbr.rel @p0 .LBB2_1-.Ltmp1, $4  }
0x8f: {  	[hbm4b:s19+s3] =	stream.linear.scatter [tilespmem:s24], [sflag:$0x3], $0x1900, $0x38;
	[tilespmem:$0x10E80] =	vst v63  }
0x90: {  	_ =	swait.ge [sflag:s25], $0x1900  }
0x91: {  	[sflag:s25] =	ssyncset.done $0x0  }
0x92: {  	[sflag:s25] =	ssyncadd.s32 $0xFFFFE700  }
0x93: {  	_ =	sfence.sel $0x180000  }
0x94: {  	[bflag:$0x0] =	sbarrier.arrive $0xFFFF  }
0x95: {  	_ =	strace $0x9000004A  }
0x96: {  	s0 =	stileid.u32;
	[bflag:$0x2] =	sbarrier.arrive $0xFFFF  }
0x97: {  	p0 =	sne.s32 s0, $0x0;
	s0 =	rddreg [dreg:$0x4]  }
0x98: {  	s0 =	sadd.s32 @!p0 $0x100000, s0  }
0x99: {  	[sflag:s0] =	ssyncadd.tile.s32 @!p0 $0x1;
	_ =	shalt  }
.Lfunc_end2:
_tile_overlayer_lowered:
.L_overlay_start_2:
0x9a: {  	(tag) =	ssettag $0x2  }
0x9b: {  	s0 =	rddreg [dreg:$0x0];
	s2 =	stileid.u32  }
0x9c: {  	s1 =	rddreg [dreg:$0x1];
	p0 =	sne.s32 s2, $0x0  }
0x9d: {  	s3 =	rddreg [dreg:$0x2];
	[bflag:$0x3] =	sbarrier.arrive $0xFFFF;
	s2 =	simm.s32 @!p0 $0x1C03  }
0x9e: {  	[timem:s3], [sflag:s2] =	dma.local @!p0 [hbm:s0], s1  }
0x9f: {  	s0 =	simm.s32 @!p0 $0x3  }
0xa0: {  	_ =	swait.ge @!p0 [sflag:s0], s1  }
0xa1: {  	s1 =	ssub.s32 @!p0 $0x0, s1;
	[sflag:s0] =	ssyncset.done @!p0 $0x0  }
0xa2: {  	[sflag:s0] =	ssyncadd.s32 @!p0 s1  }
0xa3: {  	[bflag:$0x3] =	sbarrier.arrive $0xFFFF  }
0xa4: {  	_ =	shalt  }

// kernel: kernel.15.cloned.1.call-start
scs
__scs_entry_jumppad:
0x0: {  	(pc) =	sbr.rel $0x88, $3  }
0x1: {  	(tag) =	ssettag $0x0;
	lr =	simm.s32 $0x1  }
0x2: {  	[smem:$0x3F90] =	sst lr;
	_ =	strace $0xD0000000  }
0x3: {  	_ = 	snop  }
0x4: {  	_ = 	snop  }
0x5: {  	_ = 	snop  }
0x6: {  	_ = 	snop  }
0x7: {  	_ = 	snop  }
__scs_overlays_trampoline_lowered:
0x8: {  	[smem:$0x3F9F] =	sst s0  }
0x9: {  	[smem:$0x3FA0] =	sst s1  }
0xa: {  	[smem:$0x3FA1] =	sst s2  }
0xb: {  	[smem:$0x3FA2] =	sst s3  }
0xc: {  	[smem:$0x3FA3] =	sst s4  }
0xd: {  	[smem:$0x3FA4] =	sst s5  }
0xe: {  	[smem:$0x3FA5] =	sst s6  }
0xf: {  	[smem:$0x3FA6] =	sst s7  }
0x10: {  	[smem:$0x3FA7] =	sst s8  }
0x11: {  	[smem:$0x3FA8] =	sst s9;
	s0 =	simm.s32 @!p0 $0x0  }
0x12: {  	s1 =	sld [smem:$0x3F8E];
	s0 =	simm.s32 @p0 $0x1  }
0x13: {  	[smem:$0x3FA9] =	sst s0;
	s0 =	simm.s32 @!p1 $0x0  }
0x14: {  	s2 =	sld [smem:$0x3F8D];
	s0 =	simm.s32 @p1 $0x1  }
0x15: {  	[smem:$0x3FAA] =	sst s0;
	s0 =	simm.s32 @!p2 $0x0  }
0x16: {  	s3 =	sld [smem:$0x3FDB];
	s0 =	simm.s32 @p2 $0x1  }
0x17: {  	s4 =	simm.s32 $0x1BF5;
	[smem:$0x3FAC] =	sst s0  }
0x18: {  	s0 =	sld [smem:$0x3F8F];
	_ =	swait.ge [sflag:s4], $0x0  }
0x19: {  	s7 =	sld [smem:$0x3F90]  }
0x1a: {  	s8 =	sadd.s32 $0xFFFFE003, lr  }
0x1b: {  	s9 =	sadd.s32 $0xFFFFFEF7, lr;
	s5 =	simm.s32 $0xFFFFFFFF;
	p2 =	slt.u32 s8, $0xFFFFF086  }
0x1c: {  	p1 =	slt.u32 s9, $0xF7A;
	s5 =	simm.s32 @!p2 $0x0  }
0x1d: {  	s5 =	simm.s32 @p1 $0x1;
	p0 =	seq.s32 s7, s2  }
0x1e: {  	s7 =	smul.u32 @!p0 $0xF7A, s2;
	p2 =	seq.s32 @!p0 s5, $0x0  }
0x1f: {  	s9 =	smul.u32 $0xF7A, s1;
	s8 =	simm.s32 @!p0 $0x1BF5;
	p2 =	por !p2, p0  }
0x20: {  	[sflag:s8] =	ssyncset.s32 @!p0 $0xFFFFF086;
	s6 =	sadd.s32 @!p0 s3, s7;
	s7 =	simm.s32 @!p0 $0x108  }
0x21: {  	s3 =	sadd.s32 s3, s9;
	s6 =	sadd.s32 @!p0 $0x88, s6;
	s7 =	simm.s32 @p2 $0x1082  }
0x22: {  	[simem:s7], [sflag:s8] =	dma.local @!p0 [hbm:s6], $0xF7A  }
0x23: {  	s9 =	sor.u32 $0xD0000000, s2;
	s6 =	simm.s32 $0x108;
	_ =	swait.ge @!p0 [sflag:s8], $0x0  }
0x24: {  	s3 =	sadd.s32 $0x88, s3;
	s6 =	simm.s32 @!p1 $0x1082;
	[sflag:s4] =	ssyncset.s32 $0xFFFFF086  }
0x25: {  	[simem:s6], [sflag:s4] =	dma.local [hbm:s3], $0xF7A  }
0x26: {  	[smem:$0x3F90] =	sst s1;
	(tag) =	ssettag s2;
	_ =	strace s9  }
0x27: {  	s1 =	sld [smem:$0x3FA0]  }
0x28: {  	s2 =	sld [smem:$0x3FA1]  }
0x29: {  	s4 =	sld [smem:$0x3FA3]  }
0x2a: {  	p0 =	seq.s32 s5, $0x0;
	s5 =	sld [smem:$0x3FA4]  }
0x2b: {  	s6 =	sld [smem:$0x3FA5]  }
0x2c: {  	s7 =	sld [smem:$0x3FA6]  }
0x2d: {  	s3 =	simm.s32 $0x108;
	s8 =	sld [smem:$0x3FA7]  }
0x2e: {  	s3 =	simm.s32 @!p0 $0x1082;
	s9 =	sld [smem:$0x3FA8]  }
0x2f: {  	lr =	sadd.s32 s0, s3;
	s0 =	sld [smem:$0x3F9F]  }
0x30: {  	s3 =	sld [smem:$0x3FA2]  }
0x31: {  	[smem:$0x3FAB] =	sst s10  }
0x32: {  	s10 =	sld [smem:$0x3FA9];
	_ =	sdelay $0x3  }
0x33: {  	p0 =	seq.s32 s10, $0x1;
	s10 =	sld [smem:$0x3FAB];
	_ =	sdelay $0x3  }
0x34: {  	[smem:$0x3FAB] =	sst s10  }
0x35: {  	s10 =	sld [smem:$0x3FAA];
	_ =	sdelay $0x3  }
0x36: {  	p1 =	seq.s32 s10, $0x1;
	s10 =	sld [smem:$0x3FAB];
	_ =	sdelay $0x3  }
0x37: {  	[smem:$0x3FAB] =	sst s10  }
0x38: {  	s10 =	sld [smem:$0x3FAC]  }
0x39: {  	_ = 	snop;
	(pc) =	sbr.ind lr, $3  }
0x3a: {  	_ = 	snop  }
0x3b: {  	_ = 	snop  }
0x3c: {  	p2 =	seq.s32 s10, $0x1;
	s10 =	sld [smem:$0x3FAB]  }
0x3d: {  	_ =	shalt  }
0x3e: {  	_ =	shalt  }
0x3f: {  	_ =	shalt  }
0x40: {  	_ =	shalt  }
0x41: {  	_ =	shalt  }
0x42: {  	_ =	shalt  }
0x43: {  	_ =	shalt  }
0x44: {  	_ =	shalt  }
0x45: {  	_ =	shalt  }
0x46: {  	_ =	shalt  }
0x47: {  	_ =	shalt  }
0x48: {  	_ =	shalt  }
0x49: {  	_ =	shalt  }
0x4a: {  	_ =	shalt  }
0x4b: {  	_ =	shalt  }
0x4c: {  	_ =	shalt  }
0x4d: {  	_ =	shalt  }
0x4e: {  	_ =	shalt  }
0x4f: {  	_ =	shalt  }
0x50: {  	_ =	shalt  }
0x51: {  	_ =	shalt  }
0x52: {  	_ =	shalt  }
0x53: {  	_ =	shalt  }
0x54: {  	_ =	shalt  }
0x55: {  	_ =	shalt  }
0x56: {  	_ =	shalt  }
0x57: {  	_ =	shalt  }
0x58: {  	_ =	shalt  }
0x59: {  	_ =	shalt  }
0x5a: {  	_ =	shalt  }
0x5b: {  	_ =	shalt  }
0x5c: {  	_ =	shalt  }
0x5d: {  	_ =	shalt  }
0x5e: {  	_ =	shalt  }
0x5f: {  	_ =	shalt  }
0x60: {  	_ =	shalt  }
0x61: {  	_ =	shalt  }
0x62: {  	_ =	shalt  }
0x63: {  	_ =	shalt  }
0x64: {  	_ =	shalt  }
0x65: {  	_ =	shalt  }
0x66: {  	_ =	shalt  }
0x67: {  	_ =	shalt  }
0x68: {  	_ =	shalt  }
0x69: {  	_ =	shalt  }
0x6a: {  	_ =	shalt  }
0x6b: {  	_ =	shalt  }
0x6c: {  	_ =	shalt  }
0x6d: {  	_ =	shalt  }
0x6e: {  	_ =	shalt  }
0x6f: {  	_ =	shalt  }
0x70: {  	_ =	shalt  }
0x71: {  	_ =	shalt  }
0x72: {  	_ =	shalt  }
0x73: {  	_ =	shalt  }
0x74: {  	_ =	shalt  }
0x75: {  	_ =	shalt  }
0x76: {  	_ =	shalt  }
0x77: {  	_ =	shalt  }
0x78: {  	_ =	shalt  }
0x79: {  	_ =	shalt  }
0x7a: {  	_ =	shalt  }
0x7b: {  	_ =	shalt  }
0x7c: {  	_ =	shalt  }
0x7d: {  	_ =	shalt  }
0x7e: {  	_ =	shalt  }
0x7f: {  	_ =	shalt  }
0x80: {  	_ =	shalt  }
0x81: {  	_ =	shalt  }
0x82: {  	_ =	shalt  }
0x83: {  	_ =	shalt  }
0x84: {  	_ =	shalt  }
0x85: {  	_ =	shalt  }
0x86: {  	_ =	shalt  }
0x87: {  	_ =	shalt  }
.Lfunc_end0:
.L_simem_size_0:
called_computation.2_lowered:
.L_overlay_start_0:
0x88: {  	s2 =	sld [smem:$0x3FD9]  }
0x89: {  	s3 =	sld [smem:$0x3FFE];
	_ =	sdelay $0x1  }
0x8a: {  	s1 =	srdreg.scid  }
0x8b: {  	s0 =	sand.u32 $0x1, s1  }
0x8c: {  	s17 =	sshll.u32 s0, $0xA;
	s2 =	sadd.s32 s3, s2  }
0x8d: {  	s2 =	sadd.s32 s2, s17  }
0x8e: {  	[smem:$0x3FB7] =	sst s2  }
0x8f: {  	_ = 	snop  }
0x90: {  	s2 =	sld [smem:$0x3FC7];
	(tm) =	ssettm $0x1  }
0x91: {  	s18 =	sld [smem:$0x3FFB];
	_ =	sdelay $0x3  }
0x92: {  	_ =	strace s18  }
0x93: {  	s3 =	sld [smem:$0x3FFC];
	_ =	sdelay $0x3  }
0x94: {  	_ =	strace s3  }
0x95: {  	s3 =	sld [smem:$0x3FFD];
	_ =	sdelay $0x3  }
0x96: {  	_ =	strace s3  }
0x97: {  	_ =	strace $0x8FFFFFFF  }
0x98: {  	s19 =	sld [smem:$0x3FDB];
	_ =	sdelay $0x1  }
0x99: {  	s4 =	simm.s32 $_scs_section_size  }
0x9a: {  	s5 =	simm.s32 $_size__tile_overlayer_lowered;
	s6 =	simm.s32 $_tile_overlayer_lowered  }
0x9b: {  	s22 =	simm.s32 $0x1BFF;
	s21 =	sshll.u32 s6, $0x1;
	s3 =	sadd.s32 s4, s19  }
0x9c: {  	s7 =	simm.s32 $0x0;
	s20 =	sshll.u32 s5, $0x1;
	s5 =	sadd.s32 s21, s3  }
0x9d: {  	[timem:s7], [sflag:s22] =	dma.local [hbm:s5], s20  }
0x9e: {  	_ =	swait.ge [sflag:s22], s20  }
0x9f: {  	s4 =	ssub.s32 $0x0, s20;
	[sflag:s22] =	ssyncset.done $0x0  }
0xa0: {  	[sflag:s22] =	ssyncadd.s32 s4;
	_ =	sdelay $0x1  }
0xa1: {  	s23 =	simm.s32 $0x1B8B  }
0xa2: {  	_ =	swait.ge [sflag:s23], $0x1  }
0xa3: {  	[sflag:s23] =	ssyncset.done $0x0  }
0xa4: {  	s25 =	simm.s32 $0x1B8E;
	s24 =	sld [smem:$0x3FFE];
	[sflag:s23] =	ssyncadd.s32 $0xFFFFFFFF  }
0xa5: {  	s26 =	simm.s32 $execute0_lowered;
	[smem:$0x3FD2] =	sst s25  }
0xa6: {  	s5 =	sshll.u32 s26, $0x1;
	_ =	strace $0x8000004C;
	[dreg:$0x1] =	wrdreg $0xFFFFFFFF  }
0xa7: {  	s28 =	simm.s32 $_size_execute0_lowered;
	s3 =	sadd.s32 s3, s5;
	[dreg:$0x0] =	wrdreg $0x0  }
0xa8: {  	s5 =	sshll.u32 s28, $0x1;
	[dreg:$0x2] =	wrdreg s3  }
0xa9: {  	[dreg:$0x3] =	wrdreg s5  }
0xaa: {  	[dreg:$0x4] =	wrdreg $0xC0  }
0xab: {  	_ =	task [dreg:s7], $0x5FFFF  }
0xac: {  	[dreg:$0x1] =	wrdreg $0xFFFFFFFF  }
0xad: {  	[dreg:$0x0] =	wrdreg $0x60  }
0xae: {  	[dreg:$0x2] =	wrdreg s24  }
0xaf: {  	[dreg:$0x3] =	wrdreg s2  }
0xb0: {  	[dreg:$0x4] =	wrdreg $0xF5800  }
0xb1: {  	[dreg:$0x5] =	wrdreg $0xDC800  }
0xb2: {  	[dreg:$0x6] =	wrdreg $0x9  }
0xb3: {  	_ =	task.clear_ibuf [dreg:s7], $0x7FFFF;
	_ =	strace $0x9000004C  }
0xb4: {  	s29 =	simm.s32 $0x9;
	_ =	strace $0x8000004E  }
0xb5: {  	_ =	swait.ge [sflag:s29], $0x1  }
0xb6: {  	[sflag:s29] =	ssyncadd.s32 $0xFFFFFFFF  }
0xb7: {  	_ =	strace $0x9000004E  }
0xb8: {  	_ =	sfence  }
0xb9: {  	s30 =	sld [smem:$0x0];
	_ =	sdelay $0x2  }
0xba: {  	s31 =	sshll.u32 s1, $0xD;
	s1 =	sshrl.u32 s1, $0x2  }
0xbb: {  	s3 =	sand.u32 $0x4000, s31;
	s1 =	sadd.s32 s1, s30  }
0xbc: {  	s0 =	sor.u32 s3, s0;
	s1 =	sshll.u32 s1, $0x11  }
0xbd: {  	s0 =	sor.u32 s1, s0  }
0xbe: {  	s0 =	sadd.s32 $0x8F2B, s0  }
0xbf: {  	[sflag:s0] =	ssyncadd.remote.s32 $0x1  }
0xc0: {  	_ =	sfence.sel $0xFFFF  }
0xc1: {  	[dreg:$0x0] =	wrdreg $0xFFFFFFFF;
	(pc) =	sbr.abs _section_cstart, $3  }
0xc2: {  	[dreg:$0x1] =	wrdreg $0xFFFFFFFF  }
0xc3: {  	_ =	task.clear_ibuf [dreg:s7], $0x2FFFF;
	_ =	strace $0x9FFFFFFF  }
0xc4: {  	(tm) =	ssettm $0x7FFFFFFF  }
0xc5: {  	_ =	shalt  }
tec
execute0_lowered:
.L_overlay_start_1:
0x0: {  	(tag) =	ssettag $0x1  }
0x1: {  	s0 =	rddreg [dreg:$0x0]  }
0x2: {  	s1 =	rddreg [dreg:$0x1]  }
0x3: {  	s2 =	rddreg [dreg:$0x2]  }
0x4: {  	s6 =	rddreg [dreg:$0x3];
	s3 =	simm.s32 $0x0;
	s13 =	stileid.u32  }
0x5: {  	s4 =	srdreg.scid;
	s28 =	simm.s32 $0x3F00;
	s29 =	simm.s32 $0x1  }
0x6: {  	s30 =	simm.s32 $0x1F80;
	s31 =	simm.s32 $0x9D80;
	[smem:$0x7FF] =	sst s3  }
0x7: {  	s7 =	smul.u32 $0x1900, s13;
	s9 =	sand.u32 $0x1, s4;
	s25 =	sshll.u32 s13, $0x1  }
0x8: {  	s23 =	smul.u32 $0x61A80, s13;
	_ =	strace $0x8000004D;
	s8 =	ssub.s32 $0x2, s9  }
0x9: {  	s4 =	sor.u32 s9, s25;
	p0 =	seq.s32 s9, $0x1;
	s5 =	sshrl.u32 s7, $0x3  }
0xa: {  	s11 =	sshrl.u32 s8, $0x1;
	s12 =	smul.u32 $0x30D40, s4;
	s4 =	sadd.s32 $0xC7600, s0  }
0xb: {  	s2 =	sadd.s32 s7, s2;
	s10 =	sadd.s32 s5, s0;
	s5 =	sadd.s32 $0x4000, s0  }
0xc: {  	s26 =	ssub.s32 s8, s11;
	[dreg:$0x6] =	wrdreg s2;
	s8 =	sadd.s32 s7, s6  }
0xd: {  	s6 =	simm.s32 $0x191000;
	s17 =	sadd.s32 $0x18AC00, s10;
	s18 =	sshrl.u32 s12, $0x3  }
0xe: {  	s0 =	simm.s32 $0x5E80;
	[dreg:$0x5] =	wrdreg s17;
	s19 =	sadd.s32 s4, s18  }
0xf: {  	s6 =	simm.s32 @!p0 $0x18DE00;
	s20 =	sadd.s32 s1, s18;
	[dreg:$0x7] =	wrdreg s19  }
0x10: {  	s21 =	sadd.s32 s5, s18;
	s22 =	sadd.s32 $0x3E8, s18;
	[dreg:$0x8] =	wrdreg s20  }
0x11: {  	s2 =	sadd.s32 $0x5DC0, s18;
	s18 =	smul.u32 $0x30D40, s9;
	[dreg:$0x9] =	wrdreg s21  }
0x12: {  	s24 =	sadd.s32 s4, s22;
	s13 =	sadd.s32 s1, s22;
	s14 =	sadd.s32 s5, s22  }
0x13: {  	s15 =	sadd.s32 s4, s2;
	s16 =	sadd.s32 s1, s2;
	s17 =	sadd.s32 s5, s2  }
0x14: {  	s19 =	sadd.s32 s6, s10;
	s2 =	simm.s32 $0x2;
	s25 =	sadd.s32 s18, s23  }
0x15: {  	s6 =	simm.s32 $0x0;
	[dreg:$0xa] =	wrdreg s24;
	s7 =	sadd.s32 $0x5DC0, s25  }
0x16: {  	s18 =	smax.u32 s26, $0x1;
	s24 =	simm.s32 $0xBD00;
	s26 =	sshrl.u32 s7, $0x3  }
0x17: {  	s23 =	sadd.s32 $0x3E80, s25;
	s25 =	simm.s32 $0x3;
	s20 =	sadd.s32 s26, s5  }
0x18: {  	s21 =	sadd.s32 s26, s1;
	s22 =	sadd.s32 s26, s4;
	s26 =	simm.s32 $0x7E00  }
.LBB2_1:
0x19: {  	s7 =	rddreg [dreg:$0x5]  }
0x1a: {  	[tilespmem:s24], [sflag:$0x3] =	stream.linear.gather [hbm4b:s7+s3], $0x1900, $0x38;
	[tilespmem:$0x10E80] =	vst v63  }
0x1b: {  	_ =	swait.ge [sflag:s25], $0x1900  }
0x1c: {  	[sflag:s25] =	ssyncset.done $0x0  }
0x1d: {  	s11 =	rddreg [dreg:$0x6];
	[sflag:s25] =	ssyncadd.s32 $0xFFFFE700  }
0x1e: {  	[spmem:s11] =	stream.linear.scatter [tilespmem:s24], [sflag:$0x3], $0x1900, $0x38;
	[tilespmem:$0x10E80] =	vst v63  }
0x1f: {  	_ =	swait.ge [sflag:s25], $0x1900  }
0x20: {  	[sflag:s25] =	ssyncset.done $0x0  }
0x21: {  	[sflag:s25] =	ssyncadd.s32 $0xFFFFE700  }
0x22: {  	[spmem:s8] =	stream.linear.scatter [tilespmem:s24], [sflag:$0x3], $0x1900, $0x38;
	[tilespmem:$0x10E80] =	vst v63  }
0x23: {  	_ =	swait.ge [sflag:s25], $0x1900  }
0x24: {  	[sflag:s25] =	ssyncset.done $0x0  }
0x25: {  	[sflag:s25] =	ssyncadd.s32 $0xFFFFE700  }
0x26: {  	[bflag:$0x0] =	sbarrier.arrive $0xFFFF  }
0x27: {  	s12 =	rddreg [dreg:$0x7]  }
0x28: {  	[tilespmem:s3], [sflag:$0x1] =	stream.linear.gather [hbm4b:s12+s3], $0x1F40, $0x38;
	[tilespmem:$0x10E80] =	vst v63  }
0x29: {  	s9 =	rddreg [dreg:$0x8]  }
0x2a: {  	[tilespmem:s26], [sflag:$0x1] =	stream.linear.gather [hbm4b:s9+s3], $0x1F40, $0x38;
	[tilespmem:$0x10E80] =	vst v63  }
0x2b: {  	s10 =	rddreg [dreg:$0x9]  }
0x2c: {  	[tilespmem:s28], [sflag:$0x1] =	stream.linear.gather [hbm4b:s10+s3], $0x1F40, $0x38;
	[tilespmem:$0x10E80] =	vst v63  }
0x2d: {  	_ =	swait.ge [sflag:s29], $0x1F40  }
0x2e: {  	[sflag:s29] =	ssyncset.done $0x0  }
0x2f: {  	[sflag:s29] =	ssyncadd.s32 $0xFFFFE0C0  }
0x30: {  	_ =	swait.ge [sflag:s29], $0x1F40  }
0x31: {  	[sflag:s29] =	ssyncset.done $0x0  }
0x32: {  	[sflag:s29] =	ssyncadd.s32 $0xFFFFE0C0  }
0x33: {  	_ =	swait.ge [sflag:s29], $0x1F40  }
0x34: {  	[sflag:s29] =	ssyncset.done $0x0  }
0x35: {  	s11 =	rddreg [dreg:$0xa];
	[sflag:s29] =	ssyncadd.s32 $0xFFFFE0C0  }
0x36: {  	[tilespmem:s30], [sflag:$0x2] =	stream.linear.gather [hbm4b:s11+s3], $0x1F40, $0x38;
	[tilespmem:$0x10E80] =	vst v63  }
0x37: {  	_ = 	snop  }
0x38: {  	[tilespmem:s31], [sflag:$0x2] =	stream.linear.gather [hbm4b:s13+s3], $0x1F40, $0x38;
	[tilespmem:$0x10E80] =	vst v63  }
0x39: {  	_ = 	snop  }
0x3a: {  	[tilespmem:s0], [sflag:$0x2] =	stream.linear.gather [hbm4b:s14+s3], $0x1F40, $0x38;
	[tilespmem:$0x10E80] =	vst v63  }
0x3b: {  	_ =	swait.ge [sflag:s2], $0x1F40  }
0x3c: {  	[sflag:s2] =	ssyncset.done $0x0  }
0x3d: {  	[sflag:s2] =	ssyncadd.s32 $0xFFFFE0C0  }
0x3e: {  	_ =	swait.ge [sflag:s2], $0x1F40  }
0x3f: {  	[sflag:s2] =	ssyncset.done $0x0  }
0x40: {  	[sflag:s2] =	ssyncadd.s32 $0xFFFFE0C0  }
0x41: {  	_ =	swait.ge [sflag:s2], $0x1F40  }
0x42: {  	s12 =	sshrl.u32 s23, $0x3;
	[sflag:s2] =	ssyncset.done $0x0  }
0x43: {  	s9 =	sadd.s32 s4, s12;
	[sflag:s2] =	ssyncadd.s32 $0xFFFFE0C0  }
0x44: {  	[tilespmem:s3], [sflag:$0x1] =	stream.linear.gather [hbm4b:s9+s3], $0x1F40, $0x38;
	[tilespmem:$0x10E80] =	vst v63  }
0x45: {  	s10 =	sadd.s32 s1, s12  }
0x46: {  	[tilespmem:s26], [sflag:$0x1] =	stream.linear.gather [hbm4b:s10+s3], $0x1F40, $0x38;
	[tilespmem:$0x10E80] =	vst v63  }
0x47: {  	s7 =	sadd.s32 s5, s12  }
0x48: {  	[tilespmem:s28], [sflag:$0x1] =	stream.linear.gather [hbm4b:s7+s3], $0x1F40, $0x38;
	[tilespmem:$0x10E80] =	vst v63  }
0x49: {  	_ =	swait.ge [sflag:s29], $0x1F40  }
0x4a: {  	[sflag:s29] =	ssyncset.done $0x0  }
0x4b: {  	[sflag:s29] =	ssyncadd.s32 $0xFFFFE0C0  }
0x4c: {  	_ =	swait.ge [sflag:s29], $0x1F40  }
0x4d: {  	[sflag:s29] =	ssyncset.done $0x0  }
0x4e: {  	[sflag:s29] =	ssyncadd.s32 $0xFFFFE0C0  }
0x4f: {  	_ =	swait.ge [sflag:s29], $0x1F40  }
0x50: {  	[sflag:s29] =	ssyncset.done $0x0  }
0x51: {  	s12 =	sadd.s32 $0x0, s21;
	s11 =	sadd.s32 $0x0, s22;
	[sflag:s29] =	ssyncadd.s32 $0xFFFFE0C0  }
0x52: {  	[tilespmem:s30], [sflag:$0x2] =	stream.linear.gather [hbm4b:s11+s3], $0x1F40, $0x38;
	[tilespmem:$0x10E80] =	vst v63  }
0x53: {  	s9 =	sadd.s32 $0x3E80, s23;
	s10 =	sadd.s32 $0x0, s20;
	s7 =	simm.s32 $0x7D0  }
0x54: {  	[tilespmem:s31], [sflag:$0x2] =	stream.linear.gather [hbm4b:s12+s3], $0x1F40, $0x38;
	[tilespmem:$0x10E80] =	vst v63  }
.LBB2_2:
0x55: {  	[tilespmem:s0], [sflag:$0x2] =	stream.linear.gather [hbm4b:s10+s3], $0x1F40, $0x38;
	[tilespmem:$0x10E80] =	vst v63  }
0x56: {  	s10 =	smov.u32 s7  }
0x57: {  	p0 =	sne.s32 s7, $0x4E20;
	s7 =	sadd.s32 $0x7D0, s7;
	_ =	swait.ge [sflag:s2], $0x1F40  }
0x58: {  	[sflag:s2] =	ssyncset.done $0x0  }
0x59: {  	[sflag:s2] =	ssyncadd.s32 $0xFFFFE0C0  }
0x5a: {  	_ =	swait.ge [sflag:s2], $0x1F40  }
0x5b: {  	[sflag:s2] =	ssyncset.done $0x0  }
0x5c: {  	[sflag:s2] =	ssyncadd.s32 $0xFFFFE0C0  }
0x5d: {  	_ =	swait.ge [sflag:s2], $0x1F40  }
0x5e: {  	s11 =	sshrl.u32 s9, $0x3;
	[sflag:s2] =	ssyncset.done $0x0  }
0x5f: {  	s12 =	sadd.s32 s4, s11;
	[sflag:s2] =	ssyncadd.s32 $0xFFFFE0C0  }
0x60: {  	[tilespmem:s3], [sflag:$0x1] =	stream.linear.gather [hbm4b:s12+s3], $0x1F40, $0x38;
	[tilespmem:$0x10E80] =	vst v63  }
0x61: {  	s12 =	sadd.s32 s1, s11  }
0x62: {  	[tilespmem:s26], [sflag:$0x1] =	stream.linear.gather [hbm4b:s12+s3], $0x1F40, $0x38;
	[tilespmem:$0x10E80] =	vst v63  }
0x63: {  	s11 =	sadd.s32 s5, s11  }
0x64: {  	[tilespmem:s28], [sflag:$0x1] =	stream.linear.gather [hbm4b:s11+s3], $0x1F40, $0x38;
	[tilespmem:$0x10E80] =	vst v63  }
0x65: {  	_ =	swait.ge [sflag:s29], $0x1F40  }
0x66: {  	[sflag:s29] =	ssyncset.done $0x0  }
0x67: {  	[sflag:s29] =	ssyncadd.s32 $0xFFFFE0C0  }
0x68: {  	_ =	swait.ge [sflag:s29], $0x1F40  }
0x69: {  	[sflag:s29] =	ssyncset.done $0x0  }
0x6a: {  	[sflag:s29] =	ssyncadd.s32 $0xFFFFE0C0  }
0x6b: {  	_ =	swait.ge [sflag:s29], $0x1F40  }
0x6c: {  	[sflag:s29] =	ssyncset.done $0x0  }
.Ltmp0:
0x6d: {  	s11 =	sadd.s32 s10, s22;
	[sflag:s29] =	ssyncadd.s32 $0xFFFFE0C0;
	(pc) =	sbr.rel @p0 .LBB2_2-.Ltmp0, $4  }
0x6e: {  	[tilespmem:s30], [sflag:$0x2] =	stream.linear.gather [hbm4b:s11+s3], $0x1F40, $0x38;
	[tilespmem:$0x10E80] =	vst v63  }
0x6f: {  	s11 =	sadd.s32 s10, s21  }
0x70: {  	[tilespmem:s31], [sflag:$0x2] =	stream.linear.gather [hbm4b:s11+s3], $0x1F40, $0x38;
	[tilespmem:$0x10E80] =	vst v63  }
0x71: {  	s9 =	sadd.s32 $0x3E80, s9;
	s10 =	sadd.s32 s10, s20  }
0x72: {  	[tilespmem:s0], [sflag:$0x2] =	stream.linear.gather [hbm4b:s10+s3], $0x1F40, $0x38;
	[tilespmem:$0x10E80] =	vst v63  }
0x73: {  	_ =	swait.ge [sflag:s2], $0x1F40  }
0x74: {  	[sflag:s2] =	ssyncset.done $0x0  }
0x75: {  	[sflag:s2] =	ssyncadd.s32 $0xFFFFE0C0  }
0x76: {  	_ =	swait.ge [sflag:s2], $0x1F40  }
0x77: {  	[sflag:s2] =	ssyncset.done $0x0  }
0x78: {  	[sflag:s2] =	ssyncadd.s32 $0xFFFFE0C0  }
0x79: {  	_ =	swait.ge [sflag:s2], $0x1F40  }
0x7a: {  	[sflag:s2] =	ssyncset.done $0x0  }
0x7b: {  	[sflag:s2] =	ssyncadd.s32 $0xFFFFE0C0  }
0x7c: {  	[tilespmem:s3], [sflag:$0x1] =	stream.linear.gather [hbm4b:s15+s3], $0x1F40, $0x38;
	[tilespmem:$0x10E80] =	vst v63  }
0x7d: {  	_ = 	snop  }
0x7e: {  	[tilespmem:s26], [sflag:$0x1] =	stream.linear.gather [hbm4b:s16+s3], $0x1F40, $0x38;
	[tilespmem:$0x10E80] =	vst v63  }
0x7f: {  	_ = 	snop  }
0x80: {  	[tilespmem:s28], [sflag:$0x1] =	stream.linear.gather [hbm4b:s17+s3], $0x1F40, $0x38;
	[tilespmem:$0x10E80] =	vst v63  }
0x81: {  	_ =	swait.ge [sflag:s29], $0x1F40  }
0x82: {  	[sflag:s29] =	ssyncset.done $0x0  }
0x83: {  	[sflag:s29] =	ssyncadd.s32 $0xFFFFE0C0  }
0x84: {  	_ =	swait.ge [sflag:s29], $0x1F40  }
0x85: {  	[sflag:s29] =	ssyncset.done $0x0  }
0x86: {  	[sflag:s29] =	ssyncadd.s32 $0xFFFFE0C0  }
0x87: {  	_ =	swait.ge [sflag:s29], $0x1F40  }
0x88: {  	[sflag:s29] =	ssyncset.done $0x0  }
0x89: {  	[sflag:s29] =	ssyncadd.s32 $0xFFFFE0C0  }
0x8a: {  	[bflag:$0x0] =	sbarrier.arrive $0xFFFF  }
0x8b: {  	[tilespmem:s24], [sflag:$0x3] =	stream.linear.gather [spmem:s8], $0x1900, $0x38;
	[tilespmem:$0x10E80] =	vst v63  }
0x8c: {  	s6 =	sadd.s32 $0x1, s6;
	_ =	swait.ge [sflag:s25], $0x1900  }
0x8d: {  	p0 =	sne.s32 s6, s18;
	[sflag:s25] =	ssyncset.done $0x0  }
.Ltmp1:
0x8e: {  	[sflag:s25] =	ssyncadd.s32 $0xFFFFE700;
	(pc) =	sbr.rel @p0 .LBB2_1-.Ltmp1, $4  }
0x8f: {  	[hbm4b:s19+s3] =	stream.linear.scatter [tilespmem:s24], [sflag:$0x3], $0x1900, $0x38;
	[tilespmem:$0x10E80] =	vst v63  }
0x90: {  	_ =	swait.ge [sflag:s25], $0x1900  }
0x91: {  	[sflag:s25] =	ssyncset.done $0x0  }
0x92: {  	[sflag:s25] =	ssyncadd.s32 $0xFFFFE700  }
0x93: {  	_ =	sfence.sel $0x180000  }
0x94: {  	[bflag:$0x0] =	sbarrier.arrive $0xFFFF  }
0x95: {  	_ =	strace $0x9000004D  }
0x96: {  	s0 =	stileid.u32;
	[bflag:$0x2] =	sbarrier.arrive $0xFFFF  }
0x97: {  	p0 =	sne.s32 s0, $0x0;
	s0 =	rddreg [dreg:$0x4]  }
0x98: {  	s0 =	sadd.s32 @!p0 $0x100000, s0  }
0x99: {  	[sflag:s0] =	ssyncadd.tile.s32 @!p0 $0x1;
	_ =	shalt  }
.Lfunc_end2:
_tile_overlayer_lowered:
.L_overlay_start_2:
0x9a: {  	(tag) =	ssettag $0x2  }
0x9b: {  	s0 =	rddreg [dreg:$0x0];
	s2 =	stileid.u32  }
0x9c: {  	s1 =	rddreg [dreg:$0x1];
	p0 =	sne.s32 s2, $0x0  }
0x9d: {  	s3 =	rddreg [dreg:$0x2];
	[bflag:$0x3] =	sbarrier.arrive $0xFFFF;
	s2 =	simm.s32 @!p0 $0x1C03  }
0x9e: {  	[timem:s3], [sflag:s2] =	dma.local @!p0 [hbm:s0], s1  }
0x9f: {  	s0 =	simm.s32 @!p0 $0x3  }
0xa0: {  	_ =	swait.ge @!p0 [sflag:s0], s1  }
0xa1: {  	s1 =	ssub.s32 @!p0 $0x0, s1;
	[sflag:s0] =	ssyncset.done @!p0 $0x0  }
0xa2: {  	[sflag:s0] =	ssyncadd.s32 @!p0 s1  }
0xa3: {  	[bflag:$0x3] =	sbarrier.arrive $0xFFFF  }
0xa4: {  	_ =	shalt  }

// kernel: kernel.9.cloned.1.call-start
scs
__scs_entry_jumppad:
0x0: {  	(pc) =	sbr.rel $0x88, $3  }
0x1: {  	(tag) =	ssettag $0x0;
	lr =	simm.s32 $0x1  }
0x2: {  	[smem:$0x3F90] =	sst lr;
	_ =	strace $0xD0000000  }
0x3: {  	_ = 	snop  }
0x4: {  	_ = 	snop  }
0x5: {  	_ = 	snop  }
0x6: {  	_ = 	snop  }
0x7: {  	_ = 	snop  }
__scs_overlays_trampoline_lowered:
0x8: {  	[smem:$0x3F9F] =	sst s0  }
0x9: {  	[smem:$0x3FA0] =	sst s1  }
0xa: {  	[smem:$0x3FA1] =	sst s2  }
0xb: {  	[smem:$0x3FA2] =	sst s3  }
0xc: {  	[smem:$0x3FA3] =	sst s4  }
0xd: {  	[smem:$0x3FA4] =	sst s5  }
0xe: {  	[smem:$0x3FA5] =	sst s6  }
0xf: {  	[smem:$0x3FA6] =	sst s7  }
0x10: {  	[smem:$0x3FA7] =	sst s8  }
0x11: {  	[smem:$0x3FA8] =	sst s9;
	s0 =	simm.s32 @!p0 $0x0  }
0x12: {  	s1 =	sld [smem:$0x3F8E];
	s0 =	simm.s32 @p0 $0x1  }
0x13: {  	[smem:$0x3FA9] =	sst s0;
	s0 =	simm.s32 @!p1 $0x0  }
0x14: {  	s2 =	sld [smem:$0x3F8D];
	s0 =	simm.s32 @p1 $0x1  }
0x15: {  	[smem:$0x3FAA] =	sst s0;
	s0 =	simm.s32 @!p2 $0x0  }
0x16: {  	s3 =	sld [smem:$0x3FDB];
	s0 =	simm.s32 @p2 $0x1  }
0x17: {  	s4 =	simm.s32 $0x1BF5;
	[smem:$0x3FAC] =	sst s0  }
0x18: {  	s0 =	sld [smem:$0x3F8F];
	_ =	swait.ge [sflag:s4], $0x0  }
0x19: {  	s7 =	sld [smem:$0x3F90]  }
0x1a: {  	s8 =	sadd.s32 $0xFFFFE003, lr  }
0x1b: {  	s9 =	sadd.s32 $0xFFFFFEF7, lr;
	s5 =	simm.s32 $0xFFFFFFFF;
	p2 =	slt.u32 s8, $0xFFFFF086  }
0x1c: {  	p1 =	slt.u32 s9, $0xF7A;
	s5 =	simm.s32 @!p2 $0x0  }
0x1d: {  	s5 =	simm.s32 @p1 $0x1;
	p0 =	seq.s32 s7, s2  }
0x1e: {  	s7 =	smul.u32 @!p0 $0xF7A, s2;
	p2 =	seq.s32 @!p0 s5, $0x0  }
0x1f: {  	s9 =	smul.u32 $0xF7A, s1;
	s8 =	simm.s32 @!p0 $0x1BF5;
	p2 =	por !p2, p0  }
0x20: {  	[sflag:s8] =	ssyncset.s32 @!p0 $0xFFFFF086;
	s6 =	sadd.s32 @!p0 s3, s7;
	s7 =	simm.s32 @!p0 $0x108  }
0x21: {  	s3 =	sadd.s32 s3, s9;
	s6 =	sadd.s32 @!p0 $0x88, s6;
	s7 =	simm.s32 @p2 $0x1082  }
0x22: {  	[simem:s7], [sflag:s8] =	dma.local @!p0 [hbm:s6], $0xF7A  }
0x23: {  	s9 =	sor.u32 $0xD0000000, s2;
	s6 =	simm.s32 $0x108;
	_ =	swait.ge @!p0 [sflag:s8], $0x0  }
0x24: {  	s3 =	sadd.s32 $0x88, s3;
	s6 =	simm.s32 @!p1 $0x1082;
	[sflag:s4] =	ssyncset.s32 $0xFFFFF086  }
0x25: {  	[simem:s6], [sflag:s4] =	dma.local [hbm:s3], $0xF7A  }
0x26: {  	[smem:$0x3F90] =	sst s1;
	(tag) =	ssettag s2;
	_ =	strace s9  }
0x27: {  	s1 =	sld [smem:$0x3FA0]  }
0x28: {  	s2 =	sld [smem:$0x3FA1]  }
0x29: {  	s4 =	sld [smem:$0x3FA3]  }
0x2a: {  	p0 =	seq.s32 s5, $0x0;
	s5 =	sld [smem:$0x3FA4]  }
0x2b: {  	s6 =	sld [smem:$0x3FA5]  }
0x2c: {  	s7 =	sld [smem:$0x3FA6]  }
0x2d: {  	s3 =	simm.s32 $0x108;
	s8 =	sld [smem:$0x3FA7]  }
0x2e: {  	s3 =	simm.s32 @!p0 $0x1082;
	s9 =	sld [smem:$0x3FA8]  }
0x2f: {  	lr =	sadd.s32 s0, s3;
	s0 =	sld [smem:$0x3F9F]  }
0x30: {  	s3 =	sld [smem:$0x3FA2]  }
0x31: {  	[smem:$0x3FAB] =	sst s10  }
0x32: {  	s10 =	sld [smem:$0x3FA9];
	_ =	sdelay $0x3  }
0x33: {  	p0 =	seq.s32 s10, $0x1;
	s10 =	sld [smem:$0x3FAB];
	_ =	sdelay $0x3  }
0x34: {  	[smem:$0x3FAB] =	sst s10  }
0x35: {  	s10 =	sld [smem:$0x3FAA];
	_ =	sdelay $0x3  }
0x36: {  	p1 =	seq.s32 s10, $0x1;
	s10 =	sld [smem:$0x3FAB];
	_ =	sdelay $0x3  }
0x37: {  	[smem:$0x3FAB] =	sst s10  }
0x38: {  	s10 =	sld [smem:$0x3FAC]  }
0x39: {  	_ = 	snop;
	(pc) =	sbr.ind lr, $3  }
0x3a: {  	_ = 	snop  }
0x3b: {  	_ = 	snop  }
0x3c: {  	p2 =	seq.s32 s10, $0x1;
	s10 =	sld [smem:$0x3FAB]  }
0x3d: {  	_ =	shalt  }
0x3e: {  	_ =	shalt  }
0x3f: {  	_ =	shalt  }
0x40: {  	_ =	shalt  }
0x41: {  	_ =	shalt  }
0x42: {  	_ =	shalt  }
0x43: {  	_ =	shalt  }
0x44: {  	_ =	shalt  }
0x45: {  	_ =	shalt  }
0x46: {  	_ =	shalt  }
0x47: {  	_ =	shalt  }
0x48: {  	_ =	shalt  }
0x49: {  	_ =	shalt  }
0x4a: {  	_ =	shalt  }
0x4b: {  	_ =	shalt  }
0x4c: {  	_ =	shalt  }
0x4d: {  	_ =	shalt  }
0x4e: {  	_ =	shalt  }
0x4f: {  	_ =	shalt  }
0x50: {  	_ =	shalt  }
0x51: {  	_ =	shalt  }
0x52: {  	_ =	shalt  }
0x53: {  	_ =	shalt  }
0x54: {  	_ =	shalt  }
0x55: {  	_ =	shalt  }
0x56: {  	_ =	shalt  }
0x57: {  	_ =	shalt  }
0x58: {  	_ =	shalt  }
0x59: {  	_ =	shalt  }
0x5a: {  	_ =	shalt  }
0x5b: {  	_ =	shalt  }
0x5c: {  	_ =	shalt  }
0x5d: {  	_ =	shalt  }
0x5e: {  	_ =	shalt  }
0x5f: {  	_ =	shalt  }
0x60: {  	_ =	shalt  }
0x61: {  	_ =	shalt  }
0x62: {  	_ =	shalt  }
0x63: {  	_ =	shalt  }
0x64: {  	_ =	shalt  }
0x65: {  	_ =	shalt  }
0x66: {  	_ =	shalt  }
0x67: {  	_ =	shalt  }
0x68: {  	_ =	shalt  }
0x69: {  	_ =	shalt  }
0x6a: {  	_ =	shalt  }
0x6b: {  	_ =	shalt  }
0x6c: {  	_ =	shalt  }
0x6d: {  	_ =	shalt  }
0x6e: {  	_ =	shalt  }
0x6f: {  	_ =	shalt  }
0x70: {  	_ =	shalt  }
0x71: {  	_ =	shalt  }
0x72: {  	_ =	shalt  }
0x73: {  	_ =	shalt  }
0x74: {  	_ =	shalt  }
0x75: {  	_ =	shalt  }
0x76: {  	_ =	shalt  }
0x77: {  	_ =	shalt  }
0x78: {  	_ =	shalt  }
0x79: {  	_ =	shalt  }
0x7a: {  	_ =	shalt  }
0x7b: {  	_ =	shalt  }
0x7c: {  	_ =	shalt  }
0x7d: {  	_ =	shalt  }
0x7e: {  	_ =	shalt  }
0x7f: {  	_ =	shalt  }
0x80: {  	_ =	shalt  }
0x81: {  	_ =	shalt  }
0x82: {  	_ =	shalt  }
0x83: {  	_ =	shalt  }
0x84: {  	_ =	shalt  }
0x85: {  	_ =	shalt  }
0x86: {  	_ =	shalt  }
0x87: {  	_ =	shalt  }
.Lfunc_end0:
.L_simem_size_0:
called_computation_lowered:
.L_overlay_start_0:
0x88: {  	s2 =	sld [smem:$0x3FD9]  }
0x89: {  	s3 =	sld [smem:$0x3FFE];
	_ =	sdelay $0x1  }
0x8a: {  	s1 =	srdreg.scid  }
0x8b: {  	s0 =	sand.u32 $0x1, s1  }
0x8c: {  	s17 =	sshll.u32 s0, $0xA;
	s2 =	sadd.s32 s3, s2  }
0x8d: {  	s2 =	sadd.s32 s2, s17  }
0x8e: {  	[smem:$0x3FB7] =	sst s2  }
0x8f: {  	_ = 	snop  }
0x90: {  	s2 =	sld [smem:$0x3FC7];
	(tm) =	ssettm $0x1  }
0x91: {  	s18 =	sld [smem:$0x3FFB];
	_ =	sdelay $0x3  }
0x92: {  	_ =	strace s18  }
0x93: {  	s3 =	sld [smem:$0x3FFC];
	_ =	sdelay $0x3  }
0x94: {  	_ =	strace s3  }
0x95: {  	s3 =	sld [smem:$0x3FFD];
	_ =	sdelay $0x3  }
0x96: {  	_ =	strace s3  }
0x97: {  	_ =	strace $0x8FFFFFFF  }
0x98: {  	s19 =	sld [smem:$0x3FDB];
	_ =	sdelay $0x1  }
0x99: {  	s4 =	simm.s32 $_scs_section_size  }
0x9a: {  	s5 =	simm.s32 $_size__tile_overlayer_lowered;
	s6 =	simm.s32 $_tile_overlayer_lowered  }
0x9b: {  	s22 =	simm.s32 $0x1BFF;
	s21 =	sshll.u32 s6, $0x1;
	s3 =	sadd.s32 s4, s19  }
0x9c: {  	s7 =	simm.s32 $0x0;
	s20 =	sshll.u32 s5, $0x1;
	s5 =	sadd.s32 s21, s3  }
0x9d: {  	[timem:s7], [sflag:s22] =	dma.local [hbm:s5], s20  }
0x9e: {  	_ =	swait.ge [sflag:s22], s20  }
0x9f: {  	s4 =	ssub.s32 $0x0, s20;
	[sflag:s22] =	ssyncset.done $0x0  }
0xa0: {  	[sflag:s22] =	ssyncadd.s32 s4;
	_ =	sdelay $0x1  }
0xa1: {  	s23 =	simm.s32 $0x1B8B  }
0xa2: {  	_ =	swait.ge [sflag:s23], $0x1  }
0xa3: {  	[sflag:s23] =	ssyncset.done $0x0  }
0xa4: {  	s25 =	simm.s32 $0x1B8E;
	s24 =	sld [smem:$0x3FFE];
	[sflag:s23] =	ssyncadd.s32 $0xFFFFFFFF  }
0xa5: {  	s26 =	simm.s32 $execute0_lowered;
	[smem:$0x3FD2] =	sst s25  }
0xa6: {  	s5 =	sshll.u32 s26, $0x1;
	_ =	strace $0x80000046;
	[dreg:$0x1] =	wrdreg $0xFFFFFFFF  }
0xa7: {  	s28 =	simm.s32 $_size_execute0_lowered;
	s3 =	sadd.s32 s3, s5;
	[dreg:$0x0] =	wrdreg $0x0  }
0xa8: {  	s5 =	sshll.u32 s28, $0x1;
	[dreg:$0x2] =	wrdreg s3  }
0xa9: {  	[dreg:$0x3] =	wrdreg s5  }
0xaa: {  	[dreg:$0x4] =	wrdreg $0xC0  }
0xab: {  	_ =	task [dreg:s7], $0x5FFFF  }
0xac: {  	[dreg:$0x1] =	wrdreg $0xFFFFFFFF  }
0xad: {  	[dreg:$0x0] =	wrdreg $0x60  }
0xae: {  	[dreg:$0x2] =	wrdreg s24  }
0xaf: {  	[dreg:$0x3] =	wrdreg s2  }
0xb0: {  	[dreg:$0x4] =	wrdreg $0xF5800  }
0xb1: {  	[dreg:$0x5] =	wrdreg $0xDC800  }
0xb2: {  	[dreg:$0x6] =	wrdreg $0x9  }
0xb3: {  	_ =	task.clear_ibuf [dreg:s7], $0x7FFFF;
	_ =	strace $0x90000046  }
0xb4: {  	s29 =	simm.s32 $0x9;
	_ =	strace $0x80000048  }
0xb5: {  	_ =	swait.ge [sflag:s29], $0x1  }
0xb6: {  	[sflag:s29] =	ssyncadd.s32 $0xFFFFFFFF  }
0xb7: {  	_ =	strace $0x90000048  }
0xb8: {  	_ =	sfence  }
0xb9: {  	s30 =	sld [smem:$0x0];
	_ =	sdelay $0x2  }
0xba: {  	s31 =	sshll.u32 s1, $0xD;
	s1 =	sshrl.u32 s1, $0x2  }
0xbb: {  	s3 =	sand.u32 $0x4000, s31;
	s1 =	sadd.s32 s1, s30  }
0xbc: {  	s0 =	sor.u32 s3, s0;
	s1 =	sshll.u32 s1, $0x11  }
0xbd: {  	s0 =	sor.u32 s1, s0  }
0xbe: {  	s0 =	sadd.s32 $0x8F2B, s0  }
0xbf: {  	[sflag:s0] =	ssyncadd.remote.s32 $0x1  }
0xc0: {  	_ =	sfence.sel $0xFFFF  }
0xc1: {  	[dreg:$0x0] =	wrdreg $0xFFFFFFFF;
	(pc) =	sbr.abs _section_cstart, $3  }
0xc2: {  	[dreg:$0x1] =	wrdreg $0xFFFFFFFF  }
0xc3: {  	_ =	task.clear_ibuf [dreg:s7], $0x2FFFF;
	_ =	strace $0x9FFFFFFF  }
0xc4: {  	(tm) =	ssettm $0x7FFFFFFF  }
0xc5: {  	_ =	shalt  }
tec
execute0_lowered:
.L_overlay_start_1:
0x0: {  	(tag) =	ssettag $0x1  }
0x1: {  	s0 =	rddreg [dreg:$0x0]  }
0x2: {  	s1 =	rddreg [dreg:$0x1]  }
0x3: {  	s2 =	rddreg [dreg:$0x2]  }
0x4: {  	s6 =	rddreg [dreg:$0x3];
	s3 =	simm.s32 $0x0;
	s13 =	stileid.u32  }
0x5: {  	s4 =	srdreg.scid;
	s28 =	simm.s32 $0x3F00;
	s29 =	simm.s32 $0x1  }
0x6: {  	s30 =	simm.s32 $0x1F80;
	s31 =	simm.s32 $0x9D80;
	[smem:$0x7FF] =	sst s3  }
0x7: {  	s7 =	smul.u32 $0x1900, s13;
	s9 =	sand.u32 $0x1, s4;
	s25 =	sshll.u32 s13, $0x1  }
0x8: {  	s23 =	smul.u32 $0x61A80, s13;
	_ =	strace $0x80000047;
	s8 =	ssub.s32 $0x2, s9  }
0x9: {  	s4 =	sor.u32 s9, s25;
	p0 =	seq.s32 s9, $0x1;
	s5 =	sshrl.u32 s7, $0x3  }
0xa: {  	s11 =	sshrl.u32 s8, $0x1;
	s12 =	smul.u32 $0x30D40, s4;
	s4 =	sadd.s32 $0xC7600, s0  }
0xb: {  	s2 =	sadd.s32 s7, s2;
	s10 =	sadd.s32 s5, s0;
	s5 =	sadd.s32 $0x4000, s0  }
0xc: {  	s26 =	ssub.s32 s8, s11;
	[dreg:$0x6] =	wrdreg s2;
	s8 =	sadd.s32 s7, s6  }
0xd: {  	s6 =	simm.s32 $0x191000;
	s17 =	sadd.s32 $0x18AC00, s10;
	s18 =	sshrl.u32 s12, $0x3  }
0xe: {  	s0 =	simm.s32 $0x5E80;
	[dreg:$0x5] =	wrdreg s17;
	s19 =	sadd.s32 s4, s18  }
0xf: {  	s6 =	simm.s32 @!p0 $0x18DE00;
	s20 =	sadd.s32 s1, s18;
	[dreg:$0x7] =	wrdreg s19  }
0x10: {  	s21 =	sadd.s32 s5, s18;
	s22 =	sadd.s32 $0x3E8, s18;
	[dreg:$0x8] =	wrdreg s20  }
0x11: {  	s2 =	sadd.s32 $0x5DC0, s18;
	s18 =	smul.u32 $0x30D40, s9;
	[dreg:$0x9] =	wrdreg s21  }
0x12: {  	s24 =	sadd.s32 s4, s22;
	s13 =	sadd.s32 s1, s22;
	s14 =	sadd.s32 s5, s22  }
0x13: {  	s15 =	sadd.s32 s4, s2;
	s16 =	sadd.s32 s1, s2;
	s17 =	sadd.s32 s5, s2  }
0x14: {  	s19 =	sadd.s32 s6, s10;
	s2 =	simm.s32 $0x2;
	s25 =	sadd.s32 s18, s23  }
0x15: {  	s6 =	simm.s32 $0x0;
	[dreg:$0xa] =	wrdreg s24;
	s7 =	sadd.s32 $0x5DC0, s25  }
0x16: {  	s18 =	smax.u32 s26, $0x1;
	s24 =	simm.s32 $0xBD00;
	s26 =	sshrl.u32 s7, $0x3  }
0x17: {  	s23 =	sadd.s32 $0x3E80, s25;
	s25 =	simm.s32 $0x3;
	s20 =	sadd.s32 s26, s5  }
0x18: {  	s21 =	sadd.s32 s26, s1;
	s22 =	sadd.s32 s26, s4;
	s26 =	simm.s32 $0x7E00  }
.LBB2_1:
0x19: {  	s7 =	rddreg [dreg:$0x5]  }
0x1a: {  	[tilespmem:s24], [sflag:$0x3] =	stream.linear.gather [hbm4b:s7+s3], $0x1900, $0x38;
	[tilespmem:$0x10E80] =	vst v63  }
0x1b: {  	_ =	swait.ge [sflag:s25], $0x1900  }
0x1c: {  	[sflag:s25] =	ssyncset.done $0x0  }
0x1d: {  	s11 =	rddreg [dreg:$0x6];
	[sflag:s25] =	ssyncadd.s32 $0xFFFFE700  }
0x1e: {  	[spmem:s11] =	stream.linear.scatter [tilespmem:s24], [sflag:$0x3], $0x1900, $0x38;
	[tilespmem:$0x10E80] =	vst v63  }
0x1f: {  	_ =	swait.ge [sflag:s25], $0x1900  }
0x20: {  	[sflag:s25] =	ssyncset.done $0x0  }
0x21: {  	[sflag:s25] =	ssyncadd.s32 $0xFFFFE700  }
0x22: {  	[spmem:s8] =	stream.linear.scatter [tilespmem:s24], [sflag:$0x3], $0x1900, $0x38;
	[tilespmem:$0x10E80] =	vst v63  }
0x23: {  	_ =	swait.ge [sflag:s25], $0x1900  }
0x24: {  	[sflag:s25] =	ssyncset.done $0x0  }
0x25: {  	[sflag:s25] =	ssyncadd.s32 $0xFFFFE700  }
0x26: {  	[bflag:$0x0] =	sbarrier.arrive $0xFFFF  }
0x27: {  	s12 =	rddreg [dreg:$0x7]  }
0x28: {  	[tilespmem:s3], [sflag:$0x1] =	stream.linear.gather [hbm4b:s12+s3], $0x1F40, $0x38;
	[tilespmem:$0x10E80] =	vst v63  }
0x29: {  	s9 =	rddreg [dreg:$0x8]  }
0x2a: {  	[tilespmem:s26], [sflag:$0x1] =	stream.linear.gather [hbm4b:s9+s3], $0x1F40, $0x38;
	[tilespmem:$0x10E80] =	vst v63  }
0x2b: {  	s10 =	rddreg [dreg:$0x9]  }
0x2c: {  	[tilespmem:s28], [sflag:$0x1] =	stream.linear.gather [hbm4b:s10+s3], $0x1F40, $0x38;
	[tilespmem:$0x10E80] =	vst v63  }
0x2d: {  	_ =	swait.ge [sflag:s29], $0x1F40  }
0x2e: {  	[sflag:s29] =	ssyncset.done $0x0  }
0x2f: {  	[sflag:s29] =	ssyncadd.s32 $0xFFFFE0C0  }
0x30: {  	_ =	swait.ge [sflag:s29], $0x1F40  }
0x31: {  	[sflag:s29] =	ssyncset.done $0x0  }
0x32: {  	[sflag:s29] =	ssyncadd.s32 $0xFFFFE0C0  }
0x33: {  	_ =	swait.ge [sflag:s29], $0x1F40  }
0x34: {  	[sflag:s29] =	ssyncset.done $0x0  }
0x35: {  	s11 =	rddreg [dreg:$0xa];
	[sflag:s29] =	ssyncadd.s32 $0xFFFFE0C0  }
0x36: {  	[tilespmem:s30], [sflag:$0x2] =	stream.linear.gather [hbm4b:s11+s3], $0x1F40, $0x38;
	[tilespmem:$0x10E80] =	vst v63  }
0x37: {  	_ = 	snop  }
0x38: {  	[tilespmem:s31], [sflag:$0x2] =	stream.linear.gather [hbm4b:s13+s3], $0x1F40, $0x38;
	[tilespmem:$0x10E80] =	vst v63  }
0x39: {  	_ = 	snop  }
0x3a: {  	[tilespmem:s0], [sflag:$0x2] =	stream.linear.gather [hbm4b:s14+s3], $0x1F40, $0x38;
	[tilespmem:$0x10E80] =	vst v63  }
0x3b: {  	_ =	swait.ge [sflag:s2], $0x1F40  }
0x3c: {  	[sflag:s2] =	ssyncset.done $0x0  }
0x3d: {  	[sflag:s2] =	ssyncadd.s32 $0xFFFFE0C0  }
0x3e: {  	_ =	swait.ge [sflag:s2], $0x1F40  }
0x3f: {  	[sflag:s2] =	ssyncset.done $0x0  }
0x40: {  	[sflag:s2] =	ssyncadd.s32 $0xFFFFE0C0  }
0x41: {  	_ =	swait.ge [sflag:s2], $0x1F40  }
0x42: {  	s12 =	sshrl.u32 s23, $0x3;
	[sflag:s2] =	ssyncset.done $0x0  }
0x43: {  	s9 =	sadd.s32 s4, s12;
	[sflag:s2] =	ssyncadd.s32 $0xFFFFE0C0  }
0x44: {  	[tilespmem:s3], [sflag:$0x1] =	stream.linear.gather [hbm4b:s9+s3], $0x1F40, $0x38;
	[tilespmem:$0x10E80] =	vst v63  }
0x45: {  	s10 =	sadd.s32 s1, s12  }
0x46: {  	[tilespmem:s26], [sflag:$0x1] =	stream.linear.gather [hbm4b:s10+s3], $0x1F40, $0x38;
	[tilespmem:$0x10E80] =	vst v63  }
0x47: {  	s7 =	sadd.s32 s5, s12  }
0x48: {  	[tilespmem:s28], [sflag:$0x1] =	stream.linear.gather [hbm4b:s7+s3], $0x1F40, $0x38;
	[tilespmem:$0x10E80] =	vst v63  }
0x49: {  	_ =	swait.ge [sflag:s29], $0x1F40  }
0x4a: {  	[sflag:s29] =	ssyncset.done $0x0  }
0x4b: {  	[sflag:s29] =	ssyncadd.s32 $0xFFFFE0C0  }
0x4c: {  	_ =	swait.ge [sflag:s29], $0x1F40  }
0x4d: {  	[sflag:s29] =	ssyncset.done $0x0  }
0x4e: {  	[sflag:s29] =	ssyncadd.s32 $0xFFFFE0C0  }
0x4f: {  	_ =	swait.ge [sflag:s29], $0x1F40  }
0x50: {  	[sflag:s29] =	ssyncset.done $0x0  }
0x51: {  	s12 =	sadd.s32 $0x0, s21;
	s11 =	sadd.s32 $0x0, s22;
	[sflag:s29] =	ssyncadd.s32 $0xFFFFE0C0  }
0x52: {  	[tilespmem:s30], [sflag:$0x2] =	stream.linear.gather [hbm4b:s11+s3], $0x1F40, $0x38;
	[tilespmem:$0x10E80] =	vst v63  }
0x53: {  	s9 =	sadd.s32 $0x3E80, s23;
	s10 =	sadd.s32 $0x0, s20;
	s7 =	simm.s32 $0x7D0  }
0x54: {  	[tilespmem:s31], [sflag:$0x2] =	stream.linear.gather [hbm4b:s12+s3], $0x1F40, $0x38;
	[tilespmem:$0x10E80] =	vst v63  }
.LBB2_2:
0x55: {  	[tilespmem:s0], [sflag:$0x2] =	stream.linear.gather [hbm4b:s10+s3], $0x1F40, $0x38;
	[tilespmem:$0x10E80] =	vst v63  }
0x56: {  	s10 =	smov.u32 s7  }
0x57: {  	p0 =	sne.s32 s7, $0x4E20;
	s7 =	sadd.s32 $0x7D0, s7;
	_ =	swait.ge [sflag:s2], $0x1F40  }
0x58: {  	[sflag:s2] =	ssyncset.done $0x0  }
0x59: {  	[sflag:s2] =	ssyncadd.s32 $0xFFFFE0C0  }
0x5a: {  	_ =	swait.ge [sflag:s2], $0x1F40  }
0x5b: {  	[sflag:s2] =	ssyncset.done $0x0  }
0x5c: {  	[sflag:s2] =	ssyncadd.s32 $0xFFFFE0C0  }
0x5d: {  	_ =	swait.ge [sflag:s2], $0x1F40  }
0x5e: {  	s11 =	sshrl.u32 s9, $0x3;
	[sflag:s2] =	ssyncset.done $0x0  }
0x5f: {  	s12 =	sadd.s32 s4, s11;
	[sflag:s2] =	ssyncadd.s32 $0xFFFFE0C0  }
0x60: {  	[tilespmem:s3], [sflag:$0x1] =	stream.linear.gather [hbm4b:s12+s3], $0x1F40, $0x38;
	[tilespmem:$0x10E80] =	vst v63  }
0x61: {  	s12 =	sadd.s32 s1, s11  }
0x62: {  	[tilespmem:s26], [sflag:$0x1] =	stream.linear.gather [hbm4b:s12+s3], $0x1F40, $0x38;
	[tilespmem:$0x10E80] =	vst v63  }
0x63: {  	s11 =	sadd.s32 s5, s11  }
0x64: {  	[tilespmem:s28], [sflag:$0x1] =	stream.linear.gather [hbm4b:s11+s3], $0x1F40, $0x38;
	[tilespmem:$0x10E80] =	vst v63  }
0x65: {  	_ =	swait.ge [sflag:s29], $0x1F40  }
0x66: {  	[sflag:s29] =	ssyncset.done $0x0  }
0x67: {  	[sflag:s29] =	ssyncadd.s32 $0xFFFFE0C0  }
0x68: {  	_ =	swait.ge [sflag:s29], $0x1F40  }
0x69: {  	[sflag:s29] =	ssyncset.done $0x0  }
0x6a: {  	[sflag:s29] =	ssyncadd.s32 $0xFFFFE0C0  }
0x6b: {  	_ =	swait.ge [sflag:s29], $0x1F40  }
0x6c: {  	[sflag:s29] =	ssyncset.done $0x0  }
.Ltmp0:
0x6d: {  	s11 =	sadd.s32 s10, s22;
	[sflag:s29] =	ssyncadd.s32 $0xFFFFE0C0;
	(pc) =	sbr.rel @p0 .LBB2_2-.Ltmp0, $4  }
0x6e: {  	[tilespmem:s30], [sflag:$0x2] =	stream.linear.gather [hbm4b:s11+s3], $0x1F40, $0x38;
	[tilespmem:$0x10E80] =	vst v63  }
0x6f: {  	s11 =	sadd.s32 s10, s21  }
0x70: {  	[tilespmem:s31], [sflag:$0x2] =	stream.linear.gather [hbm4b:s11+s3], $0x1F40, $0x38;
	[tilespmem:$0x10E80] =	vst v63  }
0x71: {  	s9 =	sadd.s32 $0x3E80, s9;
	s10 =	sadd.s32 s10, s20  }
0x72: {  	[tilespmem:s0], [sflag:$0x2] =	stream.linear.gather [hbm4b:s10+s3], $0x1F40, $0x38;
	[tilespmem:$0x10E80] =	vst v63  }
0x73: {  	_ =	swait.ge [sflag:s2], $0x1F40  }
0x74: {  	[sflag:s2] =	ssyncset.done $0x0  }
0x75: {  	[sflag:s2] =	ssyncadd.s32 $0xFFFFE0C0  }
0x76: {  	_ =	swait.ge [sflag:s2], $0x1F40  }
0x77: {  	[sflag:s2] =	ssyncset.done $0x0  }
0x78: {  	[sflag:s2] =	ssyncadd.s32 $0xFFFFE0C0  }
0x79: {  	_ =	swait.ge [sflag:s2], $0x1F40  }
0x7a: {  	[sflag:s2] =	ssyncset.done $0x0  }
0x7b: {  	[sflag:s2] =	ssyncadd.s32 $0xFFFFE0C0  }
0x7c: {  	[tilespmem:s3], [sflag:$0x1] =	stream.linear.gather [hbm4b:s15+s3], $0x1F40, $0x38;
	[tilespmem:$0x10E80] =	vst v63  }
0x7d: {  	_ = 	snop  }
0x7e: {  	[tilespmem:s26], [sflag:$0x1] =	stream.linear.gather [hbm4b:s16+s3], $0x1F40, $0x38;
	[tilespmem:$0x10E80] =	vst v63  }
0x7f: {  	_ = 	snop  }
0x80: {  	[tilespmem:s28], [sflag:$0x1] =	stream.linear.gather [hbm4b:s17+s3], $0x1F40, $0x38;
	[tilespmem:$0x10E80] =	vst v63  }
0x81: {  	_ =	swait.ge [sflag:s29], $0x1F40  }
0x82: {  	[sflag:s29] =	ssyncset.done $0x0  }
0x83: {  	[sflag:s29] =	ssyncadd.s32 $0xFFFFE0C0  }
0x84: {  	_ =	swait.ge [sflag:s29], $0x1F40  }
0x85: {  	[sflag:s29] =	ssyncset.done $0x0  }
0x86: {  	[sflag:s29] =	ssyncadd.s32 $0xFFFFE0C0  }
0x87: {  	_ =	swait.ge [sflag:s29], $0x1F40  }
0x88: {  	[sflag:s29] =	ssyncset.done $0x0  }
0x89: {  	[sflag:s29] =	ssyncadd.s32 $0xFFFFE0C0  }
0x8a: {  	[bflag:$0x0] =	sbarrier.arrive $0xFFFF  }
0x8b: {  	[tilespmem:s24], [sflag:$0x3] =	stream.linear.gather [spmem:s8], $0x1900, $0x38;
	[tilespmem:$0x10E80] =	vst v63  }
0x8c: {  	s6 =	sadd.s32 $0x1, s6;
	_ =	swait.ge [sflag:s25], $0x1900  }
0x8d: {  	p0 =	sne.s32 s6, s18;
	[sflag:s25] =	ssyncset.done $0x0  }
.Ltmp1:
0x8e: {  	[sflag:s25] =	ssyncadd.s32 $0xFFFFE700;
	(pc) =	sbr.rel @p0 .LBB2_1-.Ltmp1, $4  }
0x8f: {  	[hbm4b:s19+s3] =	stream.linear.scatter [tilespmem:s24], [sflag:$0x3], $0x1900, $0x38;
	[tilespmem:$0x10E80] =	vst v63  }
0x90: {  	_ =	swait.ge [sflag:s25], $0x1900  }
0x91: {  	[sflag:s25] =	ssyncset.done $0x0  }
0x92: {  	[sflag:s25] =	ssyncadd.s32 $0xFFFFE700  }
0x93: {  	_ =	sfence.sel $0x180000  }
0x94: {  	[bflag:$0x0] =	sbarrier.arrive $0xFFFF  }
0x95: {  	_ =	strace $0x90000047  }
0x96: {  	s0 =	stileid.u32;
	[bflag:$0x2] =	sbarrier.arrive $0xFFFF  }
0x97: {  	p0 =	sne.s32 s0, $0x0;
	s0 =	rddreg [dreg:$0x4]  }
0x98: {  	s0 =	sadd.s32 @!p0 $0x100000, s0  }
0x99: {  	[sflag:s0] =	ssyncadd.tile.s32 @!p0 $0x1;
	_ =	shalt  }
.Lfunc_end2:
_tile_overlayer_lowered:
.L_overlay_start_2:
0x9a: {  	(tag) =	ssettag $0x2  }
0x9b: {  	s0 =	rddreg [dreg:$0x0];
	s2 =	stileid.u32  }
0x9c: {  	s1 =	rddreg [dreg:$0x1];
	p0 =	sne.s32 s2, $0x0  }
0x9d: {  	s3 =	rddreg [dreg:$0x2];
	[bflag:$0x3] =	sbarrier.arrive $0xFFFF;
	s2 =	simm.s32 @!p0 $0x1C03  }
0x9e: {  	[timem:s3], [sflag:s2] =	dma.local @!p0 [hbm:s0], s1  }
0x9f: {  	s0 =	simm.s32 @!p0 $0x3  }
0xa0: {  	_ =	swait.ge @!p0 [sflag:s0], s1  }
0xa1: {  	s1 =	ssub.s32 @!p0 $0x0, s1;
	[sflag:s0] =	ssyncset.done @!p0 $0x0  }
0xa2: {  	[sflag:s0] =	ssyncadd.s32 @!p0 s1  }
0xa3: {  	[bflag:$0x3] =	sbarrier.arrive $0xFFFF  }
0xa4: {  	_ =	shalt  }

</sc_bundles>
